<compile_context>
chip_gen: v7x
topology: tpu7x:2x2x1
jax: 0.10.2.dev20260603
libtpu: 0.0.44.dev20260713+nightly
codegen_flags: <defaults>
</compile_context>

<pallas_src>
import jax
import jax.numpy as jnp
from jax import lax
from jax.experimental import pallas as pl
from jax.experimental.pallas import tpu as pltpu
from jax.experimental.pallas import tpu_sc as plsc

N = 10000
NP = 10240
HR = NP // 128
F = 128
E = 160000
NC = 2
NS = 16
EPT = E // NS
CH = 128
NCH = 79
PH = 40
EPAD = NCH * CH
ROWS_PT = NP // NS
DUMMY = NP - 1

DEC = 100000
NW = NC * NS
DPT = DEC // NW
DPTP = 3200
DCH = DPTP // 16

_MESH = plsc.VectorSubcoreMesh(core_axis_name="c", subcore_axis_name="s")
_SC_PARAMS = pltpu.CompilerParams(needs_layout_passes=False)


def _pad_tile_idx(idx, pad_value):
    t = idx.reshape(NS, EPT)
    t = jnp.pad(t, ((0, 0), (0, EPAD - EPT)), constant_values=pad_value)
    return t.reshape(NS, NCH, CH).astype(jnp.int32)


def _hist_body(srcl, dstl, zflat, out, sidx_v, didx_v, loc_s, loc_d, mrg_v,
               hs_sh, hd_sh):
    c = lax.axis_index("c")
    s = lax.axis_index("s")

    @pl.when(s == 0)
    def _():
        pltpu.sync_copy(zflat, hs_sh)
        pltpu.sync_copy(zflat, hd_sh)

    pltpu.sync_copy(zflat, loc_s)
    pltpu.sync_copy(zflat, loc_d)
    pltpu.sync_copy(srcl.at[c, s], sidx_v)
    pltpu.sync_copy(dstl.at[c, s], didx_v)
    iota = lax.iota(jnp.int32, 16)
    for k in range(HR // 16):
        mrg_v[pl.ds(k * 16, 16)] = iota + (k * 16)
    one16 = jnp.ones((16,), jnp.float32)
    plsc.subcore_barrier()

    def histloop(j, carry):
        si = sidx_v[j // 8, pl.ds((j % 8) * 16, 16)]
        plsc.addupdate_scatter(loc_s, [si >> 7, si & 127], one16)
        di = didx_v[j // 8, pl.ds((j % 8) * 16, 16)]
        plsc.addupdate_scatter(loc_d, [di >> 7, di & 127], one16)
        return carry

    lax.fori_loop(0, NCH * 8, histloop, 0)
    pltpu.sync_copy(loc_s, hs_sh.at[mrg_v], add=True)
    pltpu.sync_copy(loc_d, hd_sh.at[mrg_v], add=True)
    plsc.subcore_barrier()

    @pl.when(s < HR // 8)
    def _():
        pltpu.sync_copy(hs_sh.at[pl.ds(s * 8, 8)], out.at[c, 0, pl.ds(s * 8, 8)])
        pltpu.sync_copy(hd_sh.at[pl.ds(s * 8, 8)], out.at[c, 1, pl.ds(s * 8, 8)])


_hist_call = pl.kernel(
    _hist_body,
    out_type=jax.ShapeDtypeStruct((2, 2, HR, 128), jnp.float32),
    compiler_params=_SC_PARAMS,
    mesh=_MESH,
    scratch_types=[
        pltpu.VMEM((NCH, CH), jnp.int32),
        pltpu.VMEM((NCH, CH), jnp.int32),
        pltpu.VMEM((HR, 128), jnp.float32),
        pltpu.VMEM((HR, 128), jnp.float32),
        pltpu.VMEM((HR,), jnp.int32),
        pltpu.VMEM_SHARED((HR, 128), jnp.float32),
        pltpu.VMEM_SHARED((HR, 128), jnp.float32),
    ],
)


def _prop_body(featflat, srcg, dstl, z128_hbm, out, sidx_v, didx_v, rows_a,
               rows_b, acc_sh, sem_a, sem_b):
    c = lax.axis_index("c")
    s = lax.axis_index("s")
    base = s * ROWS_PT
    pltpu.sync_copy(z128_hbm, acc_sh.at[pl.ds(base, ROWS_PT)])
    plsc.subcore_barrier()

    def gather(j, buf, sem):
        pltpu.async_copy(featflat.at[c].at[sidx_v.at[j]], buf, sem)

    def wait(j, buf, sem):
        pltpu.make_async_copy(featflat.at[c].at[sidx_v.at[j]], buf, sem).wait()

    def scatter(j, buf):
        pltpu.sync_copy(buf, acc_sh.at[didx_v.at[j]], add=True)

    for ph_base, nk in ((0, PH), (PH, NCH - PH)):
        pltpu.sync_copy(srcg.at[c, s, pl.ds(ph_base, nk)], sidx_v.at[pl.ds(0, nk)])
        pltpu.sync_copy(dstl.at[c, s, pl.ds(ph_base, nk)], didx_v.at[pl.ds(0, nk)])
        gather(0, rows_a, sem_a)

        def pair(i, carry):
            j0 = 2 * i

            @pl.when(j0 + 1 < nk)
            def _pf_b():
                gather(j0 + 1, rows_b, sem_b)

            wait(j0, rows_a, sem_a)
            scatter(j0, rows_a)

            @pl.when(j0 + 1 < nk)
            def _do_b():
                @pl.when(j0 + 2 < nk)
                def _pf_a():
                    gather(j0 + 2, rows_a, sem_a)

                wait(j0 + 1, rows_b, sem_b)
                scatter(j0 + 1, rows_b)

            return carry

        lax.fori_loop(0, (nk + 1) // 2, pair, 0)
    plsc.subcore_barrier()
    pltpu.sync_copy(acc_sh.at[pl.ds(base, ROWS_PT)], out.at[c, pl.ds(base, ROWS_PT)])


_prop_call = pl.kernel(
    _prop_body,
    out_type=jax.ShapeDtypeStruct((2, NP, F), jnp.float32),
    compiler_params=_SC_PARAMS,
    mesh=_MESH,
    scratch_types=[
        pltpu.VMEM((PH, CH), jnp.int32),
        pltpu.VMEM((PH, CH), jnp.int32),
        pltpu.VMEM((CH, F), jnp.float32),
        pltpu.VMEM((CH, F), jnp.float32),
        pltpu.VMEM_SHARED((NP, F), jnp.float32),
        pltpu.SemaphoreType.DMA,
        pltpu.SemaphoreType.DMA,
    ],
)


def _pred_body(t_hbm, es_hbm, ed_hbm, out0, out1, t_v, es_v, ed_v, s0_v, s1_v):
    c = lax.axis_index("c")
    s = lax.axis_index("s")
    w = s * NC + c
    pltpu.sync_copy(t_hbm, t_v)
    pltpu.sync_copy(es_hbm.at[w], es_v)
    pltpu.sync_copy(ed_hbm.at[w], ed_v)

    def chunk(j, _):
        e4 = es_v[j] * 4
        d4 = ed_v[j] * 4
        g0 = plsc.load_gather(t_v, [e4])
        g1 = plsc.load_gather(t_v, [e4 + 1])
        g2 = plsc.load_gather(t_v, [d4 + 2])
        g3 = plsc.load_gather(t_v, [d4 + 3])
        s0_v[pl.ds(j * 16, 16)] = g0 + g2
        s1_v[pl.ds(j * 16, 16)] = g1 + g3
        return _

    lax.fori_loop(0, DCH, chunk, 0)
    pltpu.sync_copy(s0_v, out0.at[pl.ds(w * DPTP, DPTP)])
    pltpu.sync_copy(s1_v, out1.at[pl.ds(w * DPTP, DPTP)])


_pred_call = pl.kernel(
    _pred_body,
    out_type=(
        jax.ShapeDtypeStruct((NW * DPTP,), jnp.float32),
        jax.ShapeDtypeStruct((NW * DPTP,), jnp.float32),
    ),
    compiler_params=_SC_PARAMS,
    mesh=_MESH,
    scratch_types=[
        pltpu.VMEM((NP * 4,), jnp.float32),
        pltpu.VMEM((DCH, 16), jnp.int32),
        pltpu.VMEM((DCH, 16), jnp.int32),
        pltpu.VMEM((DPTP,), jnp.float32),
        pltpu.VMEM((DPTP,), jnp.float32),
    ],
)


RB = 1024
GRID = NP // RB
HB = RB // 128


def _rs_col(hv):
    return lax.rsqrt(jnp.maximum(hv, 1.0))


def _tc_feat_body(x_ref, h_ref, o_ref):
    hv = h_ref[...]
    x = x_ref[...]
    o_ref[0] = x * _rs_col(hv[0, 0])
    o_ref[1] = x * _rs_col(hv[1, 0])


def _tc_feats(xp, hist):
    return pl.pallas_call(
        _tc_feat_body,
        grid=(GRID,),
        in_specs=[
            pl.BlockSpec((RB, F), lambda i: (i, 0)),
            pl.BlockSpec((2, 2, RB, 1), lambda i: (0, 0, i, 0)),
        ],
        out_specs=pl.BlockSpec((2, RB, F), lambda i: (0, i, 0)),
        out_shape=jax.ShapeDtypeStruct((2, NP, F), jnp.float32),
    )(xp, hist)


def _tc_mid_body(a_ref, h_ref, w0_ref, w1_ref, b_ref, o_ref):
    hv = h_ref[...]
    y0 = a_ref[0] * _rs_col(hv[0, 1])
    y1 = a_ref[1] * _rs_col(hv[1, 1])
    h = jnp.dot(y0, w0_ref[...], preferred_element_type=jnp.float32)
    h += jnp.dot(y1, w1_ref[...], preferred_element_type=jnp.float32)
    h = jnp.maximum(h + b_ref[...], 0.0)
    o_ref[0] = h * _rs_col(hv[0, 0])
    o_ref[1] = h * _rs_col(hv[1, 0])


def _tc_mid(acc, hist, W1_0, W1_1, b1r):
    return pl.pallas_call(
        _tc_mid_body,
        grid=(GRID,),
        in_specs=[
            pl.BlockSpec((2, RB, F), lambda i: (0, i, 0)),
            pl.BlockSpec((2, 2, RB, 1), lambda i: (0, 0, i, 0)),
            pl.BlockSpec((F, F), lambda i: (0, 0)),
            pl.BlockSpec((F, F), lambda i: (0, 0)),
            pl.BlockSpec((1, F), lambda i: (0, 0)),
        ],
        out_specs=pl.BlockSpec((2, RB, F), lambda i: (0, i, 0)),
        out_shape=jax.ShapeDtypeStruct((2, NP, F), jnp.float32),
    )(acc, hist, W1_0, W1_1, b1r)


def _tc_final_body(a_ref, h_ref, w0_ref, w1_ref, b_ref, wp_ref, bp_ref, o_ref):
    hv = h_ref[...]
    y0 = a_ref[0] * _rs_col(hv[0, 1])
    y1 = a_ref[1] * _rs_col(hv[1, 1])
    h2 = jnp.dot(y0, w0_ref[...], preferred_element_type=jnp.float32)
    h2 += jnp.dot(y1, w1_ref[...], preferred_element_type=jnp.float32)
    h2 += b_ref[...]
    o_ref[...] = jnp.dot(h2, wp_ref[...], preferred_element_type=jnp.float32) + bp_ref[...]


def _tc_final(acc, hist, W2_0, W2_1, b2r, Wp4, bp4):
    return pl.pallas_call(
        _tc_final_body,
        grid=(GRID,),
        in_specs=[
            pl.BlockSpec((2, RB, F), lambda i: (0, i, 0)),
            pl.BlockSpec((2, 2, RB, 1), lambda i: (0, 0, i, 0)),
            pl.BlockSpec((F, F), lambda i: (0, 0)),
            pl.BlockSpec((F, F), lambda i: (0, 0)),
            pl.BlockSpec((1, F), lambda i: (0, 0)),
            pl.BlockSpec((F, 4), lambda i: (0, 0)),
            pl.BlockSpec((1, 4), lambda i: (0, 0)),
        ],
        out_specs=pl.BlockSpec((RB, 4), lambda i: (i, 0)),
        out_shape=jax.ShapeDtypeStruct((NP, 4), jnp.float32),
    )(acc, hist, W2_0, W2_1, b2r, Wp4, bp4)


def kernel(x, edge_index_rel0, edge_index_rel1, dec_edge_index,
           W1_0, b1_0, W1_1, b1_1, W2_0, b2_0, W2_1, b2_1, Wp, bp):
    xp = jnp.pad(x, ((0, NP - N), (0, 0)))

    def pack_rel(ei):
        return _pad_tile_idx(ei[0], DUMMY), _pad_tile_idx(ei[1], DUMMY)

    s0l, d0l = pack_rel(edge_index_rel0)
    s1l, d1l = pack_rel(edge_index_rel1)
    srcl = jnp.stack([s0l, s1l])
    dstl = jnp.stack([d0l, d1l])

    es = dec_edge_index[0].astype(jnp.int32).reshape(NW, DPT)
    ed = dec_edge_index[1].astype(jnp.int32).reshape(NW, DPT)
    es = jnp.pad(es, ((0, 0), (0, DPTP - DPT))).reshape(NW, DCH, 16)
    ed = jnp.pad(ed, ((0, 0), (0, DPTP - DPT))).reshape(NW, DCH, 16)

    zflat = jnp.zeros((HR, 128), jnp.float32)
    z128_hbm = jnp.zeros((ROWS_PT, F), jnp.float32)

    b1r = (b1_0 + b1_1).reshape(1, F)
    b2r = (b2_0 + b2_1).reshape(1, F)
    Wp4 = jnp.concatenate([Wp[:F], Wp[F:]], axis=1)
    bp4 = jnp.concatenate([bp, jnp.zeros((2,), jnp.float32)]).reshape(1, 4)

    hist = _hist_call(srcl, dstl, zflat)

    hist = hist.reshape(2, 2, NP, 1)

    feats = _tc_feats(xp, hist)
    acc1 = _prop_call(feats, srcl, dstl, z128_hbm)
    feats2 = _tc_mid(acc1, hist, W1_0, W1_1, b1r)

    acc2 = _prop_call(feats2, srcl, dstl, z128_hbm)
    t = _tc_final(acc2, hist, W2_0, W2_1, b2r, Wp4, bp4)

    o0, o1 = _pred_call(t.reshape(NP * 4), es, ed)
    o0 = o0.reshape(NW, DPTP)[:, :DPT].reshape(DEC)
    o1 = o1.reshape(NW, DPTP)[:, :DPT].reshape(DEC)
    return jnp.stack([o0, o1], axis=1)

# --- scband reference (transcript-rebuilt; emitter-appended) ---
"""Pipeline reference for scband-octopus-10720238371562 (READ-ONLY COPY).

The authoritative reference and input builder live on the scoring server;
editing this copy changes nothing except your own understanding.
"""

import jax, jax.numpy as jnp
import numpy as np

N_NODES = 10000
IN_F = 128
HID_F = 128
OUT_F = 128
N_REL = 2


def setup_inputs(seed: int = 0) -> dict:
    key = jax.random.key(seed)
    ks = jax.random.split(key, 16)
    x = jax.random.normal(ks[0], (N_NODES, IN_F), dtype=jnp.float32)
    edge_index_rel0 = jax.random.randint(ks[1], (2, 160000), 0, N_NODES, dtype=jnp.int64 if jax.config.jax_enable_x64 else jnp.int32)
    edge_index_rel1 = jax.random.randint(ks[2], (2, 160000), 0, N_NODES, dtype=jnp.int64 if jax.config.jax_enable_x64 else jnp.int32)
    dec_edge_index = jax.random.randint(ks[3], (2, 100000), 0, N_NODES, dtype=jnp.int64 if jax.config.jax_enable_x64 else jnp.int32)
    s = 0.05
    W1_0 = jax.random.normal(ks[4], (IN_F, HID_F), dtype=jnp.float32) * s
    b1_0 = jnp.zeros((HID_F,), dtype=jnp.float32)
    W1_1 = jax.random.normal(ks[5], (IN_F, HID_F), dtype=jnp.float32) * s
    b1_1 = jnp.zeros((HID_F,), dtype=jnp.float32)
    W2_0 = jax.random.normal(ks[6], (HID_F, OUT_F), dtype=jnp.float32) * s
    b2_0 = jnp.zeros((OUT_F,), dtype=jnp.float32)
    W2_1 = jax.random.normal(ks[7], (HID_F, OUT_F), dtype=jnp.float32) * s
    b2_1 = jnp.zeros((OUT_F,), dtype=jnp.float32)
    Wp = jax.random.normal(ks[8], (2 * OUT_F, N_REL), dtype=jnp.float32) * s
    bp = jnp.zeros((N_REL,), dtype=jnp.float32)
    return {"x": x, "edge_index_rel0": edge_index_rel0, "edge_index_rel1": edge_index_rel1,
            "dec_edge_index": dec_edge_index, "W1_0": W1_0, "b1_0": b1_0, "W1_1": W1_1, "b1_1": b1_1,
            "W2_0": W2_0, "b2_0": b2_0, "W2_1": W2_1, "b2_1": b2_1, "Wp": Wp, "bp": bp}


def _graph_conv(x, src, dst, W, b, n):
    # DGL GraphConv with norm='both': x * D_out^{-1/2} -> copy_u/sum -> * D_in^{-1/2} -> W, b
    deg_out = jnp.clip(jnp.zeros((n,), dtype=x.dtype).at[src].add(1.0), 1.0)
    feat = x * (deg_out ** -0.5)[:, None]
    msg = feat[src]
    agg = jnp.zeros((n, x.shape[1]), dtype=x.dtype).at[dst].add(msg)
    deg_in = jnp.clip(jnp.zeros((n,), dtype=x.dtype).at[dst].add(1.0), 1.0)
    agg = agg * (deg_in ** -0.5)[:, None]
    return agg @ W + b


def reference(x, edge_index_rel0, edge_index_rel1, dec_edge_index,
              W1_0, b1_0, W1_1, b1_1, W2_0, b2_0, W2_1, b2_1, Wp, bp):
    n = x.shape[0]
    s0, d0 = edge_index_rel0[0], edge_index_rel0[1]
    s1, d1 = edge_index_rel1[0], edge_index_rel1[1]
    # RGCN layer 1: HeteroGraphConv with aggregate='sum' over relations, then ReLU
    h = _graph_conv(x, s0, d0, W1_0, b1_0, n) + _graph_conv(x, s1, d1, W1_1, b1_1, n)
    h = jax.nn.relu(h)
    # RGCN layer 2
    h2 = _graph_conv(h, s0, d0, W2_0, b2_0, n) + _graph_conv(h, s1, d1, W2_1, b2_1, n)
    # HeteroMLPPredictor on dec_graph edges
    es, ed = dec_edge_index[0], dec_edge_index[1]
    pair = jnp.concatenate([h2[es], h2[ed]], axis=1)
    score = pair @ Wp + bp
    return score

if __name__ == "__main__":
    import jax
    _d = setup_inputs()
    print(jax.jit(kernel)(*tuple(_d.values())))

</pallas_src>

<mosaic_0001>
#map = affine_map<(d0, d1) -> (0, 0, 0, 0)>
#map1 = affine_map<(d0, d1) -> (0, 0)>
module attributes {stable_mosaic.version = 14 : i64} {
  func.func @_hist_body(%arg0: i32, %arg1: i32, %arg2: memref<2x16x79x128xi32, #tpu.memory_space<hbm>>, %arg3: memref<2x16x79x128xi32, #tpu.memory_space<hbm>>, %arg4: memref<80x128xf32, #tpu.memory_space<hbm>>, %arg5: memref<2x2x80x128xf32, #tpu.memory_space<hbm>>, %arg6: memref<79x128xi32, #tpu.memory_space<vmem>>, %arg7: memref<79x128xi32, #tpu.memory_space<vmem>>, %arg8: memref<80x128xf32, #tpu.memory_space<vmem>>, %arg9: memref<80x128xf32, #tpu.memory_space<vmem>>, %arg10: memref<80xi32, #tpu.memory_space<vmem>>, %arg11: memref<80x128xf32, #tpu.memory_space<vmem_shared>>, %arg12: memref<80x128xf32, #tpu.memory_space<vmem_shared>>) attributes {dimension_semantics = [#tpu.dimension_semantics<core_parallel>, #tpu.dimension_semantics<subcore_parallel>], iteration_bounds = array<i64: 2, 16>, scalar_prefetch = 0 : i64, scratch_operands = 7 : i64, tpu.core_type = #tpu.core_type<sc_vector_subcore>, window_params = [{transform_indices = #map}, {transform_indices = #map}, {transform_indices = #map1}, {transform_indices = #map}]} {
    %eq3A = arith.constant 0 : i32
    %eq3A_0 = arith.cmpi eq, %arg1, %eq3A : i32
    %convert_element_type3A = arith.extui %eq3A_0 : i1 to i32
    %cond3A = arith.constant 0 : i32
    %cond3A_1 = arith.cmpi ne, %convert_element_type3A, %cond3A : i32
    scf.if %cond3A_1 {
      "tpu.region"() ({
        %run_scoped3A = tpu.sem_alloc : memref<!tpu.dma_semaphore, #tpu.memory_space<semaphore_mem>>
        tpu.enqueue_dma source(%arg4 : memref<80x128xf32, #tpu.memory_space<hbm>>) target(%arg11 : memref<80x128xf32, #tpu.memory_space<vmem_shared>>) target_semaphore(%run_scoped3A : memref<!tpu.dma_semaphore, #tpu.memory_space<semaphore_mem>>)
        tpu.wait_dma2 semaphore(%run_scoped3A : memref<!tpu.dma_semaphore, #tpu.memory_space<semaphore_mem>>) src(%arg4 : memref<80x128xf32, #tpu.memory_space<hbm>>) dst(%arg11 : memref<80x128xf32, #tpu.memory_space<vmem_shared>>)
        tpu.yield
      }) : () -> ()
      "tpu.region"() ({
        %run_scoped3A = tpu.sem_alloc : memref<!tpu.dma_semaphore, #tpu.memory_space<semaphore_mem>>
        tpu.enqueue_dma source(%arg4 : memref<80x128xf32, #tpu.memory_space<hbm>>) target(%arg12 : memref<80x128xf32, #tpu.memory_space<vmem_shared>>) target_semaphore(%run_scoped3A : memref<!tpu.dma_semaphore, #tpu.memory_space<semaphore_mem>>)
        tpu.wait_dma2 semaphore(%run_scoped3A : memref<!tpu.dma_semaphore, #tpu.memory_space<semaphore_mem>>) src(%arg4 : memref<80x128xf32, #tpu.memory_space<hbm>>) dst(%arg12 : memref<80x128xf32, #tpu.memory_space<vmem_shared>>)
        tpu.yield
      }) : () -> ()
    } else {
    }
    "tpu.region"() ({
      %run_scoped3A = tpu.sem_alloc : memref<!tpu.dma_semaphore, #tpu.memory_space<semaphore_mem>>
      tpu.enqueue_dma source(%arg4 : memref<80x128xf32, #tpu.memory_space<hbm>>) target(%arg8 : memref<80x128xf32, #tpu.memory_space<vmem>>) target_semaphore(%run_scoped3A : memref<!tpu.dma_semaphore, #tpu.memory_space<semaphore_mem>>)
      tpu.wait_dma2 semaphore(%run_scoped3A : memref<!tpu.dma_semaphore, #tpu.memory_space<semaphore_mem>>) src(%arg4 : memref<80x128xf32, #tpu.memory_space<hbm>>) dst(%arg8 : memref<80x128xf32, #tpu.memory_space<vmem>>)
      tpu.yield
    }) : () -> ()
    "tpu.region"() ({
      %run_scoped3A = tpu.sem_alloc : memref<!tpu.dma_semaphore, #tpu.memory_space<semaphore_mem>>
      tpu.enqueue_dma source(%arg4 : memref<80x128xf32, #tpu.memory_space<hbm>>) target(%arg9 : memref<80x128xf32, #tpu.memory_space<vmem>>) target_semaphore(%run_scoped3A : memref<!tpu.dma_semaphore, #tpu.memory_space<semaphore_mem>>)
      tpu.wait_dma2 semaphore(%run_scoped3A : memref<!tpu.dma_semaphore, #tpu.memory_space<semaphore_mem>>) src(%arg4 : memref<80x128xf32, #tpu.memory_space<hbm>>) dst(%arg9 : memref<80x128xf32, #tpu.memory_space<vmem>>)
      tpu.yield
    }) : () -> ()
    "tpu.region"() ({
      %run_scoped3A = tpu.sem_alloc : memref<!tpu.dma_semaphore, #tpu.memory_space<semaphore_mem>>
      %dma_start3A = arith.constant 0 : i32
      %dma_start3A_36 = arith.constant 0 : i32
      %dma_start3A_37 = tpu.memref_slice %arg2[%arg0, %arg1, %dma_start3A, %dma_start3A_36] : memref<2x16x79x128xi32, #tpu.memory_space<hbm>> -> memref<1x1x79x128xi32, #tpu.memory_space<hbm>>
      %dma_start3A_38 = tpu.memref_squeeze %dma_start3A_37 : memref<1x1x79x128xi32, #tpu.memory_space<hbm>> -> memref<79x128xi32, #tpu.memory_space<hbm>>
      %dma_start3A_39 = arith.constant 0 : i32
      %dma_start3A_40 = arith.constant 0 : i32
      %dma_start3A_41 = tpu.memref_slice %arg2[%arg0, %arg1, %dma_start3A_39, %dma_start3A_40] : memref<2x16x79x128xi32, #tpu.memory_space<hbm>> -> memref<1x1x79x128xi32, #tpu.memory_space<hbm>>
      %dma_start3A_42 = tpu.memref_squeeze %dma_start3A_41 : memref<1x1x79x128xi32, #tpu.memory_space<hbm>> -> memref<79x128xi32, #tpu.memory_space<hbm>>
      tpu.enqueue_dma source(%dma_start3A_42 : memref<79x128xi32, #tpu.memory_space<hbm>>) target(%arg6 : memref<79x128xi32, #tpu.memory_space<vmem>>) target_semaphore(%run_scoped3A : memref<!tpu.dma_semaphore, #tpu.memory_space<semaphore_mem>>)
      %dma_wait3A = arith.constant 0 : i32
      %dma_wait3A_43 = arith.constant 0 : i32
      %dma_wait3A_44 = tpu.memref_slice %arg2[%arg0, %arg1, %dma_wait3A, %dma_wait3A_43] : memref<2x16x79x128xi32, #tpu.memory_space<hbm>> -> memref<1x1x79x128xi32, #tpu.memory_space<hbm>>
      %dma_wait3A_45 = tpu.memref_squeeze %dma_wait3A_44 : memref<1x1x79x128xi32, #tpu.memory_space<hbm>> -> memref<79x128xi32, #tpu.memory_space<hbm>>
      %dma_wait3A_46 = arith.constant 0 : i32
      %dma_wait3A_47 = arith.constant 0 : i32
      %dma_wait3A_48 = tpu.memref_slice %arg2[%arg0, %arg1, %dma_wait3A_46, %dma_wait3A_47] : memref<2x16x79x128xi32, #tpu.memory_space<hbm>> -> memref<1x1x79x128xi32, #tpu.memory_space<hbm>>
      %dma_wait3A_49 = tpu.memref_squeeze %dma_wait3A_48 : memref<1x1x79x128xi32, #tpu.memory_space<hbm>> -> memref<79x128xi32, #tpu.memory_space<hbm>>
      tpu.wait_dma2 semaphore(%run_scoped3A : memref<!tpu.dma_semaphore, #tpu.memory_space<semaphore_mem>>) src(%dma_wait3A_49 : memref<79x128xi32, #tpu.memory_space<hbm>>) dst(%arg6 : memref<79x128xi32, #tpu.memory_space<vmem>>)
      tpu.yield
    }) : () -> ()
    "tpu.region"() ({
      %run_scoped3A = tpu.sem_alloc : memref<!tpu.dma_semaphore, #tpu.memory_space<semaphore_mem>>
      %dma_start3A = arith.constant 0 : i32
      %dma_start3A_36 = arith.constant 0 : i32
      %dma_start3A_37 = tpu.memref_slice %arg3[%arg0, %arg1, %dma_start3A, %dma_start3A_36] : memref<2x16x79x128xi32, #tpu.memory_space<hbm>> -> memref<1x1x79x128xi32, #tpu.memory_space<hbm>>
      %dma_start3A_38 = tpu.memref_squeeze %dma_start3A_37 : memref<1x1x79x128xi32, #tpu.memory_space<hbm>> -> memref<79x128xi32, #tpu.memory_space<hbm>>
      %dma_start3A_39 = arith.constant 0 : i32
      %dma_start3A_40 = arith.constant 0 : i32
      %dma_start3A_41 = tpu.memref_slice %arg3[%arg0, %arg1, %dma_start3A_39, %dma_start3A_40] : memref<2x16x79x128xi32, #tpu.memory_space<hbm>> -> memref<1x1x79x128xi32, #tpu.memory_space<hbm>>
      %dma_start3A_42 = tpu.memref_squeeze %dma_start3A_41 : memref<1x1x79x128xi32, #tpu.memory_space<hbm>> -> memref<79x128xi32, #tpu.memory_space<hbm>>
      tpu.enqueue_dma source(%dma_start3A_42 : memref<79x128xi32, #tpu.memory_space<hbm>>) target(%arg7 : memref<79x128xi32, #tpu.memory_space<vmem>>) target_semaphore(%run_scoped3A : memref<!tpu.dma_semaphore, #tpu.memory_space<semaphore_mem>>)
      %dma_wait3A = arith.constant 0 : i32
      %dma_wait3A_43 = arith.constant 0 : i32
      %dma_wait3A_44 = tpu.memref_slice %arg3[%arg0, %arg1, %dma_wait3A, %dma_wait3A_43] : memref<2x16x79x128xi32, #tpu.memory_space<hbm>> -> memref<1x1x79x128xi32, #tpu.memory_space<hbm>>
      %dma_wait3A_45 = tpu.memref_squeeze %dma_wait3A_44 : memref<1x1x79x128xi32, #tpu.memory_space<hbm>> -> memref<79x128xi32, #tpu.memory_space<hbm>>
      %dma_wait3A_46 = arith.constant 0 : i32
      %dma_wait3A_47 = arith.constant 0 : i32
      %dma_wait3A_48 = tpu.memref_slice %arg3[%arg0, %arg1, %dma_wait3A_46, %dma_wait3A_47] : memref<2x16x79x128xi32, #tpu.memory_space<hbm>> -> memref<1x1x79x128xi32, #tpu.memory_space<hbm>>
      %dma_wait3A_49 = tpu.memref_squeeze %dma_wait3A_48 : memref<1x1x79x128xi32, #tpu.memory_space<hbm>> -> memref<79x128xi32, #tpu.memory_space<hbm>>
      tpu.wait_dma2 semaphore(%run_scoped3A : memref<!tpu.dma_semaphore, #tpu.memory_space<semaphore_mem>>) src(%dma_wait3A_49 : memref<79x128xi32, #tpu.memory_space<hbm>>) dst(%arg7 : memref<79x128xi32, #tpu.memory_space<vmem>>)
      tpu.yield
    }) : () -> ()
    %iota3A = tpu.iota {dimensions = array<i32: 0>} : vector<16xi32>
    %add3A = arith.constant 0 : i32
    %add3A_2 = vector.broadcast %add3A : i32 to vector<16xi32>
    %add3A_3 = arith.addi %iota3A, %add3A_2 : vector<16xi32>
    %swap3A = arith.constant 0 : index
    %swap3A_4 = tpu.vector_load %arg10[%swap3A] {strides = array<i32>} : memref<80xi32, #tpu.memory_space<vmem>>, vector<16xi32>,
    tpu.vector_store %arg10[%swap3A], %add3A_3 {strides = array<i32>} : memref<80xi32, #tpu.memory_space<vmem>>, vector<16xi32>,
    %add3A_5 = arith.constant 16 : i32
    %add3A_6 = vector.broadcast %add3A_5 : i32 to vector<16xi32>
    %add3A_7 = arith.addi %iota3A, %add3A_6 : vector<16xi32>
    %swap3A_8 = arith.constant 16 : index
    %swap3A_9 = tpu.vector_load %arg10[%swap3A_8] {strides = array<i32>} : memref<80xi32, #tpu.memory_space<vmem>>, vector<16xi32>,
    tpu.vector_store %arg10[%swap3A_8], %add3A_7 {strides = array<i32>} : memref<80xi32, #tpu.memory_space<vmem>>, vector<16xi32>,
    %add3A_10 = arith.constant 32 : i32
    %add3A_11 = vector.broadcast %add3A_10 : i32 to vector<16xi32>
    %add3A_12 = arith.addi %iota3A, %add3A_11 : vector<16xi32>
    %swap3A_13 = arith.constant 32 : index
    %swap3A_14 = tpu.vector_load %arg10[%swap3A_13] {strides = array<i32>} : memref<80xi32, #tpu.memory_space<vmem>>, vector<16xi32>,
    tpu.vector_store %arg10[%swap3A_13], %add3A_12 {strides = array<i32>} : memref<80xi32, #tpu.memory_space<vmem>>, vector<16xi32>,
    %add3A_15 = arith.constant 48 : i32
    %add3A_16 = vector.broadcast %add3A_15 : i32 to vector<16xi32>
    %add3A_17 = arith.addi %iota3A, %add3A_16 : vector<16xi32>
    %swap3A_18 = arith.constant 48 : index
    %swap3A_19 = tpu.vector_load %arg10[%swap3A_18] {strides = array<i32>} : memref<80xi32, #tpu.memory_space<vmem>>, vector<16xi32>,
    tpu.vector_store %arg10[%swap3A_18], %add3A_17 {strides = array<i32>} : memref<80xi32, #tpu.memory_space<vmem>>, vector<16xi32>,
    %add3A_20 = arith.constant 64 : i32
    %add3A_21 = vector.broadcast %add3A_20 : i32 to vector<16xi32>
    %add3A_22 = arith.addi %iota3A, %add3A_21 : vector<16xi32>
    %swap3A_23 = arith.constant 64 : index
    %swap3A_24 = tpu.vector_load %arg10[%swap3A_23] {strides = array<i32>} : memref<80xi32, #tpu.memory_space<vmem>>, vector<16xi32>,
    tpu.vector_store %arg10[%swap3A_23], %add3A_22 {strides = array<i32>} : memref<80xi32, #tpu.memory_space<vmem>>, vector<16xi32>,
    %broadcast_in_dim3A = arith.constant 1.000000e+00 : f32
    %broadcast_in_dim3A_25 = vector.broadcast %broadcast_in_dim3A : f32 to vector<16xf32>
    %barrier3A = arith.constant 0 : index
    tpu.barrier barrier_id(%barrier3A)
    %scan3A = arith.constant 0 : i32
    %scan3A_26 = arith.constant 0 : i32
    %scan3A_27 = arith.constant 632 : i32
    %scan3A_28 = arith.addi %scan3A_26, %scan3A_27 : i32
    %scan3A_29 = arith.constant 1 : i32
    scf.for %scan3A_36 = %scan3A_26 to %scan3A_28 step %scan3A_29  : i32 {
      %jit3A = arith.constant 8 : i32
      %div3A = arith.divsi %scan3A_36, %jit3A : i32
      %sign3A = arith.constant 0 : i32
      %sign3A_37 = arith.cmpi sgt, %scan3A_36, %sign3A : i32
      %sign3A_38 = arith.extui %sign3A_37 : i1 to i32
      %sign3A_39 = arith.constant 0 : i32
      %sign3A_40 = arith.cmpi slt, %scan3A_36, %sign3A_39 : i32
      %sign3A_41 = arith.extui %sign3A_40 : i1 to i32
      %sign3A_42 = arith.subi %sign3A_38, %sign3A_41 : i32
      %sign3A_43 = arith.constant 0 : i32
      %sign3A_44 = arith.cmpi sgt, %jit3A, %sign3A_43 : i32
      %sign3A_45 = arith.extui %sign3A_44 : i1 to i32
      %sign3A_46 = arith.constant 0 : i32
      %sign3A_47 = arith.cmpi slt, %jit3A, %sign3A_46 : i32
      %sign3A_48 = arith.extui %sign3A_47 : i1 to i32
      %sign3A_49 = arith.subi %sign3A_45, %sign3A_48 : i32
      %ne3A = arith.cmpi ne, %sign3A_42, %sign3A_49 : i32
      %rem3A = arith.remsi %scan3A_36, %jit3A : i32
      %ne3A_50 = arith.constant 0 : i32
      %ne3A_51 = arith.cmpi ne, %rem3A, %ne3A_50 : i32
      %and3A = arith.andi %ne3A, %ne3A_51 : i1
      %sub3A = arith.constant 1 : i32
      %sub3A_52 = arith.subi %div3A, %sub3A : i32
      %select_n3A = arith.select %and3A, %sub3A_52, %div3A : i32
      %jit3A_53 = arith.constant 8 : i32
      %eq3A_54 = arith.constant 0 : i32
      %eq3A_55 = arith.cmpi eq, %jit3A_53, %eq3A_54 : i32
      %jit3A_56 = arith.constant 1 : i32
      %select_n3A_57 = arith.select %eq3A_55, %jit3A_56, %jit3A_53 : i32
      %rem3A_58 = arith.remsi %scan3A_36, %select_n3A_57 : i32
      %ne3A_59 = arith.constant 0 : i32
      %ne3A_60 = arith.cmpi ne, %rem3A_58, %ne3A_59 : i32
      %lt3A_61 = arith.constant 0 : i32
      %lt3A_62 = arith.cmpi slt, %rem3A_58, %lt3A_61 : i32
      %lt3A_63 = arith.constant 0 : i32
      %lt3A_64 = arith.cmpi slt, %select_n3A_57, %lt3A_63 : i32
      %ne3A_65 = arith.xori %lt3A_62, %lt3A_64 : i1
      %and3A_66 = arith.andi %ne3A_65, %ne3A_60 : i1
      %add3A_67 = arith.addi %rem3A_58, %select_n3A_57 : i32
      %select_n3A_68 = arith.select %and3A_66, %add3A_67, %rem3A_58 : i32
      %mul3A = arith.constant 16 : i32
      %mul3A_69 = arith.muli %select_n3A_68, %mul3A : i32
      %get3A = arith.index_cast %select_n3A : i32 to index
      %get3A_70 = arith.index_cast %mul3A_69 : i32 to index
      %get3A_71 = tpu.vector_load %arg6[%get3A, %get3A_70] {strides = array<i32>} : memref<79x128xi32, #tpu.memory_space<vmem>>, vector<16xi32>,
      %shift_right_arithmetic3A = arith.constant 7 : i32
      %shift_right_arithmetic3A_72 = vector.broadcast %shift_right_arithmetic3A : i32 to vector<16xi32>
      %shift_right_arithmetic3A_73 = arith.shrsi %get3A_71, %shift_right_arithmetic3A_72 : vector<16xi32>
      %and3A_74 = arith.constant 127 : i32
      %and3A_75 = vector.broadcast %and3A_74 : i32 to vector<16xi32>
      %and3A_76 = arith.andi %get3A_71, %and3A_75 : vector<16xi32>
      tpu.vector_store_idx %arg8[%shift_right_arithmetic3A_73, %and3A_76], %broadcast_in_dim3A_25 {add = true} : memref<80x128xf32, #tpu.memory_space<vmem>>[vector<16xi32>, vector<16xi32>], vector<16xf32>,
      %jit3A_77 = arith.constant 8 : i32
      %div3A_78 = arith.divsi %scan3A_36, %jit3A_77 : i32
      %sign3A_79 = arith.constant 0 : i32
      %sign3A_80 = arith.cmpi sgt, %scan3A_36, %sign3A_79 : i32
      %sign3A_81 = arith.extui %sign3A_80 : i1 to i32
      %sign3A_82 = arith.constant 0 : i32
      %sign3A_83 = arith.cmpi slt, %scan3A_36, %sign3A_82 : i32
      %sign3A_84 = arith.extui %sign3A_83 : i1 to i32
      %sign3A_85 = arith.subi %sign3A_81, %sign3A_84 : i32
      %sign3A_86 = arith.constant 0 : i32
      %sign3A_87 = arith.cmpi sgt, %jit3A_77, %sign3A_86 : i32
      %sign3A_88 = arith.extui %sign3A_87 : i1 to i32
      %sign3A_89 = arith.constant 0 : i32
      %sign3A_90 = arith.cmpi slt, %jit3A_77, %sign3A_89 : i32
      %sign3A_91 = arith.extui %sign3A_90 : i1 to i32
      %sign3A_92 = arith.subi %sign3A_88, %sign3A_91 : i32
      %ne3A_93 = arith.cmpi ne, %sign3A_85, %sign3A_92 : i32
      %rem3A_94 = arith.remsi %scan3A_36, %jit3A_77 : i32
      %ne3A_95 = arith.constant 0 : i32
      %ne3A_96 = arith.cmpi ne, %rem3A_94, %ne3A_95 : i32
      %and3A_97 = arith.andi %ne3A_93, %ne3A_96 : i1
      %sub3A_98 = arith.constant 1 : i32
      %sub3A_99 = arith.subi %div3A_78, %sub3A_98 : i32
      %select_n3A_100 = arith.select %and3A_97, %sub3A_99, %div3A_78 : i32
      %jit3A_101 = arith.constant 8 : i32
      %eq3A_102 = arith.constant 0 : i32
      %eq3A_103 = arith.cmpi eq, %jit3A_101, %eq3A_102 : i32
      %jit3A_104 = arith.constant 1 : i32
      %select_n3A_105 = arith.select %eq3A_103, %jit3A_104, %jit3A_101 : i32
      %rem3A_106 = arith.remsi %scan3A_36, %select_n3A_105 : i32
      %ne3A_107 = arith.constant 0 : i32
      %ne3A_108 = arith.cmpi ne, %rem3A_106, %ne3A_107 : i32
      %lt3A_109 = arith.constant 0 : i32
      %lt3A_110 = arith.cmpi slt, %rem3A_106, %lt3A_109 : i32
      %lt3A_111 = arith.constant 0 : i32
      %lt3A_112 = arith.cmpi slt, %select_n3A_105, %lt3A_111 : i32
      %ne3A_113 = arith.xori %lt3A_110, %lt3A_112 : i1
      %and3A_114 = arith.andi %ne3A_113, %ne3A_108 : i1
      %add3A_115 = arith.addi %rem3A_106, %select_n3A_105 : i32
      %select_n3A_116 = arith.select %and3A_114, %add3A_115, %rem3A_106 : i32
      %mul3A_117 = arith.constant 16 : i32
      %mul3A_118 = arith.muli %select_n3A_116, %mul3A_117 : i32
      %get3A_119 = arith.index_cast %select_n3A_100 : i32 to index
      %get3A_120 = arith.index_cast %mul3A_118 : i32 to index
      %get3A_121 = tpu.vector_load %arg7[%get3A_119, %get3A_120] {strides = array<i32>} : memref<79x128xi32, #tpu.memory_space<vmem>>, vector<16xi32>,
      %shift_right_arithmetic3A_122 = arith.constant 7 : i32
      %shift_right_arithmetic3A_123 = vector.broadcast %shift_right_arithmetic3A_122 : i32 to vector<16xi32>
      %shift_right_arithmetic3A_124 = arith.shrsi %get3A_121, %shift_right_arithmetic3A_123 : vector<16xi32>
      %and3A_125 = arith.constant 127 : i32
      %and3A_126 = vector.broadcast %and3A_125 : i32 to vector<16xi32>
      %and3A_127 = arith.andi %get3A_121, %and3A_126 : vector<16xi32>
      tpu.vector_store_idx %arg9[%shift_right_arithmetic3A_124, %and3A_127], %broadcast_in_dim3A_25 {add = true} : memref<80x128xf32, #tpu.memory_space<vmem>>[vector<16xi32>, vector<16xi32>], vector<16xf32>,
    }
    %scan3A_30 = arith.constant 632 : i32
    "tpu.region"() ({
      %run_scoped3A = tpu.sem_alloc : memref<!tpu.dma_semaphore, #tpu.memory_space<semaphore_mem>>
      %dma_start3A = arith.constant 0 : i32
      %dma_start3A_36 = arith.constant 0 : i32
      %dma_start3A_37 = tpu.memref_slice %arg11[%dma_start3A, %dma_start3A_36] : memref<80x128xf32, #tpu.memory_space<vmem_shared>> -> memref<80x128xf32, #tpu.memory_space<vmem_shared>>
      tpu.enqueue_indirect_dma source(%arg8 : memref<80x128xf32, #tpu.memory_space<vmem>>) target(%dma_start3A_37 : memref<80x128xf32, #tpu.memory_space<vmem_shared>>) offsets(%arg10 : memref<80xi32, #tpu.memory_space<vmem>>) semaphore(%run_scoped3A : memref<!tpu.dma_semaphore, #tpu.memory_space<semaphore_mem>>) {add = true}
      %dma_wait3A = arith.constant 0 : i32
      %dma_wait3A_38 = arith.constant 0 : i32
      %dma_wait3A_39 = tpu.memref_slice %arg11[%dma_wait3A, %dma_wait3A_38] : memref<80x128xf32, #tpu.memory_space<vmem_shared>> -> memref<80x128xf32, #tpu.memory_space<vmem_shared>>
      tpu.wait_indirect_dma semaphore(%run_scoped3A : memref<!tpu.dma_semaphore, #tpu.memory_space<semaphore_mem>>) src(%arg8 : memref<80x128xf32, #tpu.memory_space<vmem>>) dst(%dma_wait3A_39 : memref<80x128xf32, #tpu.memory_space<vmem_shared>>)
      tpu.yield
    }) : () -> ()
    "tpu.region"() ({
      %run_scoped3A = tpu.sem_alloc : memref<!tpu.dma_semaphore, #tpu.memory_space<semaphore_mem>>
      %dma_start3A = arith.constant 0 : i32
      %dma_start3A_36 = arith.constant 0 : i32
      %dma_start3A_37 = tpu.memref_slice %arg12[%dma_start3A, %dma_start3A_36] : memref<80x128xf32, #tpu.memory_space<vmem_shared>> -> memref<80x128xf32, #tpu.memory_space<vmem_shared>>
      tpu.enqueue_indirect_dma source(%arg9 : memref<80x128xf32, #tpu.memory_space<vmem>>) target(%dma_start3A_37 : memref<80x128xf32, #tpu.memory_space<vmem_shared>>) offsets(%arg10 : memref<80xi32, #tpu.memory_space<vmem>>) semaphore(%run_scoped3A : memref<!tpu.dma_semaphore, #tpu.memory_space<semaphore_mem>>) {add = true}
      %dma_wait3A = arith.constant 0 : i32
      %dma_wait3A_38 = arith.constant 0 : i32
      %dma_wait3A_39 = tpu.memref_slice %arg12[%dma_wait3A, %dma_wait3A_38] : memref<80x128xf32, #tpu.memory_space<vmem_shared>> -> memref<80x128xf32, #tpu.memory_space<vmem_shared>>
      tpu.wait_indirect_dma semaphore(%run_scoped3A : memref<!tpu.dma_semaphore, #tpu.memory_space<semaphore_mem>>) src(%arg9 : memref<80x128xf32, #tpu.memory_space<vmem>>) dst(%dma_wait3A_39 : memref<80x128xf32, #tpu.memory_space<vmem_shared>>)
      tpu.yield
    }) : () -> ()
    %barrier3A_31 = arith.constant 0 : index
    tpu.barrier barrier_id(%barrier3A_31)
    %lt3A = arith.constant 10 : i32
    %lt3A_32 = arith.cmpi slt, %arg1, %lt3A : i32
    %convert_element_type3A_33 = arith.extui %lt3A_32 : i1 to i32
    %cond3A_34 = arith.constant 0 : i32
    %cond3A_35 = arith.cmpi ne, %convert_element_type3A_33, %cond3A_34 : i32
    scf.if %cond3A_35 {
      %mul3A = arith.constant 8 : i32
      %mul3A_36 = arith.muli %arg1, %mul3A : i32
      %mul3A_37 = arith.constant 8 : i32
      %mul3A_38 = arith.muli %arg1, %mul3A_37 : i32
      %run_scoped3A = arith.constant 0 : i32
      "tpu.region"() ({
        %run_scoped3A_44 = tpu.sem_alloc : memref<!tpu.dma_semaphore, #tpu.memory_space<semaphore_mem>>
        %dma_start3A = arith.constant 0 : i32
        %dma_start3A_45 = tpu.memref_slice %arg5[%arg0, %run_scoped3A, %mul3A_38, %dma_start3A] : memref<2x2x80x128xf32, #tpu.memory_space<hbm>> -> memref<1x1x8x128xf32, #tpu.memory_space<hbm>>
        %dma_start3A_46 = tpu.memref_squeeze %dma_start3A_45 : memref<1x1x8x128xf32, #tpu.memory_space<hbm>> -> memref<8x128xf32, #tpu.memory_space<hbm>>
        %dma_start3A_47 = arith.constant 0 : i32
        %dma_start3A_48 = tpu.memref_slice %arg11[%mul3A_36, %dma_start3A_47] : memref<80x128xf32, #tpu.memory_space<vmem_shared>> -> memref<8x128xf32, #tpu.memory_space<vmem_shared>>
        tpu.enqueue_dma source(%dma_start3A_48 : memref<8x128xf32, #tpu.memory_space<vmem_shared>>) target(%dma_start3A_46 : memref<8x128xf32, #tpu.memory_space<hbm>>) target_semaphore(%run_scoped3A_44 : memref<!tpu.dma_semaphore, #tpu.memory_space<semaphore_mem>>)
        %dma_wait3A = arith.constant 0 : i32
        %dma_wait3A_49 = tpu.memref_slice %arg5[%arg0, %run_scoped3A, %mul3A_38, %dma_wait3A] : memref<2x2x80x128xf32, #tpu.memory_space<hbm>> -> memref<1x1x8x128xf32, #tpu.memory_space<hbm>>
        %dma_wait3A_50 = tpu.memref_squeeze %dma_wait3A_49 : memref<1x1x8x128xf32, #tpu.memory_space<hbm>> -> memref<8x128xf32, #tpu.memory_space<hbm>>
        %dma_wait3A_51 = arith.constant 0 : i32
        %dma_wait3A_52 = tpu.memref_slice %arg11[%mul3A_36, %dma_wait3A_51] : memref<80x128xf32, #tpu.memory_space<vmem_shared>> -> memref<8x128xf32, #tpu.memory_space<vmem_shared>>
        tpu.wait_dma2 semaphore(%run_scoped3A_44 : memref<!tpu.dma_semaphore, #tpu.memory_space<semaphore_mem>>) src(%dma_wait3A_52 : memref<8x128xf32, #tpu.memory_space<vmem_shared>>) dst(%dma_wait3A_50 : memref<8x128xf32, #tpu.memory_space<hbm>>)
        tpu.yield
      }) : () -> ()
      %mul3A_39 = arith.constant 8 : i32
      %mul3A_40 = arith.muli %arg1, %mul3A_39 : i32
      %mul3A_41 = arith.constant 8 : i32
      %mul3A_42 = arith.muli %arg1, %mul3A_41 : i32
      %run_scoped3A_43 = arith.constant 1 : i32
      "tpu.region"() ({
        %run_scoped3A_44 = tpu.sem_alloc : memref<!tpu.dma_semaphore, #tpu.memory_space<semaphore_mem>>
        %dma_start3A = arith.constant 0 : i32
        %dma_start3A_45 = tpu.memref_slice %arg5[%arg0, %run_scoped3A_43, %mul3A_42, %dma_start3A] : memref<2x2x80x128xf32, #tpu.memory_space<hbm>> -> memref<1x1x8x128xf32, #tpu.memory_space<hbm>>
        %dma_start3A_46 = tpu.memref_squeeze %dma_start3A_45 : memref<1x1x8x128xf32, #tpu.memory_space<hbm>> -> memref<8x128xf32, #tpu.memory_space<hbm>>
        %dma_start3A_47 = arith.constant 0 : i32
        %dma_start3A_48 = tpu.memref_slice %arg12[%mul3A_40, %dma_start3A_47] : memref<80x128xf32, #tpu.memory_space<vmem_shared>> -> memref<8x128xf32, #tpu.memory_space<vmem_shared>>
        tpu.enqueue_dma source(%dma_start3A_48 : memref<8x128xf32, #tpu.memory_space<vmem_shared>>) target(%dma_start3A_46 : memref<8x128xf32, #tpu.memory_space<hbm>>) target_semaphore(%run_scoped3A_44 : memref<!tpu.dma_semaphore, #tpu.memory_space<semaphore_mem>>)
        %dma_wait3A = arith.constant 0 : i32
        %dma_wait3A_49 = tpu.memref_slice %arg5[%arg0, %run_scoped3A_43, %mul3A_42, %dma_wait3A] : memref<2x2x80x128xf32, #tpu.memory_space<hbm>> -> memref<1x1x8x128xf32, #tpu.memory_space<hbm>>
        %dma_wait3A_50 = tpu.memref_squeeze %dma_wait3A_49 : memref<1x1x8x128xf32, #tpu.memory_space<hbm>> -> memref<8x128xf32, #tpu.memory_space<hbm>>
        %dma_wait3A_51 = arith.constant 0 : i32
        %dma_wait3A_52 = tpu.memref_slice %arg12[%mul3A_40, %dma_wait3A_51] : memref<80x128xf32, #tpu.memory_space<vmem_shared>> -> memref<8x128xf32, #tpu.memory_space<vmem_shared>>
        tpu.wait_dma2 semaphore(%run_scoped3A_44 : memref<!tpu.dma_semaphore, #tpu.memory_space<semaphore_mem>>) src(%dma_wait3A_52 : memref<8x128xf32, #tpu.memory_space<vmem_shared>>) dst(%dma_wait3A_50 : memref<8x128xf32, #tpu.memory_space<hbm>>)
        tpu.yield
      }) : () -> ()
    } else {
    }
    return
  }
}

#map = affine_map<(d0, d1) -> (0, 0, 0)>
#map1 = affine_map<(d0, d1) -> (0, 0, 0, 0)>
#map2 = affine_map<(d0, d1) -> (0, 0)>
module attributes {stable_mosaic.version = 14 : i64} {
  func.func @_prop_body(%arg0: i32, %arg1: i32, %arg2: memref<2x10240x128xf32, #tpu.memory_space<hbm>>, %arg3: memref<2x16x79x128xi32, #tpu.memory_space<hbm>>, %arg4: memref<2x16x79x128xi32, #tpu.memory_space<hbm>>, %arg5: memref<640x128xf32, #tpu.memory_space<hbm>>, %arg6: memref<2x10240x128xf32, #tpu.memory_space<hbm>>, %arg7: memref<40x128xi32, #tpu.memory_space<vmem>>, %arg8: memref<40x128xi32, #tpu.memory_space<vmem>>, %arg9: memref<128x128xf32, #tpu.memory_space<vmem>>, %arg10: memref<128x128xf32, #tpu.memory_space<vmem>>, %arg11: memref<10240x128xf32, #tpu.memory_space<vmem_shared>>, %arg12: memref<!tpu.dma_semaphore, #tpu.memory_space<semaphore_mem>>, %arg13: memref<!tpu.dma_semaphore, #tpu.memory_space<semaphore_mem>>) attributes {dimension_semantics = [#tpu.dimension_semantics<core_parallel>, #tpu.dimension_semantics<subcore_parallel>], iteration_bounds = array<i64: 2, 16>, scalar_prefetch = 0 : i64, scratch_operands = 7 : i64, tpu.core_type = #tpu.core_type<sc_vector_subcore>, window_params = [{transform_indices = #map}, {transform_indices = #map1}, {transform_indices = #map1}, {transform_indices = #map2}, {transform_indices = #map}]} {
    %mul3A = arith.constant 640 : i32
    %mul3A_0 = arith.muli %arg1, %mul3A : i32
    "tpu.region"() ({
      %run_scoped3A = tpu.sem_alloc : memref<!tpu.dma_semaphore, #tpu.memory_space<semaphore_mem>>
      %dma_start3A_34 = arith.constant 0 : i32
      %dma_start3A_35 = tpu.memref_slice %arg11[%mul3A_0, %dma_start3A_34] : memref<10240x128xf32, #tpu.memory_space<vmem_shared>> -> memref<640x128xf32, #tpu.memory_space<vmem_shared>>
      tpu.enqueue_dma source(%arg5 : memref<640x128xf32, #tpu.memory_space<hbm>>) target(%dma_start3A_35 : memref<640x128xf32, #tpu.memory_space<vmem_shared>>) target_semaphore(%run_scoped3A : memref<!tpu.dma_semaphore, #tpu.memory_space<semaphore_mem>>)
      %dma_wait3A = arith.constant 0 : i32
      %dma_wait3A_36 = tpu.memref_slice %arg11[%mul3A_0, %dma_wait3A] : memref<10240x128xf32, #tpu.memory_space<vmem_shared>> -> memref<640x128xf32, #tpu.memory_space<vmem_shared>>
      tpu.wait_dma2 semaphore(%run_scoped3A : memref<!tpu.dma_semaphore, #tpu.memory_space<semaphore_mem>>) src(%arg5 : memref<640x128xf32, #tpu.memory_space<hbm>>) dst(%dma_wait3A_36 : memref<640x128xf32, #tpu.memory_space<vmem_shared>>)
      tpu.yield
    }) : () -> ()
    %barrier3A = arith.constant 0 : index
    tpu.barrier barrier_id(%barrier3A)
    "tpu.region"() ({
      %run_scoped3A = tpu.sem_alloc : memref<!tpu.dma_semaphore, #tpu.memory_space<semaphore_mem>>
      %dma_start3A_34 = arith.constant 0 : i32
      %dma_start3A_35 = arith.constant 0 : i32
      %dma_start3A_36 = tpu.memref_slice %arg7[%dma_start3A_34, %dma_start3A_35] : memref<40x128xi32, #tpu.memory_space<vmem>> -> memref<40x128xi32, #tpu.memory_space<vmem>>
      %dma_start3A_37 = arith.constant 0 : i32
      %dma_start3A_38 = arith.constant 0 : i32
      %dma_start3A_39 = tpu.memref_slice %arg3[%arg0, %arg1, %dma_start3A_37, %dma_start3A_38] : memref<2x16x79x128xi32, #tpu.memory_space<hbm>> -> memref<1x1x40x128xi32, #tpu.memory_space<hbm>>
      %dma_start3A_40 = tpu.memref_squeeze %dma_start3A_39 : memref<1x1x40x128xi32, #tpu.memory_space<hbm>> -> memref<40x128xi32, #tpu.memory_space<hbm>>
      %dma_start3A_41 = arith.constant 0 : i32
      %dma_start3A_42 = arith.constant 0 : i32
      %dma_start3A_43 = tpu.memref_slice %arg7[%dma_start3A_41, %dma_start3A_42] : memref<40x128xi32, #tpu.memory_space<vmem>> -> memref<40x128xi32, #tpu.memory_space<vmem>>
      %dma_start3A_44 = arith.constant 0 : i32
      %dma_start3A_45 = arith.constant 0 : i32
      %dma_start3A_46 = tpu.memref_slice %arg3[%arg0, %arg1, %dma_start3A_44, %dma_start3A_45] : memref<2x16x79x128xi32, #tpu.memory_space<hbm>> -> memref<1x1x40x128xi32, #tpu.memory_space<hbm>>
      %dma_start3A_47 = tpu.memref_squeeze %dma_start3A_46 : memref<1x1x40x128xi32, #tpu.memory_space<hbm>> -> memref<40x128xi32, #tpu.memory_space<hbm>>
      tpu.enqueue_dma source(%dma_start3A_47 : memref<40x128xi32, #tpu.memory_space<hbm>>) target(%dma_start3A_43 : memref<40x128xi32, #tpu.memory_space<vmem>>) target_semaphore(%run_scoped3A : memref<!tpu.dma_semaphore, #tpu.memory_space<semaphore_mem>>)
      %dma_wait3A = arith.constant 0 : i32
      %dma_wait3A_48 = arith.constant 0 : i32
      %dma_wait3A_49 = tpu.memref_slice %arg7[%dma_wait3A, %dma_wait3A_48] : memref<40x128xi32, #tpu.memory_space<vmem>> -> memref<40x128xi32, #tpu.memory_space<vmem>>
      %dma_wait3A_50 = arith.constant 0 : i32
      %dma_wait3A_51 = arith.constant 0 : i32
      %dma_wait3A_52 = tpu.memref_slice %arg3[%arg0, %arg1, %dma_wait3A_50, %dma_wait3A_51] : memref<2x16x79x128xi32, #tpu.memory_space<hbm>> -> memref<1x1x40x128xi32, #tpu.memory_space<hbm>>
      %dma_wait3A_53 = tpu.memref_squeeze %dma_wait3A_52 : memref<1x1x40x128xi32, #tpu.memory_space<hbm>> -> memref<40x128xi32, #tpu.memory_space<hbm>>
      %dma_wait3A_54 = arith.constant 0 : i32
      %dma_wait3A_55 = arith.constant 0 : i32
      %dma_wait3A_56 = tpu.memref_slice %arg7[%dma_wait3A_54, %dma_wait3A_55] : memref<40x128xi32, #tpu.memory_space<vmem>> -> memref<40x128xi32, #tpu.memory_space<vmem>>
      %dma_wait3A_57 = arith.constant 0 : i32
      %dma_wait3A_58 = arith.constant 0 : i32
      %dma_wait3A_59 = tpu.memref_slice %arg3[%arg0, %arg1, %dma_wait3A_57, %dma_wait3A_58] : memref<2x16x79x128xi32, #tpu.memory_space<hbm>> -> memref<1x1x40x128xi32, #tpu.memory_space<hbm>>
      %dma_wait3A_60 = tpu.memref_squeeze %dma_wait3A_59 : memref<1x1x40x128xi32, #tpu.memory_space<hbm>> -> memref<40x128xi32, #tpu.memory_space<hbm>>
      tpu.wait_dma2 semaphore(%run_scoped3A : memref<!tpu.dma_semaphore, #tpu.memory_space<semaphore_mem>>) src(%dma_wait3A_60 : memref<40x128xi32, #tpu.memory_space<hbm>>) dst(%dma_wait3A_56 : memref<40x128xi32, #tpu.memory_space<vmem>>)
      tpu.yield
    }) : () -> ()
    "tpu.region"() ({
      %run_scoped3A = tpu.sem_alloc : memref<!tpu.dma_semaphore, #tpu.memory_space<semaphore_mem>>
      %dma_start3A_34 = arith.constant 0 : i32
      %dma_start3A_35 = arith.constant 0 : i32
      %dma_start3A_36 = tpu.memref_slice %arg8[%dma_start3A_34, %dma_start3A_35] : memref<40x128xi32, #tpu.memory_space<vmem>> -> memref<40x128xi32, #tpu.memory_space<vmem>>
      %dma_start3A_37 = arith.constant 0 : i32
      %dma_start3A_38 = arith.constant 0 : i32
      %dma_start3A_39 = tpu.memref_slice %arg4[%arg0, %arg1, %dma_start3A_37, %dma_start3A_38] : memref<2x16x79x128xi32, #tpu.memory_space<hbm>> -> memref<1x1x40x128xi32, #tpu.memory_space<hbm>>
      %dma_start3A_40 = tpu.memref_squeeze %dma_start3A_39 : memref<1x1x40x128xi32, #tpu.memory_space<hbm>> -> memref<40x128xi32, #tpu.memory_space<hbm>>
      %dma_start3A_41 = arith.constant 0 : i32
      %dma_start3A_42 = arith.constant 0 : i32
      %dma_start3A_43 = tpu.memref_slice %arg8[%dma_start3A_41, %dma_start3A_42] : memref<40x128xi32, #tpu.memory_space<vmem>> -> memref<40x128xi32, #tpu.memory_space<vmem>>
      %dma_start3A_44 = arith.constant 0 : i32
      %dma_start3A_45 = arith.constant 0 : i32
      %dma_start3A_46 = tpu.memref_slice %arg4[%arg0, %arg1, %dma_start3A_44, %dma_start3A_45] : memref<2x16x79x128xi32, #tpu.memory_space<hbm>> -> memref<1x1x40x128xi32, #tpu.memory_space<hbm>>
      %dma_start3A_47 = tpu.memref_squeeze %dma_start3A_46 : memref<1x1x40x128xi32, #tpu.memory_space<hbm>> -> memref<40x128xi32, #tpu.memory_space<hbm>>
      tpu.enqueue_dma source(%dma_start3A_47 : memref<40x128xi32, #tpu.memory_space<hbm>>) target(%dma_start3A_43 : memref<40x128xi32, #tpu.memory_space<vmem>>) target_semaphore(%run_scoped3A : memref<!tpu.dma_semaphore, #tpu.memory_space<semaphore_mem>>)
      %dma_wait3A = arith.constant 0 : i32
      %dma_wait3A_48 = arith.constant 0 : i32
      %dma_wait3A_49 = tpu.memref_slice %arg8[%dma_wait3A, %dma_wait3A_48] : memref<40x128xi32, #tpu.memory_space<vmem>> -> memref<40x128xi32, #tpu.memory_space<vmem>>
      %dma_wait3A_50 = arith.constant 0 : i32
      %dma_wait3A_51 = arith.constant 0 : i32
      %dma_wait3A_52 = tpu.memref_slice %arg4[%arg0, %arg1, %dma_wait3A_50, %dma_wait3A_51] : memref<2x16x79x128xi32, #tpu.memory_space<hbm>> -> memref<1x1x40x128xi32, #tpu.memory_space<hbm>>
      %dma_wait3A_53 = tpu.memref_squeeze %dma_wait3A_52 : memref<1x1x40x128xi32, #tpu.memory_space<hbm>> -> memref<40x128xi32, #tpu.memory_space<hbm>>
      %dma_wait3A_54 = arith.constant 0 : i32
      %dma_wait3A_55 = arith.constant 0 : i32
      %dma_wait3A_56 = tpu.memref_slice %arg8[%dma_wait3A_54, %dma_wait3A_55] : memref<40x128xi32, #tpu.memory_space<vmem>> -> memref<40x128xi32, #tpu.memory_space<vmem>>
      %dma_wait3A_57 = arith.constant 0 : i32
      %dma_wait3A_58 = arith.constant 0 : i32
      %dma_wait3A_59 = tpu.memref_slice %arg4[%arg0, %arg1, %dma_wait3A_57, %dma_wait3A_58] : memref<2x16x79x128xi32, #tpu.memory_space<hbm>> -> memref<1x1x40x128xi32, #tpu.memory_space<hbm>>
      %dma_wait3A_60 = tpu.memref_squeeze %dma_wait3A_59 : memref<1x1x40x128xi32, #tpu.memory_space<hbm>> -> memref<40x128xi32, #tpu.memory_space<hbm>>
      tpu.wait_dma2 semaphore(%run_scoped3A : memref<!tpu.dma_semaphore, #tpu.memory_space<semaphore_mem>>) src(%dma_wait3A_60 : memref<40x128xi32, #tpu.memory_space<hbm>>) dst(%dma_wait3A_56 : memref<40x128xi32, #tpu.memory_space<vmem>>)
      tpu.yield
    }) : () -> ()
    %dma_start3A = arith.constant 0 : i32
    %dma_start3A_1 = arith.constant 0 : i32
    %dma_start3A_2 = tpu.memref_slice %arg7[%dma_start3A, %dma_start3A_1] : memref<40x128xi32, #tpu.memory_space<vmem>> -> memref<1x128xi32, #tpu.memory_space<vmem>>
    %dma_start3A_3 = tpu.memref_squeeze %dma_start3A_2 : memref<1x128xi32, #tpu.memory_space<vmem>> -> memref<128xi32, #tpu.memory_space<vmem>>
    %dma_start3A_4 = arith.constant 0 : i32
    %dma_start3A_5 = arith.constant 0 : i32
    %dma_start3A_6 = tpu.memref_slice %arg2[%arg0, %dma_start3A_4, %dma_start3A_5] : memref<2x10240x128xf32, #tpu.memory_space<hbm>> -> memref<1x10240x128xf32, #tpu.memory_space<hbm>>
    %dma_start3A_7 = tpu.memref_squeeze %dma_start3A_6 : memref<1x10240x128xf32, #tpu.memory_space<hbm>> -> memref<10240x128xf32, #tpu.memory_space<hbm>>
    %dma_start3A_8 = arith.constant 0 : i32
    %dma_start3A_9 = arith.constant 0 : i32
    %dma_start3A_10 = tpu.memref_slice %dma_start3A_7[%dma_start3A_8, %dma_start3A_9] : memref<10240x128xf32, #tpu.memory_space<hbm>> -> memref<10240x128xf32, #tpu.memory_space<hbm>>
    tpu.enqueue_indirect_dma source(%dma_start3A_10 : memref<10240x128xf32, #tpu.memory_space<hbm>>) target(%arg9 : memref<128x128xf32, #tpu.memory_space<vmem>>) offsets(%dma_start3A_3 : memref<128xi32, #tpu.memory_space<vmem>>) semaphore(%arg12 : memref<!tpu.dma_semaphore, #tpu.memory_space<semaphore_mem>>)
    %scan3A = arith.constant 0 : i32
    %scan3A_11 = arith.constant 0 : i32
    %scan3A_12 = arith.constant 20 : i32
    %scan3A_13 = arith.addi %scan3A_11, %scan3A_12 : i32
    %scan3A_14 = arith.constant 1 : i32
    scf.for %scan3A_34 = %scan3A_11 to %scan3A_13 step %scan3A_14  : i32 {
      %mul3A_35 = arith.constant 2 : i32
      %mul3A_36 = arith.muli %mul3A_35, %scan3A_34 : i32
      %add3A = arith.constant 1 : i32
      %add3A_37 = arith.addi %mul3A_36, %add3A : i32
      %lt3A = arith.constant 40 : i32
      %lt3A_38 = arith.cmpi slt, %add3A_37, %lt3A : i32
      %convert_element_type3A = arith.extui %lt3A_38 : i1 to i32
      %cond3A = arith.constant 0 : i32
      %cond3A_39 = arith.cmpi ne, %convert_element_type3A, %cond3A : i32
      scf.if %cond3A_39 {
        %add3A_56 = arith.constant 1 : i32
        %add3A_57 = arith.addi %mul3A_36, %add3A_56 : i32
        %dma_start3A_58 = arith.constant 0 : i32
        %dma_start3A_59 = tpu.memref_slice %arg7[%add3A_57, %dma_start3A_58] : memref<40x128xi32, #tpu.memory_space<vmem>> -> memref<1x128xi32, #tpu.memory_space<vmem>>
        %dma_start3A_60 = tpu.memref_squeeze %dma_start3A_59 : memref<1x128xi32, #tpu.memory_space<vmem>> -> memref<128xi32, #tpu.memory_space<vmem>>
        %dma_start3A_61 = arith.constant 0 : i32
        %dma_start3A_62 = arith.constant 0 : i32
        %dma_start3A_63 = tpu.memref_slice %arg2[%arg0, %dma_start3A_61, %dma_start3A_62] : memref<2x10240x128xf32, #tpu.memory_space<hbm>> -> memref<1x10240x128xf32, #tpu.memory_space<hbm>>
        %dma_start3A_64 = tpu.memref_squeeze %dma_start3A_63 : memref<1x10240x128xf32, #tpu.memory_space<hbm>> -> memref<10240x128xf32, #tpu.memory_space<hbm>>
        %dma_start3A_65 = arith.constant 0 : i32
        %dma_start3A_66 = arith.constant 0 : i32
        %dma_start3A_67 = tpu.memref_slice %dma_start3A_64[%dma_start3A_65, %dma_start3A_66] : memref<10240x128xf32, #tpu.memory_space<hbm>> -> memref<10240x128xf32, #tpu.memory_space<hbm>>
        tpu.enqueue_indirect_dma source(%dma_start3A_67 : memref<10240x128xf32, #tpu.memory_space<hbm>>) target(%arg10 : memref<128x128xf32, #tpu.memory_space<vmem>>) offsets(%dma_start3A_60 : memref<128xi32, #tpu.memory_space<vmem>>) semaphore(%arg13 : memref<!tpu.dma_semaphore, #tpu.memory_space<semaphore_mem>>)
      } else {
      }
      %dma_wait3A = arith.constant 0 : i32
      %dma_wait3A_40 = tpu.memref_slice %arg7[%mul3A_36, %dma_wait3A] : memref<40x128xi32, #tpu.memory_space<vmem>> -> memref<1x128xi32, #tpu.memory_space<vmem>>
      %dma_wait3A_41 = tpu.memref_squeeze %dma_wait3A_40 : memref<1x128xi32, #tpu.memory_space<vmem>> -> memref<128xi32, #tpu.memory_space<vmem>>
      %dma_wait3A_42 = arith.constant 0 : i32
      %dma_wait3A_43 = arith.constant 0 : i32
      %dma_wait3A_44 = tpu.memref_slice %arg2[%arg0, %dma_wait3A_42, %dma_wait3A_43] : memref<2x10240x128xf32, #tpu.memory_space<hbm>> -> memref<1x10240x128xf32, #tpu.memory_space<hbm>>
      %dma_wait3A_45 = tpu.memref_squeeze %dma_wait3A_44 : memref<1x10240x128xf32, #tpu.memory_space<hbm>> -> memref<10240x128xf32, #tpu.memory_space<hbm>>
      %dma_wait3A_46 = arith.constant 0 : i32
      %dma_wait3A_47 = arith.constant 0 : i32
      %dma_wait3A_48 = tpu.memref_slice %dma_wait3A_45[%dma_wait3A_46, %dma_wait3A_47] : memref<10240x128xf32, #tpu.memory_space<hbm>> -> memref<10240x128xf32, #tpu.memory_space<hbm>>
      tpu.wait_indirect_dma semaphore(%arg12 : memref<!tpu.dma_semaphore, #tpu.memory_space<semaphore_mem>>) src(%dma_wait3A_48 : memref<10240x128xf32, #tpu.memory_space<hbm>>) dst(%arg9 : memref<128x128xf32, #tpu.memory_space<vmem>>)
      "tpu.region"() ({
        %run_scoped3A = tpu.sem_alloc : memref<!tpu.dma_semaphore, #tpu.memory_space<semaphore_mem>>
        %dma_start3A_56 = arith.constant 0 : i32
        %dma_start3A_57 = tpu.memref_slice %arg8[%mul3A_36, %dma_start3A_56] : memref<40x128xi32, #tpu.memory_space<vmem>> -> memref<1x128xi32, #tpu.memory_space<vmem>>
        %dma_start3A_58 = tpu.memref_squeeze %dma_start3A_57 : memref<1x128xi32, #tpu.memory_space<vmem>> -> memref<128xi32, #tpu.memory_space<vmem>>
        %dma_start3A_59 = arith.constant 0 : i32
        %dma_start3A_60 = arith.constant 0 : i32
        %dma_start3A_61 = tpu.memref_slice %arg11[%dma_start3A_59, %dma_start3A_60] : memref<10240x128xf32, #tpu.memory_space<vmem_shared>> -> memref<10240x128xf32, #tpu.memory_space<vmem_shared>>
        tpu.enqueue_indirect_dma source(%arg9 : memref<128x128xf32, #tpu.memory_space<vmem>>) target(%dma_start3A_61 : memref<10240x128xf32, #tpu.memory_space<vmem_shared>>) offsets(%dma_start3A_58 : memref<128xi32, #tpu.memory_space<vmem>>) semaphore(%run_scoped3A : memref<!tpu.dma_semaphore, #tpu.memory_space<semaphore_mem>>) {add = true}
        %dma_wait3A_62 = arith.constant 0 : i32
        %dma_wait3A_63 = tpu.memref_slice %arg8[%mul3A_36, %dma_wait3A_62] : memref<40x128xi32, #tpu.memory_space<vmem>> -> memref<1x128xi32, #tpu.memory_space<vmem>>
        %dma_wait3A_64 = tpu.memref_squeeze %dma_wait3A_63 : memref<1x128xi32, #tpu.memory_space<vmem>> -> memref<128xi32, #tpu.memory_space<vmem>>
        %dma_wait3A_65 = arith.constant 0 : i32
        %dma_wait3A_66 = arith.constant 0 : i32
        %dma_wait3A_67 = tpu.memref_slice %arg11[%dma_wait3A_65, %dma_wait3A_66] : memref<10240x128xf32, #tpu.memory_space<vmem_shared>> -> memref<10240x128xf32, #tpu.memory_space<vmem_shared>>
        tpu.wait_indirect_dma semaphore(%run_scoped3A : memref<!tpu.dma_semaphore, #tpu.memory_space<semaphore_mem>>) src(%arg9 : memref<128x128xf32, #tpu.memory_space<vmem>>) dst(%dma_wait3A_67 : memref<10240x128xf32, #tpu.memory_space<vmem_shared>>)
        tpu.yield
      }) : () -> ()
      %add3A_49 = arith.constant 1 : i32
      %add3A_50 = arith.addi %mul3A_36, %add3A_49 : i32
      %lt3A_51 = arith.constant 40 : i32
      %lt3A_52 = arith.cmpi slt, %add3A_50, %lt3A_51 : i32
      %convert_element_type3A_53 = arith.extui %lt3A_52 : i1 to i32
      %cond3A_54 = arith.constant 0 : i32
      %cond3A_55 = arith.cmpi ne, %convert_element_type3A_53, %cond3A_54 : i32
      scf.if %cond3A_55 {
        %add3A_56 = arith.constant 2 : i32
        %add3A_57 = arith.addi %mul3A_36, %add3A_56 : i32
        %lt3A_58 = arith.constant 40 : i32
        %lt3A_59 = arith.cmpi slt, %add3A_57, %lt3A_58 : i32
        %convert_element_type3A_60 = arith.extui %lt3A_59 : i1 to i32
        %cond3A_61 = arith.constant 0 : i32
        %cond3A_62 = arith.cmpi ne, %convert_element_type3A_60, %cond3A_61 : i32
        scf.if %cond3A_62 {
          %add3A_77 = arith.constant 2 : i32
          %add3A_78 = arith.addi %mul3A_36, %add3A_77 : i32
          %dma_start3A_79 = arith.constant 0 : i32
          %dma_start3A_80 = tpu.memref_slice %arg7[%add3A_78, %dma_start3A_79] : memref<40x128xi32, #tpu.memory_space<vmem>> -> memref<1x128xi32, #tpu.memory_space<vmem>>
          %dma_start3A_81 = tpu.memref_squeeze %dma_start3A_80 : memref<1x128xi32, #tpu.memory_space<vmem>> -> memref<128xi32, #tpu.memory_space<vmem>>
          %dma_start3A_82 = arith.constant 0 : i32
          %dma_start3A_83 = arith.constant 0 : i32
          %dma_start3A_84 = tpu.memref_slice %arg2[%arg0, %dma_start3A_82, %dma_start3A_83] : memref<2x10240x128xf32, #tpu.memory_space<hbm>> -> memref<1x10240x128xf32, #tpu.memory_space<hbm>>
          %dma_start3A_85 = tpu.memref_squeeze %dma_start3A_84 : memref<1x10240x128xf32, #tpu.memory_space<hbm>> -> memref<10240x128xf32, #tpu.memory_space<hbm>>
          %dma_start3A_86 = arith.constant 0 : i32
          %dma_start3A_87 = arith.constant 0 : i32
          %dma_start3A_88 = tpu.memref_slice %dma_start3A_85[%dma_start3A_86, %dma_start3A_87] : memref<10240x128xf32, #tpu.memory_space<hbm>> -> memref<10240x128xf32, #tpu.memory_space<hbm>>
          tpu.enqueue_indirect_dma source(%dma_start3A_88 : memref<10240x128xf32, #tpu.memory_space<hbm>>) target(%arg9 : memref<128x128xf32, #tpu.memory_space<vmem>>) offsets(%dma_start3A_81 : memref<128xi32, #tpu.memory_space<vmem>>) semaphore(%arg12 : memref<!tpu.dma_semaphore, #tpu.memory_space<semaphore_mem>>)
        } else {
        }
        %add3A_63 = arith.constant 1 : i32
        %add3A_64 = arith.addi %mul3A_36, %add3A_63 : i32
        %dma_wait3A_65 = arith.constant 0 : i32
        %dma_wait3A_66 = tpu.memref_slice %arg7[%add3A_64, %dma_wait3A_65] : memref<40x128xi32, #tpu.memory_space<vmem>> -> memref<1x128xi32, #tpu.memory_space<vmem>>
        %dma_wait3A_67 = tpu.memref_squeeze %dma_wait3A_66 : memref<1x128xi32, #tpu.memory_space<vmem>> -> memref<128xi32, #tpu.memory_space<vmem>>
        %dma_wait3A_68 = arith.constant 0 : i32
        %dma_wait3A_69 = arith.constant 0 : i32
        %dma_wait3A_70 = tpu.memref_slice %arg2[%arg0, %dma_wait3A_68, %dma_wait3A_69] : memref<2x10240x128xf32, #tpu.memory_space<hbm>> -> memref<1x10240x128xf32, #tpu.memory_space<hbm>>
        %dma_wait3A_71 = tpu.memref_squeeze %dma_wait3A_70 : memref<1x10240x128xf32, #tpu.memory_space<hbm>> -> memref<10240x128xf32, #tpu.memory_space<hbm>>
        %dma_wait3A_72 = arith.constant 0 : i32
        %dma_wait3A_73 = arith.constant 0 : i32
        %dma_wait3A_74 = tpu.memref_slice %dma_wait3A_71[%dma_wait3A_72, %dma_wait3A_73] : memref<10240x128xf32, #tpu.memory_space<hbm>> -> memref<10240x128xf32, #tpu.memory_space<hbm>>
        tpu.wait_indirect_dma semaphore(%arg13 : memref<!tpu.dma_semaphore, #tpu.memory_space<semaphore_mem>>) src(%dma_wait3A_74 : memref<10240x128xf32, #tpu.memory_space<hbm>>) dst(%arg10 : memref<128x128xf32, #tpu.memory_space<vmem>>)
        %add3A_75 = arith.constant 1 : i32
        %add3A_76 = arith.addi %mul3A_36, %add3A_75 : i32
        "tpu.region"() ({
          %run_scoped3A = tpu.sem_alloc : memref<!tpu.dma_semaphore, #tpu.memory_space<semaphore_mem>>
          %dma_start3A_77 = arith.constant 0 : i32
          %dma_start3A_78 = tpu.memref_slice %arg8[%add3A_76, %dma_start3A_77] : memref<40x128xi32, #tpu.memory_space<vmem>> -> memref<1x128xi32, #tpu.memory_space<vmem>>
          %dma_start3A_79 = tpu.memref_squeeze %dma_start3A_78 : memref<1x128xi32, #tpu.memory_space<vmem>> -> memref<128xi32, #tpu.memory_space<vmem>>
          %dma_start3A_80 = arith.constant 0 : i32
          %dma_start3A_81 = arith.constant 0 : i32
          %dma_start3A_82 = tpu.memref_slice %arg11[%dma_start3A_80, %dma_start3A_81] : memref<10240x128xf32, #tpu.memory_space<vmem_shared>> -> memref<10240x128xf32, #tpu.memory_space<vmem_shared>>
          tpu.enqueue_indirect_dma source(%arg10 : memref<128x128xf32, #tpu.memory_space<vmem>>) target(%dma_start3A_82 : memref<10240x128xf32, #tpu.memory_space<vmem_shared>>) offsets(%dma_start3A_79 : memref<128xi32, #tpu.memory_space<vmem>>) semaphore(%run_scoped3A : memref<!tpu.dma_semaphore, #tpu.memory_space<semaphore_mem>>) {add = true}
          %dma_wait3A_83 = arith.constant 0 : i32
          %dma_wait3A_84 = tpu.memref_slice %arg8[%add3A_76, %dma_wait3A_83] : memref<40x128xi32, #tpu.memory_space<vmem>> -> memref<1x128xi32, #tpu.memory_space<vmem>>
          %dma_wait3A_85 = tpu.memref_squeeze %dma_wait3A_84 : memref<1x128xi32, #tpu.memory_space<vmem>> -> memref<128xi32, #tpu.memory_space<vmem>>
          %dma_wait3A_86 = arith.constant 0 : i32
          %dma_wait3A_87 = arith.constant 0 : i32
          %dma_wait3A_88 = tpu.memref_slice %arg11[%dma_wait3A_86, %dma_wait3A_87] : memref<10240x128xf32, #tpu.memory_space<vmem_shared>> -> memref<10240x128xf32, #tpu.memory_space<vmem_shared>>
          tpu.wait_indirect_dma semaphore(%run_scoped3A : memref<!tpu.dma_semaphore, #tpu.memory_space<semaphore_mem>>) src(%arg10 : memref<128x128xf32, #tpu.memory_space<vmem>>) dst(%dma_wait3A_88 : memref<10240x128xf32, #tpu.memory_space<vmem_shared>>)
          tpu.yield
        }) : () -> ()
      } else {
      }
    }
    %scan3A_15 = arith.constant 20 : i32
    "tpu.region"() ({
      %run_scoped3A = tpu.sem_alloc : memref<!tpu.dma_semaphore, #tpu.memory_space<semaphore_mem>>
      %dma_start3A_34 = arith.constant 0 : i32
      %dma_start3A_35 = arith.constant 0 : i32
      %dma_start3A_36 = tpu.memref_slice %arg7[%dma_start3A_34, %dma_start3A_35] : memref<40x128xi32, #tpu.memory_space<vmem>> -> memref<39x128xi32, #tpu.memory_space<vmem>>
      %dma_start3A_37 = arith.constant 40 : i32
      %dma_start3A_38 = arith.constant 0 : i32
      %dma_start3A_39 = tpu.memref_slice %arg3[%arg0, %arg1, %dma_start3A_37, %dma_start3A_38] : memref<2x16x79x128xi32, #tpu.memory_space<hbm>> -> memref<1x1x39x128xi32, #tpu.memory_space<hbm>>
      %dma_start3A_40 = tpu.memref_squeeze %dma_start3A_39 : memref<1x1x39x128xi32, #tpu.memory_space<hbm>> -> memref<39x128xi32, #tpu.memory_space<hbm>>
      %dma_start3A_41 = arith.constant 0 : i32
      %dma_start3A_42 = arith.constant 0 : i32
      %dma_start3A_43 = tpu.memref_slice %arg7[%dma_start3A_41, %dma_start3A_42] : memref<40x128xi32, #tpu.memory_space<vmem>> -> memref<39x128xi32, #tpu.memory_space<vmem>>
      %dma_start3A_44 = arith.constant 40 : i32
      %dma_start3A_45 = arith.constant 0 : i32
      %dma_start3A_46 = tpu.memref_slice %arg3[%arg0, %arg1, %dma_start3A_44, %dma_start3A_45] : memref<2x16x79x128xi32, #tpu.memory_space<hbm>> -> memref<1x1x39x128xi32, #tpu.memory_space<hbm>>
      %dma_start3A_47 = tpu.memref_squeeze %dma_start3A_46 : memref<1x1x39x128xi32, #tpu.memory_space<hbm>> -> memref<39x128xi32, #tpu.memory_space<hbm>>
      tpu.enqueue_dma source(%dma_start3A_47 : memref<39x128xi32, #tpu.memory_space<hbm>>) target(%dma_start3A_43 : memref<39x128xi32, #tpu.memory_space<vmem>>) target_semaphore(%run_scoped3A : memref<!tpu.dma_semaphore, #tpu.memory_space<semaphore_mem>>)
      %dma_wait3A = arith.constant 0 : i32
      %dma_wait3A_48 = arith.constant 0 : i32
      %dma_wait3A_49 = tpu.memref_slice %arg7[%dma_wait3A, %dma_wait3A_48] : memref<40x128xi32, #tpu.memory_space<vmem>> -> memref<39x128xi32, #tpu.memory_space<vmem>>
      %dma_wait3A_50 = arith.constant 40 : i32
      %dma_wait3A_51 = arith.constant 0 : i32
      %dma_wait3A_52 = tpu.memref_slice %arg3[%arg0, %arg1, %dma_wait3A_50, %dma_wait3A_51] : memref<2x16x79x128xi32, #tpu.memory_space<hbm>> -> memref<1x1x39x128xi32, #tpu.memory_space<hbm>>
      %dma_wait3A_53 = tpu.memref_squeeze %dma_wait3A_52 : memref<1x1x39x128xi32, #tpu.memory_space<hbm>> -> memref<39x128xi32, #tpu.memory_space<hbm>>
      %dma_wait3A_54 = arith.constant 0 : i32
      %dma_wait3A_55 = arith.constant 0 : i32
      %dma_wait3A_56 = tpu.memref_slice %arg7[%dma_wait3A_54, %dma_wait3A_55] : memref<40x128xi32, #tpu.memory_space<vmem>> -> memref<39x128xi32, #tpu.memory_space<vmem>>
      %dma_wait3A_57 = arith.constant 40 : i32
      %dma_wait3A_58 = arith.constant 0 : i32
      %dma_wait3A_59 = tpu.memref_slice %arg3[%arg0, %arg1, %dma_wait3A_57, %dma_wait3A_58] : memref<2x16x79x128xi32, #tpu.memory_space<hbm>> -> memref<1x1x39x128xi32, #tpu.memory_space<hbm>>
      %dma_wait3A_60 = tpu.memref_squeeze %dma_wait3A_59 : memref<1x1x39x128xi32, #tpu.memory_space<hbm>> -> memref<39x128xi32, #tpu.memory_space<hbm>>
      tpu.wait_dma2 semaphore(%run_scoped3A : memref<!tpu.dma_semaphore, #tpu.memory_space<semaphore_mem>>) src(%dma_wait3A_60 : memref<39x128xi32, #tpu.memory_space<hbm>>) dst(%dma_wait3A_56 : memref<39x128xi32, #tpu.memory_space<vmem>>)
      tpu.yield
    }) : () -> ()
    "tpu.region"() ({
      %run_scoped3A = tpu.sem_alloc : memref<!tpu.dma_semaphore, #tpu.memory_space<semaphore_mem>>
      %dma_start3A_34 = arith.constant 0 : i32
      %dma_start3A_35 = arith.constant 0 : i32
      %dma_start3A_36 = tpu.memref_slice %arg8[%dma_start3A_34, %dma_start3A_35] : memref<40x128xi32, #tpu.memory_space<vmem>> -> memref<39x128xi32, #tpu.memory_space<vmem>>
      %dma_start3A_37 = arith.constant 40 : i32
      %dma_start3A_38 = arith.constant 0 : i32
      %dma_start3A_39 = tpu.memref_slice %arg4[%arg0, %arg1, %dma_start3A_37, %dma_start3A_38] : memref<2x16x79x128xi32, #tpu.memory_space<hbm>> -> memref<1x1x39x128xi32, #tpu.memory_space<hbm>>
      %dma_start3A_40 = tpu.memref_squeeze %dma_start3A_39 : memref<1x1x39x128xi32, #tpu.memory_space<hbm>> -> memref<39x128xi32, #tpu.memory_space<hbm>>
      %dma_start3A_41 = arith.constant 0 : i32
      %dma_start3A_42 = arith.constant 0 : i32
      %dma_start3A_43 = tpu.memref_slice %arg8[%dma_start3A_41, %dma_start3A_42] : memref<40x128xi32, #tpu.memory_space<vmem>> -> memref<39x128xi32, #tpu.memory_space<vmem>>
      %dma_start3A_44 = arith.constant 40 : i32
      %dma_start3A_45 = arith.constant 0 : i32
      %dma_start3A_46 = tpu.memref_slice %arg4[%arg0, %arg1, %dma_start3A_44, %dma_start3A_45] : memref<2x16x79x128xi32, #tpu.memory_space<hbm>> -> memref<1x1x39x128xi32, #tpu.memory_space<hbm>>
      %dma_start3A_47 = tpu.memref_squeeze %dma_start3A_46 : memref<1x1x39x128xi32, #tpu.memory_space<hbm>> -> memref<39x128xi32, #tpu.memory_space<hbm>>
      tpu.enqueue_dma source(%dma_start3A_47 : memref<39x128xi32, #tpu.memory_space<hbm>>) target(%dma_start3A_43 : memref<39x128xi32, #tpu.memory_space<vmem>>) target_semaphore(%run_scoped3A : memref<!tpu.dma_semaphore, #tpu.memory_space<semaphore_mem>>)
      %dma_wait3A = arith.constant 0 : i32
      %dma_wait3A_48 = arith.constant 0 : i32
      %dma_wait3A_49 = tpu.memref_slice %arg8[%dma_wait3A, %dma_wait3A_48] : memref<40x128xi32, #tpu.memory_space<vmem>> -> memref<39x128xi32, #tpu.memory_space<vmem>>
      %dma_wait3A_50 = arith.constant 40 : i32
      %dma_wait3A_51 = arith.constant 0 : i32
      %dma_wait3A_52 = tpu.memref_slice %arg4[%arg0, %arg1, %dma_wait3A_50, %dma_wait3A_51] : memref<2x16x79x128xi32, #tpu.memory_space<hbm>> -> memref<1x1x39x128xi32, #tpu.memory_space<hbm>>
      %dma_wait3A_53 = tpu.memref_squeeze %dma_wait3A_52 : memref<1x1x39x128xi32, #tpu.memory_space<hbm>> -> memref<39x128xi32, #tpu.memory_space<hbm>>
      %dma_wait3A_54 = arith.constant 0 : i32
      %dma_wait3A_55 = arith.constant 0 : i32
      %dma_wait3A_56 = tpu.memref_slice %arg8[%dma_wait3A_54, %dma_wait3A_55] : memref<40x128xi32, #tpu.memory_space<vmem>> -> memref<39x128xi32, #tpu.memory_space<vmem>>
      %dma_wait3A_57 = arith.constant 40 : i32
      %dma_wait3A_58 = arith.constant 0 : i32
      %dma_wait3A_59 = tpu.memref_slice %arg4[%arg0, %arg1, %dma_wait3A_57, %dma_wait3A_58] : memref<2x16x79x128xi32, #tpu.memory_space<hbm>> -> memref<1x1x39x128xi32, #tpu.memory_space<hbm>>
      %dma_wait3A_60 = tpu.memref_squeeze %dma_wait3A_59 : memref<1x1x39x128xi32, #tpu.memory_space<hbm>> -> memref<39x128xi32, #tpu.memory_space<hbm>>
      tpu.wait_dma2 semaphore(%run_scoped3A : memref<!tpu.dma_semaphore, #tpu.memory_space<semaphore_mem>>) src(%dma_wait3A_60 : memref<39x128xi32, #tpu.memory_space<hbm>>) dst(%dma_wait3A_56 : memref<39x128xi32, #tpu.memory_space<vmem>>)
      tpu.yield
    }) : () -> ()
    %dma_start3A_16 = arith.constant 0 : i32
    %dma_start3A_17 = arith.constant 0 : i32
    %dma_start3A_18 = tpu.memref_slice %arg7[%dma_start3A_16, %dma_start3A_17] : memref<40x128xi32, #tpu.memory_space<vmem>> -> memref<1x128xi32, #tpu.memory_space<vmem>>
    %dma_start3A_19 = tpu.memref_squeeze %dma_start3A_18 : memref<1x128xi32, #tpu.memory_space<vmem>> -> memref<128xi32, #tpu.memory_space<vmem>>
    %dma_start3A_20 = arith.constant 0 : i32
    %dma_start3A_21 = arith.constant 0 : i32
    %dma_start3A_22 = tpu.memref_slice %arg2[%arg0, %dma_start3A_20, %dma_start3A_21] : memref<2x10240x128xf32, #tpu.memory_space<hbm>> -> memref<1x10240x128xf32, #tpu.memory_space<hbm>>
    %dma_start3A_23 = tpu.memref_squeeze %dma_start3A_22 : memref<1x10240x128xf32, #tpu.memory_space<hbm>> -> memref<10240x128xf32, #tpu.memory_space<hbm>>
    %dma_start3A_24 = arith.constant 0 : i32
    %dma_start3A_25 = arith.constant 0 : i32
    %dma_start3A_26 = tpu.memref_slice %dma_start3A_23[%dma_start3A_24, %dma_start3A_25] : memref<10240x128xf32, #tpu.memory_space<hbm>> -> memref<10240x128xf32, #tpu.memory_space<hbm>>
    tpu.enqueue_indirect_dma source(%dma_start3A_26 : memref<10240x128xf32, #tpu.memory_space<hbm>>) target(%arg9 : memref<128x128xf32, #tpu.memory_space<vmem>>) offsets(%dma_start3A_19 : memref<128xi32, #tpu.memory_space<vmem>>) semaphore(%arg12 : memref<!tpu.dma_semaphore, #tpu.memory_space<semaphore_mem>>)
    %scan3A_27 = arith.constant 0 : i32
    %scan3A_28 = arith.constant 0 : i32
    %scan3A_29 = arith.constant 20 : i32
    %scan3A_30 = arith.addi %scan3A_28, %scan3A_29 : i32
    %scan3A_31 = arith.constant 1 : i32
    scf.for %scan3A_34 = %scan3A_28 to %scan3A_30 step %scan3A_31  : i32 {
      %mul3A_35 = arith.constant 2 : i32
      %mul3A_36 = arith.muli %mul3A_35, %scan3A_34 : i32
      %add3A = arith.constant 1 : i32
      %add3A_37 = arith.addi %mul3A_36, %add3A : i32
      %lt3A = arith.constant 39 : i32
      %lt3A_38 = arith.cmpi slt, %add3A_37, %lt3A : i32
      %convert_element_type3A = arith.extui %lt3A_38 : i1 to i32
      %cond3A = arith.constant 0 : i32
      %cond3A_39 = arith.cmpi ne, %convert_element_type3A, %cond3A : i32
      scf.if %cond3A_39 {
        %add3A_56 = arith.constant 1 : i32
        %add3A_57 = arith.addi %mul3A_36, %add3A_56 : i32
        %dma_start3A_58 = arith.constant 0 : i32
        %dma_start3A_59 = tpu.memref_slice %arg7[%add3A_57, %dma_start3A_58] : memref<40x128xi32, #tpu.memory_space<vmem>> -> memref<1x128xi32, #tpu.memory_space<vmem>>
        %dma_start3A_60 = tpu.memref_squeeze %dma_start3A_59 : memref<1x128xi32, #tpu.memory_space<vmem>> -> memref<128xi32, #tpu.memory_space<vmem>>
        %dma_start3A_61 = arith.constant 0 : i32
        %dma_start3A_62 = arith.constant 0 : i32
        %dma_start3A_63 = tpu.memref_slice %arg2[%arg0, %dma_start3A_61, %dma_start3A_62] : memref<2x10240x128xf32, #tpu.memory_space<hbm>> -> memref<1x10240x128xf32, #tpu.memory_space<hbm>>
        %dma_start3A_64 = tpu.memref_squeeze %dma_start3A_63 : memref<1x10240x128xf32, #tpu.memory_space<hbm>> -> memref<10240x128xf32, #tpu.memory_space<hbm>>
        %dma_start3A_65 = arith.constant 0 : i32
        %dma_start3A_66 = arith.constant 0 : i32
        %dma_start3A_67 = tpu.memref_slice %dma_start3A_64[%dma_start3A_65, %dma_start3A_66] : memref<10240x128xf32, #tpu.memory_space<hbm>> -> memref<10240x128xf32, #tpu.memory_space<hbm>>
        tpu.enqueue_indirect_dma source(%dma_start3A_67 : memref<10240x128xf32, #tpu.memory_space<hbm>>) target(%arg10 : memref<128x128xf32, #tpu.memory_space<vmem>>) offsets(%dma_start3A_60 : memref<128xi32, #tpu.memory_space<vmem>>) semaphore(%arg13 : memref<!tpu.dma_semaphore, #tpu.memory_space<semaphore_mem>>)
      } else {
      }
      %dma_wait3A = arith.constant 0 : i32
      %dma_wait3A_40 = tpu.memref_slice %arg7[%mul3A_36, %dma_wait3A] : memref<40x128xi32, #tpu.memory_space<vmem>> -> memref<1x128xi32, #tpu.memory_space<vmem>>
      %dma_wait3A_41 = tpu.memref_squeeze %dma_wait3A_40 : memref<1x128xi32, #tpu.memory_space<vmem>> -> memref<128xi32, #tpu.memory_space<vmem>>
      %dma_wait3A_42 = arith.constant 0 : i32
      %dma_wait3A_43 = arith.constant 0 : i32
      %dma_wait3A_44 = tpu.memref_slice %arg2[%arg0, %dma_wait3A_42, %dma_wait3A_43] : memref<2x10240x128xf32, #tpu.memory_space<hbm>> -> memref<1x10240x128xf32, #tpu.memory_space<hbm>>
      %dma_wait3A_45 = tpu.memref_squeeze %dma_wait3A_44 : memref<1x10240x128xf32, #tpu.memory_space<hbm>> -> memref<10240x128xf32, #tpu.memory_space<hbm>>
      %dma_wait3A_46 = arith.constant 0 : i32
      %dma_wait3A_47 = arith.constant 0 : i32
      %dma_wait3A_48 = tpu.memref_slice %dma_wait3A_45[%dma_wait3A_46, %dma_wait3A_47] : memref<10240x128xf32, #tpu.memory_space<hbm>> -> memref<10240x128xf32, #tpu.memory_space<hbm>>
      tpu.wait_indirect_dma semaphore(%arg12 : memref<!tpu.dma_semaphore, #tpu.memory_space<semaphore_mem>>) src(%dma_wait3A_48 : memref<10240x128xf32, #tpu.memory_space<hbm>>) dst(%arg9 : memref<128x128xf32, #tpu.memory_space<vmem>>)
      "tpu.region"() ({
        %run_scoped3A = tpu.sem_alloc : memref<!tpu.dma_semaphore, #tpu.memory_space<semaphore_mem>>
        %dma_start3A_56 = arith.constant 0 : i32
        %dma_start3A_57 = tpu.memref_slice %arg8[%mul3A_36, %dma_start3A_56] : memref<40x128xi32, #tpu.memory_space<vmem>> -> memref<1x128xi32, #tpu.memory_space<vmem>>
        %dma_start3A_58 = tpu.memref_squeeze %dma_start3A_57 : memref<1x128xi32, #tpu.memory_space<vmem>> -> memref<128xi32, #tpu.memory_space<vmem>>
        %dma_start3A_59 = arith.constant 0 : i32
        %dma_start3A_60 = arith.constant 0 : i32
        %dma_start3A_61 = tpu.memref_slice %arg11[%dma_start3A_59, %dma_start3A_60] : memref<10240x128xf32, #tpu.memory_space<vmem_shared>> -> memref<10240x128xf32, #tpu.memory_space<vmem_shared>>
        tpu.enqueue_indirect_dma source(%arg9 : memref<128x128xf32, #tpu.memory_space<vmem>>) target(%dma_start3A_61 : memref<10240x128xf32, #tpu.memory_space<vmem_shared>>) offsets(%dma_start3A_58 : memref<128xi32, #tpu.memory_space<vmem>>) semaphore(%run_scoped3A : memref<!tpu.dma_semaphore, #tpu.memory_space<semaphore_mem>>) {add = true}
        %dma_wait3A_62 = arith.constant 0 : i32
        %dma_wait3A_63 = tpu.memref_slice %arg8[%mul3A_36, %dma_wait3A_62] : memref<40x128xi32, #tpu.memory_space<vmem>> -> memref<1x128xi32, #tpu.memory_space<vmem>>
        %dma_wait3A_64 = tpu.memref_squeeze %dma_wait3A_63 : memref<1x128xi32, #tpu.memory_space<vmem>> -> memref<128xi32, #tpu.memory_space<vmem>>
        %dma_wait3A_65 = arith.constant 0 : i32
        %dma_wait3A_66 = arith.constant 0 : i32
        %dma_wait3A_67 = tpu.memref_slice %arg11[%dma_wait3A_65, %dma_wait3A_66] : memref<10240x128xf32, #tpu.memory_space<vmem_shared>> -> memref<10240x128xf32, #tpu.memory_space<vmem_shared>>
        tpu.wait_indirect_dma semaphore(%run_scoped3A : memref<!tpu.dma_semaphore, #tpu.memory_space<semaphore_mem>>) src(%arg9 : memref<128x128xf32, #tpu.memory_space<vmem>>) dst(%dma_wait3A_67 : memref<10240x128xf32, #tpu.memory_space<vmem_shared>>)
        tpu.yield
      }) : () -> ()
      %add3A_49 = arith.constant 1 : i32
      %add3A_50 = arith.addi %mul3A_36, %add3A_49 : i32
      %lt3A_51 = arith.constant 39 : i32
      %lt3A_52 = arith.cmpi slt, %add3A_50, %lt3A_51 : i32
      %convert_element_type3A_53 = arith.extui %lt3A_52 : i1 to i32
      %cond3A_54 = arith.constant 0 : i32
      %cond3A_55 = arith.cmpi ne, %convert_element_type3A_53, %cond3A_54 : i32
      scf.if %cond3A_55 {
        %add3A_56 = arith.constant 2 : i32
        %add3A_57 = arith.addi %mul3A_36, %add3A_56 : i32
        %lt3A_58 = arith.constant 39 : i32
        %lt3A_59 = arith.cmpi slt, %add3A_57, %lt3A_58 : i32
        %convert_element_type3A_60 = arith.extui %lt3A_59 : i1 to i32
        %cond3A_61 = arith.constant 0 : i32
        %cond3A_62 = arith.cmpi ne, %convert_element_type3A_60, %cond3A_61 : i32
        scf.if %cond3A_62 {
          %add3A_77 = arith.constant 2 : i32
          %add3A_78 = arith.addi %mul3A_36, %add3A_77 : i32
          %dma_start3A_79 = arith.constant 0 : i32
          %dma_start3A_80 = tpu.memref_slice %arg7[%add3A_78, %dma_start3A_79] : memref<40x128xi32, #tpu.memory_space<vmem>> -> memref<1x128xi32, #tpu.memory_space<vmem>>
          %dma_start3A_81 = tpu.memref_squeeze %dma_start3A_80 : memref<1x128xi32, #tpu.memory_space<vmem>> -> memref<128xi32, #tpu.memory_space<vmem>>
          %dma_start3A_82 = arith.constant 0 : i32
          %dma_start3A_83 = arith.constant 0 : i32
          %dma_start3A_84 = tpu.memref_slice %arg2[%arg0, %dma_start3A_82, %dma_start3A_83] : memref<2x10240x128xf32, #tpu.memory_space<hbm>> -> memref<1x10240x128xf32, #tpu.memory_space<hbm>>
          %dma_start3A_85 = tpu.memref_squeeze %dma_start3A_84 : memref<1x10240x128xf32, #tpu.memory_space<hbm>> -> memref<10240x128xf32, #tpu.memory_space<hbm>>
          %dma_start3A_86 = arith.constant 0 : i32
          %dma_start3A_87 = arith.constant 0 : i32
          %dma_start3A_88 = tpu.memref_slice %dma_start3A_85[%dma_start3A_86, %dma_start3A_87] : memref<10240x128xf32, #tpu.memory_space<hbm>> -> memref<10240x128xf32, #tpu.memory_space<hbm>>
          tpu.enqueue_indirect_dma source(%dma_start3A_88 : memref<10240x128xf32, #tpu.memory_space<hbm>>) target(%arg9 : memref<128x128xf32, #tpu.memory_space<vmem>>) offsets(%dma_start3A_81 : memref<128xi32, #tpu.memory_space<vmem>>) semaphore(%arg12 : memref<!tpu.dma_semaphore, #tpu.memory_space<semaphore_mem>>)
        } else {
        }
        %add3A_63 = arith.constant 1 : i32
        %add3A_64 = arith.addi %mul3A_36, %add3A_63 : i32
        %dma_wait3A_65 = arith.constant 0 : i32
        %dma_wait3A_66 = tpu.memref_slice %arg7[%add3A_64, %dma_wait3A_65] : memref<40x128xi32, #tpu.memory_space<vmem>> -> memref<1x128xi32, #tpu.memory_space<vmem>>
        %dma_wait3A_67 = tpu.memref_squeeze %dma_wait3A_66 : memref<1x128xi32, #tpu.memory_space<vmem>> -> memref<128xi32, #tpu.memory_space<vmem>>
        %dma_wait3A_68 = arith.constant 0 : i32
        %dma_wait3A_69 = arith.constant 0 : i32
        %dma_wait3A_70 = tpu.memref_slice %arg2[%arg0, %dma_wait3A_68, %dma_wait3A_69] : memref<2x10240x128xf32, #tpu.memory_space<hbm>> -> memref<1x10240x128xf32, #tpu.memory_space<hbm>>
        %dma_wait3A_71 = tpu.memref_squeeze %dma_wait3A_70 : memref<1x10240x128xf32, #tpu.memory_space<hbm>> -> memref<10240x128xf32, #tpu.memory_space<hbm>>
        %dma_wait3A_72 = arith.constant 0 : i32
        %dma_wait3A_73 = arith.constant 0 : i32
        %dma_wait3A_74 = tpu.memref_slice %dma_wait3A_71[%dma_wait3A_72, %dma_wait3A_73] : memref<10240x128xf32, #tpu.memory_space<hbm>> -> memref<10240x128xf32, #tpu.memory_space<hbm>>
        tpu.wait_indirect_dma semaphore(%arg13 : memref<!tpu.dma_semaphore, #tpu.memory_space<semaphore_mem>>) src(%dma_wait3A_74 : memref<10240x128xf32, #tpu.memory_space<hbm>>) dst(%arg10 : memref<128x128xf32, #tpu.memory_space<vmem>>)
        %add3A_75 = arith.constant 1 : i32
        %add3A_76 = arith.addi %mul3A_36, %add3A_75 : i32
        "tpu.region"() ({
          %run_scoped3A = tpu.sem_alloc : memref<!tpu.dma_semaphore, #tpu.memory_space<semaphore_mem>>
          %dma_start3A_77 = arith.constant 0 : i32
          %dma_start3A_78 = tpu.memref_slice %arg8[%add3A_76, %dma_start3A_77] : memref<40x128xi32, #tpu.memory_space<vmem>> -> memref<1x128xi32, #tpu.memory_space<vmem>>
          %dma_start3A_79 = tpu.memref_squeeze %dma_start3A_78 : memref<1x128xi32, #tpu.memory_space<vmem>> -> memref<128xi32, #tpu.memory_space<vmem>>
          %dma_start3A_80 = arith.constant 0 : i32
          %dma_start3A_81 = arith.constant 0 : i32
          %dma_start3A_82 = tpu.memref_slice %arg11[%dma_start3A_80, %dma_start3A_81] : memref<10240x128xf32, #tpu.memory_space<vmem_shared>> -> memref<10240x128xf32, #tpu.memory_space<vmem_shared>>
          tpu.enqueue_indirect_dma source(%arg10 : memref<128x128xf32, #tpu.memory_space<vmem>>) target(%dma_start3A_82 : memref<10240x128xf32, #tpu.memory_space<vmem_shared>>) offsets(%dma_start3A_79 : memref<128xi32, #tpu.memory_space<vmem>>) semaphore(%run_scoped3A : memref<!tpu.dma_semaphore, #tpu.memory_space<semaphore_mem>>) {add = true}
          %dma_wait3A_83 = arith.constant 0 : i32
          %dma_wait3A_84 = tpu.memref_slice %arg8[%add3A_76, %dma_wait3A_83] : memref<40x128xi32, #tpu.memory_space<vmem>> -> memref<1x128xi32, #tpu.memory_space<vmem>>
          %dma_wait3A_85 = tpu.memref_squeeze %dma_wait3A_84 : memref<1x128xi32, #tpu.memory_space<vmem>> -> memref<128xi32, #tpu.memory_space<vmem>>
          %dma_wait3A_86 = arith.constant 0 : i32
          %dma_wait3A_87 = arith.constant 0 : i32
          %dma_wait3A_88 = tpu.memref_slice %arg11[%dma_wait3A_86, %dma_wait3A_87] : memref<10240x128xf32, #tpu.memory_space<vmem_shared>> -> memref<10240x128xf32, #tpu.memory_space<vmem_shared>>
          tpu.wait_indirect_dma semaphore(%run_scoped3A : memref<!tpu.dma_semaphore, #tpu.memory_space<semaphore_mem>>) src(%arg10 : memref<128x128xf32, #tpu.memory_space<vmem>>) dst(%dma_wait3A_88 : memref<10240x128xf32, #tpu.memory_space<vmem_shared>>)
          tpu.yield
        }) : () -> ()
      } else {
      }
    }
    %scan3A_32 = arith.constant 20 : i32
    %barrier3A_33 = arith.constant 0 : index
    tpu.barrier barrier_id(%barrier3A_33)
    "tpu.region"() ({
      %run_scoped3A = tpu.sem_alloc : memref<!tpu.dma_semaphore, #tpu.memory_space<semaphore_mem>>
      %dma_start3A_34 = arith.constant 0 : i32
      %dma_start3A_35 = tpu.memref_slice %arg6[%arg0, %mul3A_0, %dma_start3A_34] : memref<2x10240x128xf32, #tpu.memory_space<hbm>> -> memref<1x640x128xf32, #tpu.memory_space<hbm>>
      %dma_start3A_36 = tpu.memref_squeeze %dma_start3A_35 : memref<1x640x128xf32, #tpu.memory_space<hbm>> -> memref<640x128xf32, #tpu.memory_space<hbm>>
      %dma_start3A_37 = arith.constant 0 : i32
      %dma_start3A_38 = tpu.memref_slice %arg11[%mul3A_0, %dma_start3A_37] : memref<10240x128xf32, #tpu.memory_space<vmem_shared>> -> memref<640x128xf32, #tpu.memory_space<vmem_shared>>
      tpu.enqueue_dma source(%dma_start3A_38 : memref<640x128xf32, #tpu.memory_space<vmem_shared>>) target(%dma_start3A_36 : memref<640x128xf32, #tpu.memory_space<hbm>>) target_semaphore(%run_scoped3A : memref<!tpu.dma_semaphore, #tpu.memory_space<semaphore_mem>>)
      %dma_wait3A = arith.constant 0 : i32
      %dma_wait3A_39 = tpu.memref_slice %arg6[%arg0, %mul3A_0, %dma_wait3A] : memref<2x10240x128xf32, #tpu.memory_space<hbm>> -> memref<1x640x128xf32, #tpu.memory_space<hbm>>
      %dma_wait3A_40 = tpu.memref_squeeze %dma_wait3A_39 : memref<1x640x128xf32, #tpu.memory_space<hbm>> -> memref<640x128xf32, #tpu.memory_space<hbm>>
      %dma_wait3A_41 = arith.constant 0 : i32
      %dma_wait3A_42 = tpu.memref_slice %arg11[%mul3A_0, %dma_wait3A_41] : memref<10240x128xf32, #tpu.memory_space<vmem_shared>> -> memref<640x128xf32, #tpu.memory_space<vmem_shared>>
      tpu.wait_dma2 semaphore(%run_scoped3A : memref<!tpu.dma_semaphore, #tpu.memory_space<semaphore_mem>>) src(%dma_wait3A_42 : memref<640x128xf32, #tpu.memory_space<vmem_shared>>) dst(%dma_wait3A_40 : memref<640x128xf32, #tpu.memory_space<hbm>>)
      tpu.yield
    }) : () -> ()
    return
  }
}

#map = affine_map<(d0, d1) -> (0, 0, 0)>
#map1 = affine_map<(d0, d1) -> (0, 0, 0, 0)>
#map2 = affine_map<(d0, d1) -> (0, 0)>
module attributes {stable_mosaic.version = 14 : i64} {
  func.func @_prop_body(%arg0: i32, %arg1: i32, %arg2: memref<2x10240x128xf32, #tpu.memory_space<hbm>>, %arg3: memref<2x16x79x128xi32, #tpu.memory_space<hbm>>, %arg4: memref<2x16x79x128xi32, #tpu.memory_space<hbm>>, %arg5: memref<640x128xf32, #tpu.memory_space<hbm>>, %arg6: memref<2x10240x128xf32, #tpu.memory_space<hbm>>, %arg7: memref<40x128xi32, #tpu.memory_space<vmem>>, %arg8: memref<40x128xi32, #tpu.memory_space<vmem>>, %arg9: memref<128x128xf32, #tpu.memory_space<vmem>>, %arg10: memref<128x128xf32, #tpu.memory_space<vmem>>, %arg11: memref<10240x128xf32, #tpu.memory_space<vmem_shared>>, %arg12: memref<!tpu.dma_semaphore, #tpu.memory_space<semaphore_mem>>, %arg13: memref<!tpu.dma_semaphore, #tpu.memory_space<semaphore_mem>>) attributes {dimension_semantics = [#tpu.dimension_semantics<core_parallel>, #tpu.dimension_semantics<subcore_parallel>], iteration_bounds = array<i64: 2, 16>, scalar_prefetch = 0 : i64, scratch_operands = 7 : i64, tpu.core_type = #tpu.core_type<sc_vector_subcore>, window_params = [{transform_indices = #map}, {transform_indices = #map1}, {transform_indices = #map1}, {transform_indices = #map2}, {transform_indices = #map}]} {
    %mul3A = arith.constant 640 : i32
    %mul3A_0 = arith.muli %arg1, %mul3A : i32
    "tpu.region"() ({
      %run_scoped3A = tpu.sem_alloc : memref<!tpu.dma_semaphore, #tpu.memory_space<semaphore_mem>>
      %dma_start3A_34 = arith.constant 0 : i32
      %dma_start3A_35 = tpu.memref_slice %arg11[%mul3A_0, %dma_start3A_34] : memref<10240x128xf32, #tpu.memory_space<vmem_shared>> -> memref<640x128xf32, #tpu.memory_space<vmem_shared>>
      tpu.enqueue_dma source(%arg5 : memref<640x128xf32, #tpu.memory_space<hbm>>) target(%dma_start3A_35 : memref<640x128xf32, #tpu.memory_space<vmem_shared>>) target_semaphore(%run_scoped3A : memref<!tpu.dma_semaphore, #tpu.memory_space<semaphore_mem>>)
      %dma_wait3A = arith.constant 0 : i32
      %dma_wait3A_36 = tpu.memref_slice %arg11[%mul3A_0, %dma_wait3A] : memref<10240x128xf32, #tpu.memory_space<vmem_shared>> -> memref<640x128xf32, #tpu.memory_space<vmem_shared>>
      tpu.wait_dma2 semaphore(%run_scoped3A : memref<!tpu.dma_semaphore, #tpu.memory_space<semaphore_mem>>) src(%arg5 : memref<640x128xf32, #tpu.memory_space<hbm>>) dst(%dma_wait3A_36 : memref<640x128xf32, #tpu.memory_space<vmem_shared>>)
      tpu.yield
    }) : () -> ()
    %barrier3A = arith.constant 0 : index
    tpu.barrier barrier_id(%barrier3A)
    "tpu.region"() ({
      %run_scoped3A = tpu.sem_alloc : memref<!tpu.dma_semaphore, #tpu.memory_space<semaphore_mem>>
      %dma_start3A_34 = arith.constant 0 : i32
      %dma_start3A_35 = arith.constant 0 : i32
      %dma_start3A_36 = tpu.memref_slice %arg7[%dma_start3A_34, %dma_start3A_35] : memref<40x128xi32, #tpu.memory_space<vmem>> -> memref<40x128xi32, #tpu.memory_space<vmem>>
      %dma_start3A_37 = arith.constant 0 : i32
      %dma_start3A_38 = arith.constant 0 : i32
      %dma_start3A_39 = tpu.memref_slice %arg3[%arg0, %arg1, %dma_start3A_37, %dma_start3A_38] : memref<2x16x79x128xi32, #tpu.memory_space<hbm>> -> memref<1x1x40x128xi32, #tpu.memory_space<hbm>>
      %dma_start3A_40 = tpu.memref_squeeze %dma_start3A_39 : memref<1x1x40x128xi32, #tpu.memory_space<hbm>> -> memref<40x128xi32, #tpu.memory_space<hbm>>
      %dma_start3A_41 = arith.constant 0 : i32
      %dma_start3A_42 = arith.constant 0 : i32
      %dma_start3A_43 = tpu.memref_slice %arg7[%dma_start3A_41, %dma_start3A_42] : memref<40x128xi32, #tpu.memory_space<vmem>> -> memref<40x128xi32, #tpu.memory_space<vmem>>
      %dma_start3A_44 = arith.constant 0 : i32
      %dma_start3A_45 = arith.constant 0 : i32
      %dma_start3A_46 = tpu.memref_slice %arg3[%arg0, %arg1, %dma_start3A_44, %dma_start3A_45] : memref<2x16x79x128xi32, #tpu.memory_space<hbm>> -> memref<1x1x40x128xi32, #tpu.memory_space<hbm>>
      %dma_start3A_47 = tpu.memref_squeeze %dma_start3A_46 : memref<1x1x40x128xi32, #tpu.memory_space<hbm>> -> memref<40x128xi32, #tpu.memory_space<hbm>>
      tpu.enqueue_dma source(%dma_start3A_47 : memref<40x128xi32, #tpu.memory_space<hbm>>) target(%dma_start3A_43 : memref<40x128xi32, #tpu.memory_space<vmem>>) target_semaphore(%run_scoped3A : memref<!tpu.dma_semaphore, #tpu.memory_space<semaphore_mem>>)
      %dma_wait3A = arith.constant 0 : i32
      %dma_wait3A_48 = arith.constant 0 : i32
      %dma_wait3A_49 = tpu.memref_slice %arg7[%dma_wait3A, %dma_wait3A_48] : memref<40x128xi32, #tpu.memory_space<vmem>> -> memref<40x128xi32, #tpu.memory_space<vmem>>
      %dma_wait3A_50 = arith.constant 0 : i32
      %dma_wait3A_51 = arith.constant 0 : i32
      %dma_wait3A_52 = tpu.memref_slice %arg3[%arg0, %arg1, %dma_wait3A_50, %dma_wait3A_51] : memref<2x16x79x128xi32, #tpu.memory_space<hbm>> -> memref<1x1x40x128xi32, #tpu.memory_space<hbm>>
      %dma_wait3A_53 = tpu.memref_squeeze %dma_wait3A_52 : memref<1x1x40x128xi32, #tpu.memory_space<hbm>> -> memref<40x128xi32, #tpu.memory_space<hbm>>
      %dma_wait3A_54 = arith.constant 0 : i32
      %dma_wait3A_55 = arith.constant 0 : i32
      %dma_wait3A_56 = tpu.memref_slice %arg7[%dma_wait3A_54, %dma_wait3A_55] : memref<40x128xi32, #tpu.memory_space<vmem>> -> memref<40x128xi32, #tpu.memory_space<vmem>>
      %dma_wait3A_57 = arith.constant 0 : i32
      %dma_wait3A_58 = arith.constant 0 : i32
      %dma_wait3A_59 = tpu.memref_slice %arg3[%arg0, %arg1, %dma_wait3A_57, %dma_wait3A_58] : memref<2x16x79x128xi32, #tpu.memory_space<hbm>> -> memref<1x1x40x128xi32, #tpu.memory_space<hbm>>
      %dma_wait3A_60 = tpu.memref_squeeze %dma_wait3A_59 : memref<1x1x40x128xi32, #tpu.memory_space<hbm>> -> memref<40x128xi32, #tpu.memory_space<hbm>>
      tpu.wait_dma2 semaphore(%run_scoped3A : memref<!tpu.dma_semaphore, #tpu.memory_space<semaphore_mem>>) src(%dma_wait3A_60 : memref<40x128xi32, #tpu.memory_space<hbm>>) dst(%dma_wait3A_56 : memref<40x128xi32, #tpu.memory_space<vmem>>)
      tpu.yield
    }) : () -> ()
    "tpu.region"() ({
      %run_scoped3A = tpu.sem_alloc : memref<!tpu.dma_semaphore, #tpu.memory_space<semaphore_mem>>
      %dma_start3A_34 = arith.constant 0 : i32
      %dma_start3A_35 = arith.constant 0 : i32
      %dma_start3A_36 = tpu.memref_slice %arg8[%dma_start3A_34, %dma_start3A_35] : memref<40x128xi32, #tpu.memory_space<vmem>> -> memref<40x128xi32, #tpu.memory_space<vmem>>
      %dma_start3A_37 = arith.constant 0 : i32
      %dma_start3A_38 = arith.constant 0 : i32
      %dma_start3A_39 = tpu.memref_slice %arg4[%arg0, %arg1, %dma_start3A_37, %dma_start3A_38] : memref<2x16x79x128xi32, #tpu.memory_space<hbm>> -> memref<1x1x40x128xi32, #tpu.memory_space<hbm>>
      %dma_start3A_40 = tpu.memref_squeeze %dma_start3A_39 : memref<1x1x40x128xi32, #tpu.memory_space<hbm>> -> memref<40x128xi32, #tpu.memory_space<hbm>>
      %dma_start3A_41 = arith.constant 0 : i32
      %dma_start3A_42 = arith.constant 0 : i32
      %dma_start3A_43 = tpu.memref_slice %arg8[%dma_start3A_41, %dma_start3A_42] : memref<40x128xi32, #tpu.memory_space<vmem>> -> memref<40x128xi32, #tpu.memory_space<vmem>>
      %dma_start3A_44 = arith.constant 0 : i32
      %dma_start3A_45 = arith.constant 0 : i32
      %dma_start3A_46 = tpu.memref_slice %arg4[%arg0, %arg1, %dma_start3A_44, %dma_start3A_45] : memref<2x16x79x128xi32, #tpu.memory_space<hbm>> -> memref<1x1x40x128xi32, #tpu.memory_space<hbm>>
      %dma_start3A_47 = tpu.memref_squeeze %dma_start3A_46 : memref<1x1x40x128xi32, #tpu.memory_space<hbm>> -> memref<40x128xi32, #tpu.memory_space<hbm>>
      tpu.enqueue_dma source(%dma_start3A_47 : memref<40x128xi32, #tpu.memory_space<hbm>>) target(%dma_start3A_43 : memref<40x128xi32, #tpu.memory_space<vmem>>) target_semaphore(%run_scoped3A : memref<!tpu.dma_semaphore, #tpu.memory_space<semaphore_mem>>)
      %dma_wait3A = arith.constant 0 : i32
      %dma_wait3A_48 = arith.constant 0 : i32
      %dma_wait3A_49 = tpu.memref_slice %arg8[%dma_wait3A, %dma_wait3A_48] : memref<40x128xi32, #tpu.memory_space<vmem>> -> memref<40x128xi32, #tpu.memory_space<vmem>>
      %dma_wait3A_50 = arith.constant 0 : i32
      %dma_wait3A_51 = arith.constant 0 : i32
      %dma_wait3A_52 = tpu.memref_slice %arg4[%arg0, %arg1, %dma_wait3A_50, %dma_wait3A_51] : memref<2x16x79x128xi32, #tpu.memory_space<hbm>> -> memref<1x1x40x128xi32, #tpu.memory_space<hbm>>
      %dma_wait3A_53 = tpu.memref_squeeze %dma_wait3A_52 : memref<1x1x40x128xi32, #tpu.memory_space<hbm>> -> memref<40x128xi32, #tpu.memory_space<hbm>>
      %dma_wait3A_54 = arith.constant 0 : i32
      %dma_wait3A_55 = arith.constant 0 : i32
      %dma_wait3A_56 = tpu.memref_slice %arg8[%dma_wait3A_54, %dma_wait3A_55] : memref<40x128xi32, #tpu.memory_space<vmem>> -> memref<40x128xi32, #tpu.memory_space<vmem>>
      %dma_wait3A_57 = arith.constant 0 : i32
      %dma_wait3A_58 = arith.constant 0 : i32
      %dma_wait3A_59 = tpu.memref_slice %arg4[%arg0, %arg1, %dma_wait3A_57, %dma_wait3A_58] : memref<2x16x79x128xi32, #tpu.memory_space<hbm>> -> memref<1x1x40x128xi32, #tpu.memory_space<hbm>>
      %dma_wait3A_60 = tpu.memref_squeeze %dma_wait3A_59 : memref<1x1x40x128xi32, #tpu.memory_space<hbm>> -> memref<40x128xi32, #tpu.memory_space<hbm>>
      tpu.wait_dma2 semaphore(%run_scoped3A : memref<!tpu.dma_semaphore, #tpu.memory_space<semaphore_mem>>) src(%dma_wait3A_60 : memref<40x128xi32, #tpu.memory_space<hbm>>) dst(%dma_wait3A_56 : memref<40x128xi32, #tpu.memory_space<vmem>>)
      tpu.yield
    }) : () -> ()
    %dma_start3A = arith.constant 0 : i32
    %dma_start3A_1 = arith.constant 0 : i32
    %dma_start3A_2 = tpu.memref_slice %arg7[%dma_start3A, %dma_start3A_1] : memref<40x128xi32, #tpu.memory_space<vmem>> -> memref<1x128xi32, #tpu.memory_space<vmem>>
    %dma_start3A_3 = tpu.memref_squeeze %dma_start3A_2 : memref<1x128xi32, #tpu.memory_space<vmem>> -> memref<128xi32, #tpu.memory_space<vmem>>
    %dma_start3A_4 = arith.constant 0 : i32
    %dma_start3A_5 = arith.constant 0 : i32
    %dma_start3A_6 = tpu.memref_slice %arg2[%arg0, %dma_start3A_4, %dma_start3A_5] : memref<2x10240x128xf32, #tpu.memory_space<hbm>> -> memref<1x10240x128xf32, #tpu.memory_space<hbm>>
    %dma_start3A_7 = tpu.memref_squeeze %dma_start3A_6 : memref<1x10240x128xf32, #tpu.memory_space<hbm>> -> memref<10240x128xf32, #tpu.memory_space<hbm>>
    %dma_start3A_8 = arith.constant 0 : i32
    %dma_start3A_9 = arith.constant 0 : i32
    %dma_start3A_10 = tpu.memref_slice %dma_start3A_7[%dma_start3A_8, %dma_start3A_9] : memref<10240x128xf32, #tpu.memory_space<hbm>> -> memref<10240x128xf32, #tpu.memory_space<hbm>>
    tpu.enqueue_indirect_dma source(%dma_start3A_10 : memref<10240x128xf32, #tpu.memory_space<hbm>>) target(%arg9 : memref<128x128xf32, #tpu.memory_space<vmem>>) offsets(%dma_start3A_3 : memref<128xi32, #tpu.memory_space<vmem>>) semaphore(%arg12 : memref<!tpu.dma_semaphore, #tpu.memory_space<semaphore_mem>>)
    %scan3A = arith.constant 0 : i32
    %scan3A_11 = arith.constant 0 : i32
    %scan3A_12 = arith.constant 20 : i32
    %scan3A_13 = arith.addi %scan3A_11, %scan3A_12 : i32
    %scan3A_14 = arith.constant 1 : i32
    scf.for %scan3A_34 = %scan3A_11 to %scan3A_13 step %scan3A_14  : i32 {
      %mul3A_35 = arith.constant 2 : i32
      %mul3A_36 = arith.muli %mul3A_35, %scan3A_34 : i32
      %add3A = arith.constant 1 : i32
      %add3A_37 = arith.addi %mul3A_36, %add3A : i32
      %lt3A = arith.constant 40 : i32
      %lt3A_38 = arith.cmpi slt, %add3A_37, %lt3A : i32
      %convert_element_type3A = arith.extui %lt3A_38 : i1 to i32
      %cond3A = arith.constant 0 : i32
      %cond3A_39 = arith.cmpi ne, %convert_element_type3A, %cond3A : i32
      scf.if %cond3A_39 {
        %add3A_56 = arith.constant 1 : i32
        %add3A_57 = arith.addi %mul3A_36, %add3A_56 : i32
        %dma_start3A_58 = arith.constant 0 : i32
        %dma_start3A_59 = tpu.memref_slice %arg7[%add3A_57, %dma_start3A_58] : memref<40x128xi32, #tpu.memory_space<vmem>> -> memref<1x128xi32, #tpu.memory_space<vmem>>
        %dma_start3A_60 = tpu.memref_squeeze %dma_start3A_59 : memref<1x128xi32, #tpu.memory_space<vmem>> -> memref<128xi32, #tpu.memory_space<vmem>>
        %dma_start3A_61 = arith.constant 0 : i32
        %dma_start3A_62 = arith.constant 0 : i32
        %dma_start3A_63 = tpu.memref_slice %arg2[%arg0, %dma_start3A_61, %dma_start3A_62] : memref<2x10240x128xf32, #tpu.memory_space<hbm>> -> memref<1x10240x128xf32, #tpu.memory_space<hbm>>
        %dma_start3A_64 = tpu.memref_squeeze %dma_start3A_63 : memref<1x10240x128xf32, #tpu.memory_space<hbm>> -> memref<10240x128xf32, #tpu.memory_space<hbm>>
        %dma_start3A_65 = arith.constant 0 : i32
        %dma_start3A_66 = arith.constant 0 : i32
        %dma_start3A_67 = tpu.memref_slice %dma_start3A_64[%dma_start3A_65, %dma_start3A_66] : memref<10240x128xf32, #tpu.memory_space<hbm>> -> memref<10240x128xf32, #tpu.memory_space<hbm>>
        tpu.enqueue_indirect_dma source(%dma_start3A_67 : memref<10240x128xf32, #tpu.memory_space<hbm>>) target(%arg10 : memref<128x128xf32, #tpu.memory_space<vmem>>) offsets(%dma_start3A_60 : memref<128xi32, #tpu.memory_space<vmem>>) semaphore(%arg13 : memref<!tpu.dma_semaphore, #tpu.memory_space<semaphore_mem>>)
      } else {
      }
      %dma_wait3A = arith.constant 0 : i32
      %dma_wait3A_40 = tpu.memref_slice %arg7[%mul3A_36, %dma_wait3A] : memref<40x128xi32, #tpu.memory_space<vmem>> -> memref<1x128xi32, #tpu.memory_space<vmem>>
      %dma_wait3A_41 = tpu.memref_squeeze %dma_wait3A_40 : memref<1x128xi32, #tpu.memory_space<vmem>> -> memref<128xi32, #tpu.memory_space<vmem>>
      %dma_wait3A_42 = arith.constant 0 : i32
      %dma_wait3A_43 = arith.constant 0 : i32
      %dma_wait3A_44 = tpu.memref_slice %arg2[%arg0, %dma_wait3A_42, %dma_wait3A_43] : memref<2x10240x128xf32, #tpu.memory_space<hbm>> -> memref<1x10240x128xf32, #tpu.memory_space<hbm>>
      %dma_wait3A_45 = tpu.memref_squeeze %dma_wait3A_44 : memref<1x10240x128xf32, #tpu.memory_space<hbm>> -> memref<10240x128xf32, #tpu.memory_space<hbm>>
      %dma_wait3A_46 = arith.constant 0 : i32
      %dma_wait3A_47 = arith.constant 0 : i32
      %dma_wait3A_48 = tpu.memref_slice %dma_wait3A_45[%dma_wait3A_46, %dma_wait3A_47] : memref<10240x128xf32, #tpu.memory_space<hbm>> -> memref<10240x128xf32, #tpu.memory_space<hbm>>
      tpu.wait_indirect_dma semaphore(%arg12 : memref<!tpu.dma_semaphore, #tpu.memory_space<semaphore_mem>>) src(%dma_wait3A_48 : memref<10240x128xf32, #tpu.memory_space<hbm>>) dst(%arg9 : memref<128x128xf32, #tpu.memory_space<vmem>>)
      "tpu.region"() ({
        %run_scoped3A = tpu.sem_alloc : memref<!tpu.dma_semaphore, #tpu.memory_space<semaphore_mem>>
        %dma_start3A_56 = arith.constant 0 : i32
        %dma_start3A_57 = tpu.memref_slice %arg8[%mul3A_36, %dma_start3A_56] : memref<40x128xi32, #tpu.memory_space<vmem>> -> memref<1x128xi32, #tpu.memory_space<vmem>>
        %dma_start3A_58 = tpu.memref_squeeze %dma_start3A_57 : memref<1x128xi32, #tpu.memory_space<vmem>> -> memref<128xi32, #tpu.memory_space<vmem>>
        %dma_start3A_59 = arith.constant 0 : i32
        %dma_start3A_60 = arith.constant 0 : i32
        %dma_start3A_61 = tpu.memref_slice %arg11[%dma_start3A_59, %dma_start3A_60] : memref<10240x128xf32, #tpu.memory_space<vmem_shared>> -> memref<10240x128xf32, #tpu.memory_space<vmem_shared>>
        tpu.enqueue_indirect_dma source(%arg9 : memref<128x128xf32, #tpu.memory_space<vmem>>) target(%dma_start3A_61 : memref<10240x128xf32, #tpu.memory_space<vmem_shared>>) offsets(%dma_start3A_58 : memref<128xi32, #tpu.memory_space<vmem>>) semaphore(%run_scoped3A : memref<!tpu.dma_semaphore, #tpu.memory_space<semaphore_mem>>) {add = true}
        %dma_wait3A_62 = arith.constant 0 : i32
        %dma_wait3A_63 = tpu.memref_slice %arg8[%mul3A_36, %dma_wait3A_62] : memref<40x128xi32, #tpu.memory_space<vmem>> -> memref<1x128xi32, #tpu.memory_space<vmem>>
        %dma_wait3A_64 = tpu.memref_squeeze %dma_wait3A_63 : memref<1x128xi32, #tpu.memory_space<vmem>> -> memref<128xi32, #tpu.memory_space<vmem>>
        %dma_wait3A_65 = arith.constant 0 : i32
        %dma_wait3A_66 = arith.constant 0 : i32
        %dma_wait3A_67 = tpu.memref_slice %arg11[%dma_wait3A_65, %dma_wait3A_66] : memref<10240x128xf32, #tpu.memory_space<vmem_shared>> -> memref<10240x128xf32, #tpu.memory_space<vmem_shared>>
        tpu.wait_indirect_dma semaphore(%run_scoped3A : memref<!tpu.dma_semaphore, #tpu.memory_space<semaphore_mem>>) src(%arg9 : memref<128x128xf32, #tpu.memory_space<vmem>>) dst(%dma_wait3A_67 : memref<10240x128xf32, #tpu.memory_space<vmem_shared>>)
        tpu.yield
      }) : () -> ()
      %add3A_49 = arith.constant 1 : i32
      %add3A_50 = arith.addi %mul3A_36, %add3A_49 : i32
      %lt3A_51 = arith.constant 40 : i32
      %lt3A_52 = arith.cmpi slt, %add3A_50, %lt3A_51 : i32
      %convert_element_type3A_53 = arith.extui %lt3A_52 : i1 to i32
      %cond3A_54 = arith.constant 0 : i32
      %cond3A_55 = arith.cmpi ne, %convert_element_type3A_53, %cond3A_54 : i32
      scf.if %cond3A_55 {
        %add3A_56 = arith.constant 2 : i32
        %add3A_57 = arith.addi %mul3A_36, %add3A_56 : i32
        %lt3A_58 = arith.constant 40 : i32
        %lt3A_59 = arith.cmpi slt, %add3A_57, %lt3A_58 : i32
        %convert_element_type3A_60 = arith.extui %lt3A_59 : i1 to i32
        %cond3A_61 = arith.constant 0 : i32
        %cond3A_62 = arith.cmpi ne, %convert_element_type3A_60, %cond3A_61 : i32
        scf.if %cond3A_62 {
          %add3A_77 = arith.constant 2 : i32
          %add3A_78 = arith.addi %mul3A_36, %add3A_77 : i32
          %dma_start3A_79 = arith.constant 0 : i32
          %dma_start3A_80 = tpu.memref_slice %arg7[%add3A_78, %dma_start3A_79] : memref<40x128xi32, #tpu.memory_space<vmem>> -> memref<1x128xi32, #tpu.memory_space<vmem>>
          %dma_start3A_81 = tpu.memref_squeeze %dma_start3A_80 : memref<1x128xi32, #tpu.memory_space<vmem>> -> memref<128xi32, #tpu.memory_space<vmem>>
          %dma_start3A_82 = arith.constant 0 : i32
          %dma_start3A_83 = arith.constant 0 : i32
          %dma_start3A_84 = tpu.memref_slice %arg2[%arg0, %dma_start3A_82, %dma_start3A_83] : memref<2x10240x128xf32, #tpu.memory_space<hbm>> -> memref<1x10240x128xf32, #tpu.memory_space<hbm>>
          %dma_start3A_85 = tpu.memref_squeeze %dma_start3A_84 : memref<1x10240x128xf32, #tpu.memory_space<hbm>> -> memref<10240x128xf32, #tpu.memory_space<hbm>>
          %dma_start3A_86 = arith.constant 0 : i32
          %dma_start3A_87 = arith.constant 0 : i32
          %dma_start3A_88 = tpu.memref_slice %dma_start3A_85[%dma_start3A_86, %dma_start3A_87] : memref<10240x128xf32, #tpu.memory_space<hbm>> -> memref<10240x128xf32, #tpu.memory_space<hbm>>
          tpu.enqueue_indirect_dma source(%dma_start3A_88 : memref<10240x128xf32, #tpu.memory_space<hbm>>) target(%arg9 : memref<128x128xf32, #tpu.memory_space<vmem>>) offsets(%dma_start3A_81 : memref<128xi32, #tpu.memory_space<vmem>>) semaphore(%arg12 : memref<!tpu.dma_semaphore, #tpu.memory_space<semaphore_mem>>)
        } else {
        }
        %add3A_63 = arith.constant 1 : i32
        %add3A_64 = arith.addi %mul3A_36, %add3A_63 : i32
        %dma_wait3A_65 = arith.constant 0 : i32
        %dma_wait3A_66 = tpu.memref_slice %arg7[%add3A_64, %dma_wait3A_65] : memref<40x128xi32, #tpu.memory_space<vmem>> -> memref<1x128xi32, #tpu.memory_space<vmem>>
        %dma_wait3A_67 = tpu.memref_squeeze %dma_wait3A_66 : memref<1x128xi32, #tpu.memory_space<vmem>> -> memref<128xi32, #tpu.memory_space<vmem>>
        %dma_wait3A_68 = arith.constant 0 : i32
        %dma_wait3A_69 = arith.constant 0 : i32
        %dma_wait3A_70 = tpu.memref_slice %arg2[%arg0, %dma_wait3A_68, %dma_wait3A_69] : memref<2x10240x128xf32, #tpu.memory_space<hbm>> -> memref<1x10240x128xf32, #tpu.memory_space<hbm>>
        %dma_wait3A_71 = tpu.memref_squeeze %dma_wait3A_70 : memref<1x10240x128xf32, #tpu.memory_space<hbm>> -> memref<10240x128xf32, #tpu.memory_space<hbm>>
        %dma_wait3A_72 = arith.constant 0 : i32
        %dma_wait3A_73 = arith.constant 0 : i32
        %dma_wait3A_74 = tpu.memref_slice %dma_wait3A_71[%dma_wait3A_72, %dma_wait3A_73] : memref<10240x128xf32, #tpu.memory_space<hbm>> -> memref<10240x128xf32, #tpu.memory_space<hbm>>
        tpu.wait_indirect_dma semaphore(%arg13 : memref<!tpu.dma_semaphore, #tpu.memory_space<semaphore_mem>>) src(%dma_wait3A_74 : memref<10240x128xf32, #tpu.memory_space<hbm>>) dst(%arg10 : memref<128x128xf32, #tpu.memory_space<vmem>>)
        %add3A_75 = arith.constant 1 : i32
        %add3A_76 = arith.addi %mul3A_36, %add3A_75 : i32
        "tpu.region"() ({
          %run_scoped3A = tpu.sem_alloc : memref<!tpu.dma_semaphore, #tpu.memory_space<semaphore_mem>>
          %dma_start3A_77 = arith.constant 0 : i32
          %dma_start3A_78 = tpu.memref_slice %arg8[%add3A_76, %dma_start3A_77] : memref<40x128xi32, #tpu.memory_space<vmem>> -> memref<1x128xi32, #tpu.memory_space<vmem>>
          %dma_start3A_79 = tpu.memref_squeeze %dma_start3A_78 : memref<1x128xi32, #tpu.memory_space<vmem>> -> memref<128xi32, #tpu.memory_space<vmem>>
          %dma_start3A_80 = arith.constant 0 : i32
          %dma_start3A_81 = arith.constant 0 : i32
          %dma_start3A_82 = tpu.memref_slice %arg11[%dma_start3A_80, %dma_start3A_81] : memref<10240x128xf32, #tpu.memory_space<vmem_shared>> -> memref<10240x128xf32, #tpu.memory_space<vmem_shared>>
          tpu.enqueue_indirect_dma source(%arg10 : memref<128x128xf32, #tpu.memory_space<vmem>>) target(%dma_start3A_82 : memref<10240x128xf32, #tpu.memory_space<vmem_shared>>) offsets(%dma_start3A_79 : memref<128xi32, #tpu.memory_space<vmem>>) semaphore(%run_scoped3A : memref<!tpu.dma_semaphore, #tpu.memory_space<semaphore_mem>>) {add = true}
          %dma_wait3A_83 = arith.constant 0 : i32
          %dma_wait3A_84 = tpu.memref_slice %arg8[%add3A_76, %dma_wait3A_83] : memref<40x128xi32, #tpu.memory_space<vmem>> -> memref<1x128xi32, #tpu.memory_space<vmem>>
          %dma_wait3A_85 = tpu.memref_squeeze %dma_wait3A_84 : memref<1x128xi32, #tpu.memory_space<vmem>> -> memref<128xi32, #tpu.memory_space<vmem>>
          %dma_wait3A_86 = arith.constant 0 : i32
          %dma_wait3A_87 = arith.constant 0 : i32
          %dma_wait3A_88 = tpu.memref_slice %arg11[%dma_wait3A_86, %dma_wait3A_87] : memref<10240x128xf32, #tpu.memory_space<vmem_shared>> -> memref<10240x128xf32, #tpu.memory_space<vmem_shared>>
          tpu.wait_indirect_dma semaphore(%run_scoped3A : memref<!tpu.dma_semaphore, #tpu.memory_space<semaphore_mem>>) src(%arg10 : memref<128x128xf32, #tpu.memory_space<vmem>>) dst(%dma_wait3A_88 : memref<10240x128xf32, #tpu.memory_space<vmem_shared>>)
          tpu.yield
        }) : () -> ()
      } else {
      }
    }
    %scan3A_15 = arith.constant 20 : i32
    "tpu.region"() ({
      %run_scoped3A = tpu.sem_alloc : memref<!tpu.dma_semaphore, #tpu.memory_space<semaphore_mem>>
      %dma_start3A_34 = arith.constant 0 : i32
      %dma_start3A_35 = arith.constant 0 : i32
      %dma_start3A_36 = tpu.memref_slice %arg7[%dma_start3A_34, %dma_start3A_35] : memref<40x128xi32, #tpu.memory_space<vmem>> -> memref<39x128xi32, #tpu.memory_space<vmem>>
      %dma_start3A_37 = arith.constant 40 : i32
      %dma_start3A_38 = arith.constant 0 : i32
      %dma_start3A_39 = tpu.memref_slice %arg3[%arg0, %arg1, %dma_start3A_37, %dma_start3A_38] : memref<2x16x79x128xi32, #tpu.memory_space<hbm>> -> memref<1x1x39x128xi32, #tpu.memory_space<hbm>>
      %dma_start3A_40 = tpu.memref_squeeze %dma_start3A_39 : memref<1x1x39x128xi32, #tpu.memory_space<hbm>> -> memref<39x128xi32, #tpu.memory_space<hbm>>
      %dma_start3A_41 = arith.constant 0 : i32
      %dma_start3A_42 = arith.constant 0 : i32
      %dma_start3A_43 = tpu.memref_slice %arg7[%dma_start3A_41, %dma_start3A_42] : memref<40x128xi32, #tpu.memory_space<vmem>> -> memref<39x128xi32, #tpu.memory_space<vmem>>
      %dma_start3A_44 = arith.constant 40 : i32
      %dma_start3A_45 = arith.constant 0 : i32
      %dma_start3A_46 = tpu.memref_slice %arg3[%arg0, %arg1, %dma_start3A_44, %dma_start3A_45] : memref<2x16x79x128xi32, #tpu.memory_space<hbm>> -> memref<1x1x39x128xi32, #tpu.memory_space<hbm>>
      %dma_start3A_47 = tpu.memref_squeeze %dma_start3A_46 : memref<1x1x39x128xi32, #tpu.memory_space<hbm>> -> memref<39x128xi32, #tpu.memory_space<hbm>>
      tpu.enqueue_dma source(%dma_start3A_47 : memref<39x128xi32, #tpu.memory_space<hbm>>) target(%dma_start3A_43 : memref<39x128xi32, #tpu.memory_space<vmem>>) target_semaphore(%run_scoped3A : memref<!tpu.dma_semaphore, #tpu.memory_space<semaphore_mem>>)
      %dma_wait3A = arith.constant 0 : i32
      %dma_wait3A_48 = arith.constant 0 : i32
      %dma_wait3A_49 = tpu.memref_slice %arg7[%dma_wait3A, %dma_wait3A_48] : memref<40x128xi32, #tpu.memory_space<vmem>> -> memref<39x128xi32, #tpu.memory_space<vmem>>
      %dma_wait3A_50 = arith.constant 40 : i32
      %dma_wait3A_51 = arith.constant 0 : i32
      %dma_wait3A_52 = tpu.memref_slice %arg3[%arg0, %arg1, %dma_wait3A_50, %dma_wait3A_51] : memref<2x16x79x128xi32, #tpu.memory_space<hbm>> -> memref<1x1x39x128xi32, #tpu.memory_space<hbm>>
      %dma_wait3A_53 = tpu.memref_squeeze %dma_wait3A_52 : memref<1x1x39x128xi32, #tpu.memory_space<hbm>> -> memref<39x128xi32, #tpu.memory_space<hbm>>
      %dma_wait3A_54 = arith.constant 0 : i32
      %dma_wait3A_55 = arith.constant 0 : i32
      %dma_wait3A_56 = tpu.memref_slice %arg7[%dma_wait3A_54, %dma_wait3A_55] : memref<40x128xi32, #tpu.memory_space<vmem>> -> memref<39x128xi32, #tpu.memory_space<vmem>>
      %dma_wait3A_57 = arith.constant 40 : i32
      %dma_wait3A_58 = arith.constant 0 : i32
      %dma_wait3A_59 = tpu.memref_slice %arg3[%arg0, %arg1, %dma_wait3A_57, %dma_wait3A_58] : memref<2x16x79x128xi32, #tpu.memory_space<hbm>> -> memref<1x1x39x128xi32, #tpu.memory_space<hbm>>
      %dma_wait3A_60 = tpu.memref_squeeze %dma_wait3A_59 : memref<1x1x39x128xi32, #tpu.memory_space<hbm>> -> memref<39x128xi32, #tpu.memory_space<hbm>>
      tpu.wait_dma2 semaphore(%run_scoped3A : memref<!tpu.dma_semaphore, #tpu.memory_space<semaphore_mem>>) src(%dma_wait3A_60 : memref<39x128xi32, #tpu.memory_space<hbm>>) dst(%dma_wait3A_56 : memref<39x128xi32, #tpu.memory_space<vmem>>)
      tpu.yield
    }) : () -> ()
    "tpu.region"() ({
      %run_scoped3A = tpu.sem_alloc : memref<!tpu.dma_semaphore, #tpu.memory_space<semaphore_mem>>
      %dma_start3A_34 = arith.constant 0 : i32
      %dma_start3A_35 = arith.constant 0 : i32
      %dma_start3A_36 = tpu.memref_slice %arg8[%dma_start3A_34, %dma_start3A_35] : memref<40x128xi32, #tpu.memory_space<vmem>> -> memref<39x128xi32, #tpu.memory_space<vmem>>
      %dma_start3A_37 = arith.constant 40 : i32
      %dma_start3A_38 = arith.constant 0 : i32
      %dma_start3A_39 = tpu.memref_slice %arg4[%arg0, %arg1, %dma_start3A_37, %dma_start3A_38] : memref<2x16x79x128xi32, #tpu.memory_space<hbm>> -> memref<1x1x39x128xi32, #tpu.memory_space<hbm>>
      %dma_start3A_40 = tpu.memref_squeeze %dma_start3A_39 : memref<1x1x39x128xi32, #tpu.memory_space<hbm>> -> memref<39x128xi32, #tpu.memory_space<hbm>>
      %dma_start3A_41 = arith.constant 0 : i32
      %dma_start3A_42 = arith.constant 0 : i32
      %dma_start3A_43 = tpu.memref_slice %arg8[%dma_start3A_41, %dma_start3A_42] : memref<40x128xi32, #tpu.memory_space<vmem>> -> memref<39x128xi32, #tpu.memory_space<vmem>>
      %dma_start3A_44 = arith.constant 40 : i32
      %dma_start3A_45 = arith.constant 0 : i32
      %dma_start3A_46 = tpu.memref_slice %arg4[%arg0, %arg1, %dma_start3A_44, %dma_start3A_45] : memref<2x16x79x128xi32, #tpu.memory_space<hbm>> -> memref<1x1x39x128xi32, #tpu.memory_space<hbm>>
      %dma_start3A_47 = tpu.memref_squeeze %dma_start3A_46 : memref<1x1x39x128xi32, #tpu.memory_space<hbm>> -> memref<39x128xi32, #tpu.memory_space<hbm>>
      tpu.enqueue_dma source(%dma_start3A_47 : memref<39x128xi32, #tpu.memory_space<hbm>>) target(%dma_start3A_43 : memref<39x128xi32, #tpu.memory_space<vmem>>) target_semaphore(%run_scoped3A : memref<!tpu.dma_semaphore, #tpu.memory_space<semaphore_mem>>)
      %dma_wait3A = arith.constant 0 : i32
      %dma_wait3A_48 = arith.constant 0 : i32
      %dma_wait3A_49 = tpu.memref_slice %arg8[%dma_wait3A, %dma_wait3A_48] : memref<40x128xi32, #tpu.memory_space<vmem>> -> memref<39x128xi32, #tpu.memory_space<vmem>>
      %dma_wait3A_50 = arith.constant 40 : i32
      %dma_wait3A_51 = arith.constant 0 : i32
      %dma_wait3A_52 = tpu.memref_slice %arg4[%arg0, %arg1, %dma_wait3A_50, %dma_wait3A_51] : memref<2x16x79x128xi32, #tpu.memory_space<hbm>> -> memref<1x1x39x128xi32, #tpu.memory_space<hbm>>
      %dma_wait3A_53 = tpu.memref_squeeze %dma_wait3A_52 : memref<1x1x39x128xi32, #tpu.memory_space<hbm>> -> memref<39x128xi32, #tpu.memory_space<hbm>>
      %dma_wait3A_54 = arith.constant 0 : i32
      %dma_wait3A_55 = arith.constant 0 : i32
      %dma_wait3A_56 = tpu.memref_slice %arg8[%dma_wait3A_54, %dma_wait3A_55] : memref<40x128xi32, #tpu.memory_space<vmem>> -> memref<39x128xi32, #tpu.memory_space<vmem>>
      %dma_wait3A_57 = arith.constant 40 : i32
      %dma_wait3A_58 = arith.constant 0 : i32
      %dma_wait3A_59 = tpu.memref_slice %arg4[%arg0, %arg1, %dma_wait3A_57, %dma_wait3A_58] : memref<2x16x79x128xi32, #tpu.memory_space<hbm>> -> memref<1x1x39x128xi32, #tpu.memory_space<hbm>>
      %dma_wait3A_60 = tpu.memref_squeeze %dma_wait3A_59 : memref<1x1x39x128xi32, #tpu.memory_space<hbm>> -> memref<39x128xi32, #tpu.memory_space<hbm>>
      tpu.wait_dma2 semaphore(%run_scoped3A : memref<!tpu.dma_semaphore, #tpu.memory_space<semaphore_mem>>) src(%dma_wait3A_60 : memref<39x128xi32, #tpu.memory_space<hbm>>) dst(%dma_wait3A_56 : memref<39x128xi32, #tpu.memory_space<vmem>>)
      tpu.yield
    }) : () -> ()
    %dma_start3A_16 = arith.constant 0 : i32
    %dma_start3A_17 = arith.constant 0 : i32
    %dma_start3A_18 = tpu.memref_slice %arg7[%dma_start3A_16, %dma_start3A_17] : memref<40x128xi32, #tpu.memory_space<vmem>> -> memref<1x128xi32, #tpu.memory_space<vmem>>
    %dma_start3A_19 = tpu.memref_squeeze %dma_start3A_18 : memref<1x128xi32, #tpu.memory_space<vmem>> -> memref<128xi32, #tpu.memory_space<vmem>>
    %dma_start3A_20 = arith.constant 0 : i32
    %dma_start3A_21 = arith.constant 0 : i32
    %dma_start3A_22 = tpu.memref_slice %arg2[%arg0, %dma_start3A_20, %dma_start3A_21] : memref<2x10240x128xf32, #tpu.memory_space<hbm>> -> memref<1x10240x128xf32, #tpu.memory_space<hbm>>
    %dma_start3A_23 = tpu.memref_squeeze %dma_start3A_22 : memref<1x10240x128xf32, #tpu.memory_space<hbm>> -> memref<10240x128xf32, #tpu.memory_space<hbm>>
    %dma_start3A_24 = arith.constant 0 : i32
    %dma_start3A_25 = arith.constant 0 : i32
    %dma_start3A_26 = tpu.memref_slice %dma_start3A_23[%dma_start3A_24, %dma_start3A_25] : memref<10240x128xf32, #tpu.memory_space<hbm>> -> memref<10240x128xf32, #tpu.memory_space<hbm>>
    tpu.enqueue_indirect_dma source(%dma_start3A_26 : memref<10240x128xf32, #tpu.memory_space<hbm>>) target(%arg9 : memref<128x128xf32, #tpu.memory_space<vmem>>) offsets(%dma_start3A_19 : memref<128xi32, #tpu.memory_space<vmem>>) semaphore(%arg12 : memref<!tpu.dma_semaphore, #tpu.memory_space<semaphore_mem>>)
    %scan3A_27 = arith.constant 0 : i32
    %scan3A_28 = arith.constant 0 : i32
    %scan3A_29 = arith.constant 20 : i32
    %scan3A_30 = arith.addi %scan3A_28, %scan3A_29 : i32
    %scan3A_31 = arith.constant 1 : i32
    scf.for %scan3A_34 = %scan3A_28 to %scan3A_30 step %scan3A_31  : i32 {
      %mul3A_35 = arith.constant 2 : i32
      %mul3A_36 = arith.muli %mul3A_35, %scan3A_34 : i32
      %add3A = arith.constant 1 : i32
      %add3A_37 = arith.addi %mul3A_36, %add3A : i32
      %lt3A = arith.constant 39 : i32
      %lt3A_38 = arith.cmpi slt, %add3A_37, %lt3A : i32
      %convert_element_type3A = arith.extui %lt3A_38 : i1 to i32
      %cond3A = arith.constant 0 : i32
      %cond3A_39 = arith.cmpi ne, %convert_element_type3A, %cond3A : i32
      scf.if %cond3A_39 {
        %add3A_56 = arith.constant 1 : i32
        %add3A_57 = arith.addi %mul3A_36, %add3A_56 : i32
        %dma_start3A_58 = arith.constant 0 : i32
        %dma_start3A_59 = tpu.memref_slice %arg7[%add3A_57, %dma_start3A_58] : memref<40x128xi32, #tpu.memory_space<vmem>> -> memref<1x128xi32, #tpu.memory_space<vmem>>
        %dma_start3A_60 = tpu.memref_squeeze %dma_start3A_59 : memref<1x128xi32, #tpu.memory_space<vmem>> -> memref<128xi32, #tpu.memory_space<vmem>>
        %dma_start3A_61 = arith.constant 0 : i32
        %dma_start3A_62 = arith.constant 0 : i32
        %dma_start3A_63 = tpu.memref_slice %arg2[%arg0, %dma_start3A_61, %dma_start3A_62] : memref<2x10240x128xf32, #tpu.memory_space<hbm>> -> memref<1x10240x128xf32, #tpu.memory_space<hbm>>
        %dma_start3A_64 = tpu.memref_squeeze %dma_start3A_63 : memref<1x10240x128xf32, #tpu.memory_space<hbm>> -> memref<10240x128xf32, #tpu.memory_space<hbm>>
        %dma_start3A_65 = arith.constant 0 : i32
        %dma_start3A_66 = arith.constant 0 : i32
        %dma_start3A_67 = tpu.memref_slice %dma_start3A_64[%dma_start3A_65, %dma_start3A_66] : memref<10240x128xf32, #tpu.memory_space<hbm>> -> memref<10240x128xf32, #tpu.memory_space<hbm>>
        tpu.enqueue_indirect_dma source(%dma_start3A_67 : memref<10240x128xf32, #tpu.memory_space<hbm>>) target(%arg10 : memref<128x128xf32, #tpu.memory_space<vmem>>) offsets(%dma_start3A_60 : memref<128xi32, #tpu.memory_space<vmem>>) semaphore(%arg13 : memref<!tpu.dma_semaphore, #tpu.memory_space<semaphore_mem>>)
      } else {
      }
      %dma_wait3A = arith.constant 0 : i32
      %dma_wait3A_40 = tpu.memref_slice %arg7[%mul3A_36, %dma_wait3A] : memref<40x128xi32, #tpu.memory_space<vmem>> -> memref<1x128xi32, #tpu.memory_space<vmem>>
      %dma_wait3A_41 = tpu.memref_squeeze %dma_wait3A_40 : memref<1x128xi32, #tpu.memory_space<vmem>> -> memref<128xi32, #tpu.memory_space<vmem>>
      %dma_wait3A_42 = arith.constant 0 : i32
      %dma_wait3A_43 = arith.constant 0 : i32
      %dma_wait3A_44 = tpu.memref_slice %arg2[%arg0, %dma_wait3A_42, %dma_wait3A_43] : memref<2x10240x128xf32, #tpu.memory_space<hbm>> -> memref<1x10240x128xf32, #tpu.memory_space<hbm>>
      %dma_wait3A_45 = tpu.memref_squeeze %dma_wait3A_44 : memref<1x10240x128xf32, #tpu.memory_space<hbm>> -> memref<10240x128xf32, #tpu.memory_space<hbm>>
      %dma_wait3A_46 = arith.constant 0 : i32
      %dma_wait3A_47 = arith.constant 0 : i32
      %dma_wait3A_48 = tpu.memref_slice %dma_wait3A_45[%dma_wait3A_46, %dma_wait3A_47] : memref<10240x128xf32, #tpu.memory_space<hbm>> -> memref<10240x128xf32, #tpu.memory_space<hbm>>
      tpu.wait_indirect_dma semaphore(%arg12 : memref<!tpu.dma_semaphore, #tpu.memory_space<semaphore_mem>>) src(%dma_wait3A_48 : memref<10240x128xf32, #tpu.memory_space<hbm>>) dst(%arg9 : memref<128x128xf32, #tpu.memory_space<vmem>>)
      "tpu.region"() ({
        %run_scoped3A = tpu.sem_alloc : memref<!tpu.dma_semaphore, #tpu.memory_space<semaphore_mem>>
        %dma_start3A_56 = arith.constant 0 : i32
        %dma_start3A_57 = tpu.memref_slice %arg8[%mul3A_36, %dma_start3A_56] : memref<40x128xi32, #tpu.memory_space<vmem>> -> memref<1x128xi32, #tpu.memory_space<vmem>>
        %dma_start3A_58 = tpu.memref_squeeze %dma_start3A_57 : memref<1x128xi32, #tpu.memory_space<vmem>> -> memref<128xi32, #tpu.memory_space<vmem>>
        %dma_start3A_59 = arith.constant 0 : i32
        %dma_start3A_60 = arith.constant 0 : i32
        %dma_start3A_61 = tpu.memref_slice %arg11[%dma_start3A_59, %dma_start3A_60] : memref<10240x128xf32, #tpu.memory_space<vmem_shared>> -> memref<10240x128xf32, #tpu.memory_space<vmem_shared>>
        tpu.enqueue_indirect_dma source(%arg9 : memref<128x128xf32, #tpu.memory_space<vmem>>) target(%dma_start3A_61 : memref<10240x128xf32, #tpu.memory_space<vmem_shared>>) offsets(%dma_start3A_58 : memref<128xi32, #tpu.memory_space<vmem>>) semaphore(%run_scoped3A : memref<!tpu.dma_semaphore, #tpu.memory_space<semaphore_mem>>) {add = true}
        %dma_wait3A_62 = arith.constant 0 : i32
        %dma_wait3A_63 = tpu.memref_slice %arg8[%mul3A_36, %dma_wait3A_62] : memref<40x128xi32, #tpu.memory_space<vmem>> -> memref<1x128xi32, #tpu.memory_space<vmem>>
        %dma_wait3A_64 = tpu.memref_squeeze %dma_wait3A_63 : memref<1x128xi32, #tpu.memory_space<vmem>> -> memref<128xi32, #tpu.memory_space<vmem>>
        %dma_wait3A_65 = arith.constant 0 : i32
        %dma_wait3A_66 = arith.constant 0 : i32
        %dma_wait3A_67 = tpu.memref_slice %arg11[%dma_wait3A_65, %dma_wait3A_66] : memref<10240x128xf32, #tpu.memory_space<vmem_shared>> -> memref<10240x128xf32, #tpu.memory_space<vmem_shared>>
        tpu.wait_indirect_dma semaphore(%run_scoped3A : memref<!tpu.dma_semaphore, #tpu.memory_space<semaphore_mem>>) src(%arg9 : memref<128x128xf32, #tpu.memory_space<vmem>>) dst(%dma_wait3A_67 : memref<10240x128xf32, #tpu.memory_space<vmem_shared>>)
        tpu.yield
      }) : () -> ()
      %add3A_49 = arith.constant 1 : i32
      %add3A_50 = arith.addi %mul3A_36, %add3A_49 : i32
      %lt3A_51 = arith.constant 39 : i32
      %lt3A_52 = arith.cmpi slt, %add3A_50, %lt3A_51 : i32
      %convert_element_type3A_53 = arith.extui %lt3A_52 : i1 to i32
      %cond3A_54 = arith.constant 0 : i32
      %cond3A_55 = arith.cmpi ne, %convert_element_type3A_53, %cond3A_54 : i32
      scf.if %cond3A_55 {
        %add3A_56 = arith.constant 2 : i32
        %add3A_57 = arith.addi %mul3A_36, %add3A_56 : i32
        %lt3A_58 = arith.constant 39 : i32
        %lt3A_59 = arith.cmpi slt, %add3A_57, %lt3A_58 : i32
        %convert_element_type3A_60 = arith.extui %lt3A_59 : i1 to i32
        %cond3A_61 = arith.constant 0 : i32
        %cond3A_62 = arith.cmpi ne, %convert_element_type3A_60, %cond3A_61 : i32
        scf.if %cond3A_62 {
          %add3A_77 = arith.constant 2 : i32
          %add3A_78 = arith.addi %mul3A_36, %add3A_77 : i32
          %dma_start3A_79 = arith.constant 0 : i32
          %dma_start3A_80 = tpu.memref_slice %arg7[%add3A_78, %dma_start3A_79] : memref<40x128xi32, #tpu.memory_space<vmem>> -> memref<1x128xi32, #tpu.memory_space<vmem>>
          %dma_start3A_81 = tpu.memref_squeeze %dma_start3A_80 : memref<1x128xi32, #tpu.memory_space<vmem>> -> memref<128xi32, #tpu.memory_space<vmem>>
          %dma_start3A_82 = arith.constant 0 : i32
          %dma_start3A_83 = arith.constant 0 : i32
          %dma_start3A_84 = tpu.memref_slice %arg2[%arg0, %dma_start3A_82, %dma_start3A_83] : memref<2x10240x128xf32, #tpu.memory_space<hbm>> -> memref<1x10240x128xf32, #tpu.memory_space<hbm>>
          %dma_start3A_85 = tpu.memref_squeeze %dma_start3A_84 : memref<1x10240x128xf32, #tpu.memory_space<hbm>> -> memref<10240x128xf32, #tpu.memory_space<hbm>>
          %dma_start3A_86 = arith.constant 0 : i32
          %dma_start3A_87 = arith.constant 0 : i32
          %dma_start3A_88 = tpu.memref_slice %dma_start3A_85[%dma_start3A_86, %dma_start3A_87] : memref<10240x128xf32, #tpu.memory_space<hbm>> -> memref<10240x128xf32, #tpu.memory_space<hbm>>
          tpu.enqueue_indirect_dma source(%dma_start3A_88 : memref<10240x128xf32, #tpu.memory_space<hbm>>) target(%arg9 : memref<128x128xf32, #tpu.memory_space<vmem>>) offsets(%dma_start3A_81 : memref<128xi32, #tpu.memory_space<vmem>>) semaphore(%arg12 : memref<!tpu.dma_semaphore, #tpu.memory_space<semaphore_mem>>)
        } else {
        }
        %add3A_63 = arith.constant 1 : i32
        %add3A_64 = arith.addi %mul3A_36, %add3A_63 : i32
        %dma_wait3A_65 = arith.constant 0 : i32
        %dma_wait3A_66 = tpu.memref_slice %arg7[%add3A_64, %dma_wait3A_65] : memref<40x128xi32, #tpu.memory_space<vmem>> -> memref<1x128xi32, #tpu.memory_space<vmem>>
        %dma_wait3A_67 = tpu.memref_squeeze %dma_wait3A_66 : memref<1x128xi32, #tpu.memory_space<vmem>> -> memref<128xi32, #tpu.memory_space<vmem>>
        %dma_wait3A_68 = arith.constant 0 : i32
        %dma_wait3A_69 = arith.constant 0 : i32
        %dma_wait3A_70 = tpu.memref_slice %arg2[%arg0, %dma_wait3A_68, %dma_wait3A_69] : memref<2x10240x128xf32, #tpu.memory_space<hbm>> -> memref<1x10240x128xf32, #tpu.memory_space<hbm>>
        %dma_wait3A_71 = tpu.memref_squeeze %dma_wait3A_70 : memref<1x10240x128xf32, #tpu.memory_space<hbm>> -> memref<10240x128xf32, #tpu.memory_space<hbm>>
        %dma_wait3A_72 = arith.constant 0 : i32
        %dma_wait3A_73 = arith.constant 0 : i32
        %dma_wait3A_74 = tpu.memref_slice %dma_wait3A_71[%dma_wait3A_72, %dma_wait3A_73] : memref<10240x128xf32, #tpu.memory_space<hbm>> -> memref<10240x128xf32, #tpu.memory_space<hbm>>
        tpu.wait_indirect_dma semaphore(%arg13 : memref<!tpu.dma_semaphore, #tpu.memory_space<semaphore_mem>>) src(%dma_wait3A_74 : memref<10240x128xf32, #tpu.memory_space<hbm>>) dst(%arg10 : memref<128x128xf32, #tpu.memory_space<vmem>>)
        %add3A_75 = arith.constant 1 : i32
        %add3A_76 = arith.addi %mul3A_36, %add3A_75 : i32
        "tpu.region"() ({
          %run_scoped3A = tpu.sem_alloc : memref<!tpu.dma_semaphore, #tpu.memory_space<semaphore_mem>>
          %dma_start3A_77 = arith.constant 0 : i32
          %dma_start3A_78 = tpu.memref_slice %arg8[%add3A_76, %dma_start3A_77] : memref<40x128xi32, #tpu.memory_space<vmem>> -> memref<1x128xi32, #tpu.memory_space<vmem>>
          %dma_start3A_79 = tpu.memref_squeeze %dma_start3A_78 : memref<1x128xi32, #tpu.memory_space<vmem>> -> memref<128xi32, #tpu.memory_space<vmem>>
          %dma_start3A_80 = arith.constant 0 : i32
          %dma_start3A_81 = arith.constant 0 : i32
          %dma_start3A_82 = tpu.memref_slice %arg11[%dma_start3A_80, %dma_start3A_81] : memref<10240x128xf32, #tpu.memory_space<vmem_shared>> -> memref<10240x128xf32, #tpu.memory_space<vmem_shared>>
          tpu.enqueue_indirect_dma source(%arg10 : memref<128x128xf32, #tpu.memory_space<vmem>>) target(%dma_start3A_82 : memref<10240x128xf32, #tpu.memory_space<vmem_shared>>) offsets(%dma_start3A_79 : memref<128xi32, #tpu.memory_space<vmem>>) semaphore(%run_scoped3A : memref<!tpu.dma_semaphore, #tpu.memory_space<semaphore_mem>>) {add = true}
          %dma_wait3A_83 = arith.constant 0 : i32
          %dma_wait3A_84 = tpu.memref_slice %arg8[%add3A_76, %dma_wait3A_83] : memref<40x128xi32, #tpu.memory_space<vmem>> -> memref<1x128xi32, #tpu.memory_space<vmem>>
          %dma_wait3A_85 = tpu.memref_squeeze %dma_wait3A_84 : memref<1x128xi32, #tpu.memory_space<vmem>> -> memref<128xi32, #tpu.memory_space<vmem>>
          %dma_wait3A_86 = arith.constant 0 : i32
          %dma_wait3A_87 = arith.constant 0 : i32
          %dma_wait3A_88 = tpu.memref_slice %arg11[%dma_wait3A_86, %dma_wait3A_87] : memref<10240x128xf32, #tpu.memory_space<vmem_shared>> -> memref<10240x128xf32, #tpu.memory_space<vmem_shared>>
          tpu.wait_indirect_dma semaphore(%run_scoped3A : memref<!tpu.dma_semaphore, #tpu.memory_space<semaphore_mem>>) src(%arg10 : memref<128x128xf32, #tpu.memory_space<vmem>>) dst(%dma_wait3A_88 : memref<10240x128xf32, #tpu.memory_space<vmem_shared>>)
          tpu.yield
        }) : () -> ()
      } else {
      }
    }
    %scan3A_32 = arith.constant 20 : i32
    %barrier3A_33 = arith.constant 0 : index
    tpu.barrier barrier_id(%barrier3A_33)
    "tpu.region"() ({
      %run_scoped3A = tpu.sem_alloc : memref<!tpu.dma_semaphore, #tpu.memory_space<semaphore_mem>>
      %dma_start3A_34 = arith.constant 0 : i32
      %dma_start3A_35 = tpu.memref_slice %arg6[%arg0, %mul3A_0, %dma_start3A_34] : memref<2x10240x128xf32, #tpu.memory_space<hbm>> -> memref<1x640x128xf32, #tpu.memory_space<hbm>>
      %dma_start3A_36 = tpu.memref_squeeze %dma_start3A_35 : memref<1x640x128xf32, #tpu.memory_space<hbm>> -> memref<640x128xf32, #tpu.memory_space<hbm>>
      %dma_start3A_37 = arith.constant 0 : i32
      %dma_start3A_38 = tpu.memref_slice %arg11[%mul3A_0, %dma_start3A_37] : memref<10240x128xf32, #tpu.memory_space<vmem_shared>> -> memref<640x128xf32, #tpu.memory_space<vmem_shared>>
      tpu.enqueue_dma source(%dma_start3A_38 : memref<640x128xf32, #tpu.memory_space<vmem_shared>>) target(%dma_start3A_36 : memref<640x128xf32, #tpu.memory_space<hbm>>) target_semaphore(%run_scoped3A : memref<!tpu.dma_semaphore, #tpu.memory_space<semaphore_mem>>)
      %dma_wait3A = arith.constant 0 : i32
      %dma_wait3A_39 = tpu.memref_slice %arg6[%arg0, %mul3A_0, %dma_wait3A] : memref<2x10240x128xf32, #tpu.memory_space<hbm>> -> memref<1x640x128xf32, #tpu.memory_space<hbm>>
      %dma_wait3A_40 = tpu.memref_squeeze %dma_wait3A_39 : memref<1x640x128xf32, #tpu.memory_space<hbm>> -> memref<640x128xf32, #tpu.memory_space<hbm>>
      %dma_wait3A_41 = arith.constant 0 : i32
      %dma_wait3A_42 = tpu.memref_slice %arg11[%mul3A_0, %dma_wait3A_41] : memref<10240x128xf32, #tpu.memory_space<vmem_shared>> -> memref<640x128xf32, #tpu.memory_space<vmem_shared>>
      tpu.wait_dma2 semaphore(%run_scoped3A : memref<!tpu.dma_semaphore, #tpu.memory_space<semaphore_mem>>) src(%dma_wait3A_42 : memref<640x128xf32, #tpu.memory_space<vmem_shared>>) dst(%dma_wait3A_40 : memref<640x128xf32, #tpu.memory_space<hbm>>)
      tpu.yield
    }) : () -> ()
    return
  }
}

#map = affine_map<(d0, d1) -> (0)>
#map1 = affine_map<(d0, d1) -> (0, 0, 0)>
module attributes {stable_mosaic.version = 14 : i64} {
  func.func @_pred_body(%arg0: i32, %arg1: i32, %arg2: memref<40960xf32, #tpu.memory_space<hbm>>, %arg3: memref<32x200x16xi32, #tpu.memory_space<hbm>>, %arg4: memref<32x200x16xi32, #tpu.memory_space<hbm>>, %arg5: memref<102400xf32, #tpu.memory_space<hbm>>, %arg6: memref<102400xf32, #tpu.memory_space<hbm>>, %arg7: memref<40960xf32, #tpu.memory_space<vmem>>, %arg8: memref<200x16xi32, #tpu.memory_space<vmem>>, %arg9: memref<200x16xi32, #tpu.memory_space<vmem>>, %arg10: memref<3200xf32, #tpu.memory_space<vmem>>, %arg11: memref<3200xf32, #tpu.memory_space<vmem>>) attributes {dimension_semantics = [#tpu.dimension_semantics<core_parallel>, #tpu.dimension_semantics<subcore_parallel>], iteration_bounds = array<i64: 2, 16>, scalar_prefetch = 0 : i64, scratch_operands = 5 : i64, tpu.core_type = #tpu.core_type<sc_vector_subcore>, window_params = [{transform_indices = #map}, {transform_indices = #map1}, {transform_indices = #map1}, {transform_indices = #map}, {transform_indices = #map}]} {
    %mul3A = arith.constant 2 : i32
    %mul3A_0 = arith.muli %arg1, %mul3A : i32
    %add3A = arith.addi %mul3A_0, %arg0 : i32
    "tpu.region"() ({
      %run_scoped3A = tpu.sem_alloc : memref<!tpu.dma_semaphore, #tpu.memory_space<semaphore_mem>>
      tpu.enqueue_dma source(%arg2 : memref<40960xf32, #tpu.memory_space<hbm>>) target(%arg7 : memref<40960xf32, #tpu.memory_space<vmem>>) target_semaphore(%run_scoped3A : memref<!tpu.dma_semaphore, #tpu.memory_space<semaphore_mem>>)
      tpu.wait_dma2 semaphore(%run_scoped3A : memref<!tpu.dma_semaphore, #tpu.memory_space<semaphore_mem>>) src(%arg2 : memref<40960xf32, #tpu.memory_space<hbm>>) dst(%arg7 : memref<40960xf32, #tpu.memory_space<vmem>>)
      tpu.yield
    }) : () -> ()
    "tpu.region"() ({
      %run_scoped3A = tpu.sem_alloc : memref<!tpu.dma_semaphore, #tpu.memory_space<semaphore_mem>>
      %dma_start3A = arith.constant 0 : i32
      %dma_start3A_10 = arith.constant 0 : i32
      %dma_start3A_11 = tpu.memref_slice %arg3[%add3A, %dma_start3A, %dma_start3A_10] : memref<32x200x16xi32, #tpu.memory_space<hbm>> -> memref<1x200x16xi32, #tpu.memory_space<hbm>>
      %dma_start3A_12 = tpu.memref_squeeze %dma_start3A_11 : memref<1x200x16xi32, #tpu.memory_space<hbm>> -> memref<200x16xi32, #tpu.memory_space<hbm>>
      %dma_start3A_13 = arith.constant 0 : i32
      %dma_start3A_14 = arith.constant 0 : i32
      %dma_start3A_15 = tpu.memref_slice %arg3[%add3A, %dma_start3A_13, %dma_start3A_14] : memref<32x200x16xi32, #tpu.memory_space<hbm>> -> memref<1x200x16xi32, #tpu.memory_space<hbm>>
      %dma_start3A_16 = tpu.memref_squeeze %dma_start3A_15 : memref<1x200x16xi32, #tpu.memory_space<hbm>> -> memref<200x16xi32, #tpu.memory_space<hbm>>
      tpu.enqueue_dma source(%dma_start3A_16 : memref<200x16xi32, #tpu.memory_space<hbm>>) target(%arg8 : memref<200x16xi32, #tpu.memory_space<vmem>>) target_semaphore(%run_scoped3A : memref<!tpu.dma_semaphore, #tpu.memory_space<semaphore_mem>>)
      %dma_wait3A = arith.constant 0 : i32
      %dma_wait3A_17 = arith.constant 0 : i32
      %dma_wait3A_18 = tpu.memref_slice %arg3[%add3A, %dma_wait3A, %dma_wait3A_17] : memref<32x200x16xi32, #tpu.memory_space<hbm>> -> memref<1x200x16xi32, #tpu.memory_space<hbm>>
      %dma_wait3A_19 = tpu.memref_squeeze %dma_wait3A_18 : memref<1x200x16xi32, #tpu.memory_space<hbm>> -> memref<200x16xi32, #tpu.memory_space<hbm>>
      %dma_wait3A_20 = arith.constant 0 : i32
      %dma_wait3A_21 = arith.constant 0 : i32
      %dma_wait3A_22 = tpu.memref_slice %arg3[%add3A, %dma_wait3A_20, %dma_wait3A_21] : memref<32x200x16xi32, #tpu.memory_space<hbm>> -> memref<1x200x16xi32, #tpu.memory_space<hbm>>
      %dma_wait3A_23 = tpu.memref_squeeze %dma_wait3A_22 : memref<1x200x16xi32, #tpu.memory_space<hbm>> -> memref<200x16xi32, #tpu.memory_space<hbm>>
      tpu.wait_dma2 semaphore(%run_scoped3A : memref<!tpu.dma_semaphore, #tpu.memory_space<semaphore_mem>>) src(%dma_wait3A_23 : memref<200x16xi32, #tpu.memory_space<hbm>>) dst(%arg8 : memref<200x16xi32, #tpu.memory_space<vmem>>)
      tpu.yield
    }) : () -> ()
    "tpu.region"() ({
      %run_scoped3A = tpu.sem_alloc : memref<!tpu.dma_semaphore, #tpu.memory_space<semaphore_mem>>
      %dma_start3A = arith.constant 0 : i32
      %dma_start3A_10 = arith.constant 0 : i32
      %dma_start3A_11 = tpu.memref_slice %arg4[%add3A, %dma_start3A, %dma_start3A_10] : memref<32x200x16xi32, #tpu.memory_space<hbm>> -> memref<1x200x16xi32, #tpu.memory_space<hbm>>
      %dma_start3A_12 = tpu.memref_squeeze %dma_start3A_11 : memref<1x200x16xi32, #tpu.memory_space<hbm>> -> memref<200x16xi32, #tpu.memory_space<hbm>>
      %dma_start3A_13 = arith.constant 0 : i32
      %dma_start3A_14 = arith.constant 0 : i32
      %dma_start3A_15 = tpu.memref_slice %arg4[%add3A, %dma_start3A_13, %dma_start3A_14] : memref<32x200x16xi32, #tpu.memory_space<hbm>> -> memref<1x200x16xi32, #tpu.memory_space<hbm>>
      %dma_start3A_16 = tpu.memref_squeeze %dma_start3A_15 : memref<1x200x16xi32, #tpu.memory_space<hbm>> -> memref<200x16xi32, #tpu.memory_space<hbm>>
      tpu.enqueue_dma source(%dma_start3A_16 : memref<200x16xi32, #tpu.memory_space<hbm>>) target(%arg9 : memref<200x16xi32, #tpu.memory_space<vmem>>) target_semaphore(%run_scoped3A : memref<!tpu.dma_semaphore, #tpu.memory_space<semaphore_mem>>)
      %dma_wait3A = arith.constant 0 : i32
      %dma_wait3A_17 = arith.constant 0 : i32
      %dma_wait3A_18 = tpu.memref_slice %arg4[%add3A, %dma_wait3A, %dma_wait3A_17] : memref<32x200x16xi32, #tpu.memory_space<hbm>> -> memref<1x200x16xi32, #tpu.memory_space<hbm>>
      %dma_wait3A_19 = tpu.memref_squeeze %dma_wait3A_18 : memref<1x200x16xi32, #tpu.memory_space<hbm>> -> memref<200x16xi32, #tpu.memory_space<hbm>>
      %dma_wait3A_20 = arith.constant 0 : i32
      %dma_wait3A_21 = arith.constant 0 : i32
      %dma_wait3A_22 = tpu.memref_slice %arg4[%add3A, %dma_wait3A_20, %dma_wait3A_21] : memref<32x200x16xi32, #tpu.memory_space<hbm>> -> memref<1x200x16xi32, #tpu.memory_space<hbm>>
      %dma_wait3A_23 = tpu.memref_squeeze %dma_wait3A_22 : memref<1x200x16xi32, #tpu.memory_space<hbm>> -> memref<200x16xi32, #tpu.memory_space<hbm>>
      tpu.wait_dma2 semaphore(%run_scoped3A : memref<!tpu.dma_semaphore, #tpu.memory_space<semaphore_mem>>) src(%dma_wait3A_23 : memref<200x16xi32, #tpu.memory_space<hbm>>) dst(%arg9 : memref<200x16xi32, #tpu.memory_space<vmem>>)
      tpu.yield
    }) : () -> ()
    %scan3A = arith.constant 0 : i32
    %scan3A_1 = arith.constant 0 : i32
    %scan3A_2 = arith.constant 200 : i32
    %scan3A_3 = arith.addi %scan3A_1, %scan3A_2 : i32
    %scan3A_4 = arith.constant 1 : i32
    scf.for %scan3A_10 = %scan3A_1 to %scan3A_3 step %scan3A_4  : i32 {
      %get3A = arith.index_cast %scan3A_10 : i32 to index
      %get3A_11 = arith.constant 0 : index
      %get3A_12 = tpu.vector_load %arg8[%get3A, %get3A_11] {strides = array<i32>} : memref<200x16xi32, #tpu.memory_space<vmem>>, vector<16xi32>,
      %mul3A_13 = arith.constant 4 : i32
      %mul3A_14 = vector.broadcast %mul3A_13 : i32 to vector<16xi32>
      %mul3A_15 = arith.muli %get3A_12, %mul3A_14 : vector<16xi32>
      %get3A_16 = arith.index_cast %scan3A_10 : i32 to index
      %get3A_17 = arith.constant 0 : index
      %get3A_18 = tpu.vector_load %arg9[%get3A_16, %get3A_17] {strides = array<i32>} : memref<200x16xi32, #tpu.memory_space<vmem>>, vector<16xi32>,
      %mul3A_19 = arith.constant 4 : i32
      %mul3A_20 = vector.broadcast %mul3A_19 : i32 to vector<16xi32>
      %mul3A_21 = arith.muli %get3A_18, %mul3A_20 : vector<16xi32>
      %gather3A = tpu.vector_load_idx %arg7[%mul3A_15] : memref<40960xf32, #tpu.memory_space<vmem>>[vector<16xi32>], vector<16xf32>,
      %add3A_22 = arith.constant 1 : i32
      %add3A_23 = vector.broadcast %add3A_22 : i32 to vector<16xi32>
      %add3A_24 = arith.addi %mul3A_15, %add3A_23 : vector<16xi32>
      %gather3A_25 = tpu.vector_load_idx %arg7[%add3A_24] : memref<40960xf32, #tpu.memory_space<vmem>>[vector<16xi32>], vector<16xf32>,
      %add3A_26 = arith.constant 2 : i32
      %add3A_27 = vector.broadcast %add3A_26 : i32 to vector<16xi32>
      %add3A_28 = arith.addi %mul3A_21, %add3A_27 : vector<16xi32>
      %gather3A_29 = tpu.vector_load_idx %arg7[%add3A_28] : memref<40960xf32, #tpu.memory_space<vmem>>[vector<16xi32>], vector<16xf32>,
      %add3A_30 = arith.constant 3 : i32
      %add3A_31 = vector.broadcast %add3A_30 : i32 to vector<16xi32>
      %add3A_32 = arith.addi %mul3A_21, %add3A_31 : vector<16xi32>
      %gather3A_33 = tpu.vector_load_idx %arg7[%add3A_32] : memref<40960xf32, #tpu.memory_space<vmem>>[vector<16xi32>], vector<16xf32>,
      %add3A_34 = arith.addf %gather3A, %gather3A_29 : vector<16xf32>
      %mul3A_35 = arith.constant 16 : i32
      %mul3A_36 = arith.muli %scan3A_10, %mul3A_35 : i32
      %swap3A = arith.index_cast %mul3A_36 : i32 to index
      %swap3A_37 = tpu.vector_load %arg10[%swap3A] {strides = array<i32>} : memref<3200xf32, #tpu.memory_space<vmem>>, vector<16xf32>,
      tpu.vector_store %arg10[%swap3A], %add3A_34 {strides = array<i32>} : memref<3200xf32, #tpu.memory_space<vmem>>, vector<16xf32>,
      %add3A_38 = arith.addf %gather3A_25, %gather3A_33 : vector<16xf32>
      %mul3A_39 = arith.constant 16 : i32
      %mul3A_40 = arith.muli %scan3A_10, %mul3A_39 : i32
      %swap3A_41 = arith.index_cast %mul3A_40 : i32 to index
      %swap3A_42 = tpu.vector_load %arg11[%swap3A_41] {strides = array<i32>} : memref<3200xf32, #tpu.memory_space<vmem>>, vector<16xf32>,
      tpu.vector_store %arg11[%swap3A_41], %add3A_38 {strides = array<i32>} : memref<3200xf32, #tpu.memory_space<vmem>>, vector<16xf32>,
    }
    %scan3A_5 = arith.constant 200 : i32
    %mul3A_6 = arith.constant 3200 : i32
    %mul3A_7 = arith.muli %add3A, %mul3A_6 : i32
    "tpu.region"() ({
      %run_scoped3A = tpu.sem_alloc : memref<!tpu.dma_semaphore, #tpu.memory_space<semaphore_mem>>
      %dma_start3A = tpu.memref_slice %arg5[%mul3A_7] : memref<102400xf32, #tpu.memory_space<hbm>> -> memref<3200xf32, #tpu.memory_space<hbm>>
      %dma_start3A_10 = tpu.memref_slice %arg5[%mul3A_7] : memref<102400xf32, #tpu.memory_space<hbm>> -> memref<3200xf32, #tpu.memory_space<hbm>>
      tpu.enqueue_dma source(%arg10 : memref<3200xf32, #tpu.memory_space<vmem>>) target(%dma_start3A_10 : memref<3200xf32, #tpu.memory_space<hbm>>) target_semaphore(%run_scoped3A : memref<!tpu.dma_semaphore, #tpu.memory_space<semaphore_mem>>)
      %dma_wait3A = tpu.memref_slice %arg5[%mul3A_7] : memref<102400xf32, #tpu.memory_space<hbm>> -> memref<3200xf32, #tpu.memory_space<hbm>>
      %dma_wait3A_11 = tpu.memref_slice %arg5[%mul3A_7] : memref<102400xf32, #tpu.memory_space<hbm>> -> memref<3200xf32, #tpu.memory_space<hbm>>
      tpu.wait_dma2 semaphore(%run_scoped3A : memref<!tpu.dma_semaphore, #tpu.memory_space<semaphore_mem>>) src(%arg10 : memref<3200xf32, #tpu.memory_space<vmem>>) dst(%dma_wait3A_11 : memref<3200xf32, #tpu.memory_space<hbm>>)
      tpu.yield
    }) : () -> ()
    %mul3A_8 = arith.constant 3200 : i32
    %mul3A_9 = arith.muli %add3A, %mul3A_8 : i32
    "tpu.region"() ({
      %run_scoped3A = tpu.sem_alloc : memref<!tpu.dma_semaphore, #tpu.memory_space<semaphore_mem>>
      %dma_start3A = tpu.memref_slice %arg6[%mul3A_9] : memref<102400xf32, #tpu.memory_space<hbm>> -> memref<3200xf32, #tpu.memory_space<hbm>>
      %dma_start3A_10 = tpu.memref_slice %arg6[%mul3A_9] : memref<102400xf32, #tpu.memory_space<hbm>> -> memref<3200xf32, #tpu.memory_space<hbm>>
      tpu.enqueue_dma source(%arg11 : memref<3200xf32, #tpu.memory_space<vmem>>) target(%dma_start3A_10 : memref<3200xf32, #tpu.memory_space<hbm>>) target_semaphore(%run_scoped3A : memref<!tpu.dma_semaphore, #tpu.memory_space<semaphore_mem>>)
      %dma_wait3A = tpu.memref_slice %arg6[%mul3A_9] : memref<102400xf32, #tpu.memory_space<hbm>> -> memref<3200xf32, #tpu.memory_space<hbm>>
      %dma_wait3A_11 = tpu.memref_slice %arg6[%mul3A_9] : memref<102400xf32, #tpu.memory_space<hbm>> -> memref<3200xf32, #tpu.memory_space<hbm>>
      tpu.wait_dma2 semaphore(%run_scoped3A : memref<!tpu.dma_semaphore, #tpu.memory_space<semaphore_mem>>) src(%arg11 : memref<3200xf32, #tpu.memory_space<vmem>>) dst(%dma_wait3A_11 : memref<3200xf32, #tpu.memory_space<hbm>>)
      tpu.yield
    }) : () -> ()
    return
  }
}

module attributes {stable_mosaic.version = 14 : i64} {
  func.func @_tc_feat_body(%arg0: i32, %arg1: memref<1024x128xf32, #tpu.memory_space<vmem>>, %arg2: memref<2x2x1024x1xf32, #tpu.memory_space<vmem>>, %arg3: memref<2x1024x128xf32, #tpu.memory_space<vmem>>) attributes {dimension_semantics = [#tpu.dimension_semantics<arbitrary>], iteration_bounds = array<i64: 10>, scalar_prefetch = 0 : i64, scratch_operands = 0 : i64, tpu.core_type = #tpu.core_type<tc>, window_params = [{transform_indices = @transform_0, window_bounds = array<i64: 1024, 128>}, {transform_indices = @transform_1, window_bounds = array<i64: 2, 2, 1024, 1>}, {transform_indices = @transform_2, window_bounds = array<i64: 2, 1024, 128>}]} {
    %get3A = arith.constant 0 : index
    %get3A_0 = arith.constant 0 : index
    %get3A_1 = arith.constant 0 : index
    %get3A_2 = arith.constant 0 : index
    %get3A_3 = vector.load %arg2[%get3A, %get3A_0, %get3A_1, %get3A_2] : memref<2x2x1024x1xf32, #tpu.memory_space<vmem>>, vector<2x2x1024x1xf32>
    %get3A_4 = arith.constant 0 : index
    %get3A_5 = arith.constant 0 : index
    %get3A_6 = vector.load %arg1[%get3A_4, %get3A_5] : memref<1024x128xf32, #tpu.memory_space<vmem>>, vector<1024x128xf32>
    %slice3A = vector.extract_strided_slice %get3A_3 {offsets = [0, 0, 0, 0], sizes = [1, 1, 1024, 1], strides = [1, 1, 1, 1]} : vector<2x2x1024x1xf32> to vector<1x1x1024x1xf32>
    %squeeze3A = vector.shape_cast %slice3A : vector<1x1x1024x1xf32> to vector<1024x1xf32>
    %max3A = arith.constant 1.000000e+00 : f32
    %max3A_7 = vector.broadcast %max3A : f32 to vector<1024x1xf32>
    %max3A_8 = arith.maximumf %squeeze3A, %max3A_7 : vector<1024x1xf32>
    %rsqrt3A = math.rsqrt %max3A_8 : vector<1024x1xf32>
    %mul3A = vector.broadcast %rsqrt3A : vector<1024x1xf32> to vector<1024x128xf32>
    %mul3A_9 = arith.mulf %get3A_6, %mul3A : vector<1024x128xf32>
    %swap3A = arith.constant 0 : index
    %swap3A_10 = arith.constant 0 : index
    %swap3A_11 = arith.constant 0 : index
    %swap3A_12 = vector.load %arg3[%swap3A, %swap3A_10, %swap3A_11] : memref<2x1024x128xf32, #tpu.memory_space<vmem>>, vector<1x1024x128xf32>
    %swap3A_13 = vector.shape_cast %swap3A_12 : vector<1x1024x128xf32> to vector<1024x128xf32>
    %swap3A_14 = vector.shape_cast %mul3A_9 : vector<1024x128xf32> to vector<1x1024x128xf32>
    tpu.vector_store %arg3[%swap3A, %swap3A_10, %swap3A_11], %swap3A_14 {strides = array<i32>} : memref<2x1024x128xf32, #tpu.memory_space<vmem>>, vector<1x1024x128xf32>,
    %slice3A_15 = vector.extract_strided_slice %get3A_3 {offsets = [1, 0, 0, 0], sizes = [1, 1, 1024, 1], strides = [1, 1, 1, 1]} : vector<2x2x1024x1xf32> to vector<1x1x1024x1xf32>
    %squeeze3A_16 = vector.shape_cast %slice3A_15 : vector<1x1x1024x1xf32> to vector<1024x1xf32>
    %max3A_17 = arith.constant 1.000000e+00 : f32
    %max3A_18 = vector.broadcast %max3A_17 : f32 to vector<1024x1xf32>
    %max3A_19 = arith.maximumf %squeeze3A_16, %max3A_18 : vector<1024x1xf32>
    %rsqrt3A_20 = math.rsqrt %max3A_19 : vector<1024x1xf32>
    %mul3A_21 = vector.broadcast %rsqrt3A_20 : vector<1024x1xf32> to vector<1024x128xf32>
    %mul3A_22 = arith.mulf %get3A_6, %mul3A_21 : vector<1024x128xf32>
    %swap3A_23 = arith.constant 1 : index
    %swap3A_24 = arith.constant 0 : index
    %swap3A_25 = arith.constant 0 : index
    %swap3A_26 = vector.load %arg3[%swap3A_23, %swap3A_24, %swap3A_25] : memref<2x1024x128xf32, #tpu.memory_space<vmem>>, vector<1x1024x128xf32>
    %swap3A_27 = vector.shape_cast %swap3A_26 : vector<1x1024x128xf32> to vector<1024x128xf32>
    %swap3A_28 = vector.shape_cast %mul3A_22 : vector<1024x128xf32> to vector<1x1024x128xf32>
    tpu.vector_store %arg3[%swap3A_23, %swap3A_24, %swap3A_25], %swap3A_28 {strides = array<i32>} : memref<2x1024x128xf32, #tpu.memory_space<vmem>>, vector<1x1024x128xf32>,
    return
  }
  func.func @transform_0(%arg0: i32) -> (i32, i32) {
    %c0_i32 = arith.constant 0 : i32
    %c0_i32_0 = arith.constant 0 : i32
    return %arg0, %c0_i32 : i32, i32
  }
  func.func @transform_1(%arg0: i32) -> (i32, i32, i32, i32) {
    %c0_i32 = arith.constant 0 : i32
    %c0_i32_0 = arith.constant 0 : i32
    %c0_i32_1 = arith.constant 0 : i32
    %c0_i32_2 = arith.constant 0 : i32
    return %c0_i32, %c0_i32_0, %arg0, %c0_i32_1 : i32, i32, i32, i32
  }
  func.func @transform_2(%arg0: i32) -> (i32, i32, i32) {
    %c0_i32 = arith.constant 0 : i32
    %c0_i32_0 = arith.constant 0 : i32
    %c0_i32_1 = arith.constant 0 : i32
    return %c0_i32, %arg0, %c0_i32_0 : i32, i32, i32
  }
}

module attributes {stable_mosaic.version = 14 : i64} {
  func.func @_tc_mid_body(%arg0: i32, %arg1: memref<2x1024x128xf32, #tpu.memory_space<vmem>>, %arg2: memref<2x2x1024x1xf32, #tpu.memory_space<vmem>>, %arg3: memref<128x128xf32, #tpu.memory_space<vmem>>, %arg4: memref<128x128xf32, #tpu.memory_space<vmem>>, %arg5: memref<1x128xf32, #tpu.memory_space<vmem>>, %arg6: memref<2x1024x128xf32, #tpu.memory_space<vmem>>) attributes {dimension_semantics = [#tpu.dimension_semantics<arbitrary>], iteration_bounds = array<i64: 10>, scalar_prefetch = 0 : i64, scratch_operands = 0 : i64, tpu.core_type = #tpu.core_type<tc>, window_params = [{transform_indices = @transform_0, window_bounds = array<i64: 2, 1024, 128>}, {transform_indices = @transform_1, window_bounds = array<i64: 2, 2, 1024, 1>}, {pipeline_mode = #tpu.pipeline_mode<synchronous>, transform_indices = @transform_2, window_bounds = array<i64: 128, 128>}, {pipeline_mode = #tpu.pipeline_mode<synchronous>, transform_indices = @transform_3, window_bounds = array<i64: 128, 128>}, {pipeline_mode = #tpu.pipeline_mode<synchronous>, transform_indices = @transform_4, window_bounds = array<i64: 1, 128>}, {transform_indices = @transform_5, window_bounds = array<i64: 2, 1024, 128>}]} {
    %get3A = arith.constant 0 : index
    %get3A_0 = arith.constant 0 : index
    %get3A_1 = arith.constant 0 : index
    %get3A_2 = arith.constant 0 : index
    %get3A_3 = vector.load %arg2[%get3A, %get3A_0, %get3A_1, %get3A_2] : memref<2x2x1024x1xf32, #tpu.memory_space<vmem>>, vector<2x2x1024x1xf32>
    %get3A_4 = arith.constant 0 : index
    %get3A_5 = arith.constant 0 : index
    %get3A_6 = arith.constant 0 : index
    %get3A_7 = vector.load %arg1[%get3A_4, %get3A_5, %get3A_6] : memref<2x1024x128xf32, #tpu.memory_space<vmem>>, vector<1x1024x128xf32>
    %get3A_8 = vector.shape_cast %get3A_7 : vector<1x1024x128xf32> to vector<1024x128xf32>
    %slice3A = vector.extract_strided_slice %get3A_3 {offsets = [0, 1, 0, 0], sizes = [1, 1, 1024, 1], strides = [1, 1, 1, 1]} : vector<2x2x1024x1xf32> to vector<1x1x1024x1xf32>
    %squeeze3A = vector.shape_cast %slice3A : vector<1x1x1024x1xf32> to vector<1024x1xf32>
    %max3A = arith.constant 1.000000e+00 : f32
    %max3A_9 = vector.broadcast %max3A : f32 to vector<1024x1xf32>
    %max3A_10 = arith.maximumf %squeeze3A, %max3A_9 : vector<1024x1xf32>
    %rsqrt3A = math.rsqrt %max3A_10 : vector<1024x1xf32>
    %mul3A = vector.broadcast %rsqrt3A : vector<1024x1xf32> to vector<1024x128xf32>
    %mul3A_11 = arith.mulf %get3A_8, %mul3A : vector<1024x128xf32>
    %get3A_12 = arith.constant 1 : index
    %get3A_13 = arith.constant 0 : index
    %get3A_14 = arith.constant 0 : index
    %get3A_15 = vector.load %arg1[%get3A_12, %get3A_13, %get3A_14] : memref<2x1024x128xf32, #tpu.memory_space<vmem>>, vector<1x1024x128xf32>
    %get3A_16 = vector.shape_cast %get3A_15 : vector<1x1024x128xf32> to vector<1024x128xf32>
    %slice3A_17 = vector.extract_strided_slice %get3A_3 {offsets = [1, 1, 0, 0], sizes = [1, 1, 1024, 1], strides = [1, 1, 1, 1]} : vector<2x2x1024x1xf32> to vector<1x1x1024x1xf32>
    %squeeze3A_18 = vector.shape_cast %slice3A_17 : vector<1x1x1024x1xf32> to vector<1024x1xf32>
    %max3A_19 = arith.constant 1.000000e+00 : f32
    %max3A_20 = vector.broadcast %max3A_19 : f32 to vector<1024x1xf32>
    %max3A_21 = arith.maximumf %squeeze3A_18, %max3A_20 : vector<1024x1xf32>
    %rsqrt3A_22 = math.rsqrt %max3A_21 : vector<1024x1xf32>
    %mul3A_23 = vector.broadcast %rsqrt3A_22 : vector<1024x1xf32> to vector<1024x128xf32>
    %mul3A_24 = arith.mulf %get3A_16, %mul3A_23 : vector<1024x128xf32>
    %get3A_25 = arith.constant 0 : index
    %get3A_26 = arith.constant 0 : index
    %get3A_27 = vector.load %arg3[%get3A_25, %get3A_26] : memref<128x128xf32, #tpu.memory_space<vmem>>, vector<128x128xf32>
    %dot_general3A = arith.constant dense<0.000000e+00> : vector<1024x128xf32>
    %dot_general3A_28 = tpu.matmul %mul3A_11, %get3A_27, %dot_general3A {dimension_numbers = #tpu.dot_dimension_numbers<[1], [0], [0], [1], [0, 0, 1, 1], [], []>, transpose_lhs_hint = false} : vector<1024x128xf32>, vector<128x128xf32>, vector<1024x128xf32> -> vector<1024x128xf32>
    %get3A_29 = arith.constant 0 : index
    %get3A_30 = arith.constant 0 : index
    %get3A_31 = vector.load %arg4[%get3A_29, %get3A_30] : memref<128x128xf32, #tpu.memory_space<vmem>>, vector<128x128xf32>
    %dot_general3A_32 = arith.constant dense<0.000000e+00> : vector<1024x128xf32>
    %dot_general3A_33 = tpu.matmul %mul3A_24, %get3A_31, %dot_general3A_32 {dimension_numbers = #tpu.dot_dimension_numbers<[1], [0], [0], [1], [0, 0, 1, 1], [], []>, transpose_lhs_hint = false} : vector<1024x128xf32>, vector<128x128xf32>, vector<1024x128xf32> -> vector<1024x128xf32>
    %add3A = arith.addf %dot_general3A_28, %dot_general3A_33 : vector<1024x128xf32>
    %get3A_34 = arith.constant 0 : index
    %get3A_35 = arith.constant 0 : index
    %get3A_36 = vector.load %arg5[%get3A_34, %get3A_35] : memref<1x128xf32, #tpu.memory_space<vmem>>, vector<1x128xf32>
    %add3A_37 = vector.broadcast %get3A_36 : vector<1x128xf32> to vector<1024x128xf32>
    %add3A_38 = arith.addf %add3A, %add3A_37 : vector<1024x128xf32>
    %max3A_39 = arith.constant 0.000000e+00 : f32
    %max3A_40 = vector.broadcast %max3A_39 : f32 to vector<1024x128xf32>
    %max3A_41 = arith.maximumf %add3A_38, %max3A_40 : vector<1024x128xf32>
    %slice3A_42 = vector.extract_strided_slice %get3A_3 {offsets = [0, 0, 0, 0], sizes = [1, 1, 1024, 1], strides = [1, 1, 1, 1]} : vector<2x2x1024x1xf32> to vector<1x1x1024x1xf32>
    %squeeze3A_43 = vector.shape_cast %slice3A_42 : vector<1x1x1024x1xf32> to vector<1024x1xf32>
    %max3A_44 = arith.constant 1.000000e+00 : f32
    %max3A_45 = vector.broadcast %max3A_44 : f32 to vector<1024x1xf32>
    %max3A_46 = arith.maximumf %squeeze3A_43, %max3A_45 : vector<1024x1xf32>
    %rsqrt3A_47 = math.rsqrt %max3A_46 : vector<1024x1xf32>
    %mul3A_48 = vector.broadcast %rsqrt3A_47 : vector<1024x1xf32> to vector<1024x128xf32>
    %mul3A_49 = arith.mulf %max3A_41, %mul3A_48 : vector<1024x128xf32>
    %swap3A = arith.constant 0 : index
    %swap3A_50 = arith.constant 0 : index
    %swap3A_51 = arith.constant 0 : index
    %swap3A_52 = vector.load %arg6[%swap3A, %swap3A_50, %swap3A_51] : memref<2x1024x128xf32, #tpu.memory_space<vmem>>, vector<1x1024x128xf32>
    %swap3A_53 = vector.shape_cast %swap3A_52 : vector<1x1024x128xf32> to vector<1024x128xf32>
    %swap3A_54 = vector.shape_cast %mul3A_49 : vector<1024x128xf32> to vector<1x1024x128xf32>
    tpu.vector_store %arg6[%swap3A, %swap3A_50, %swap3A_51], %swap3A_54 {strides = array<i32>} : memref<2x1024x128xf32, #tpu.memory_space<vmem>>, vector<1x1024x128xf32>,
    %slice3A_55 = vector.extract_strided_slice %get3A_3 {offsets = [1, 0, 0, 0], sizes = [1, 1, 1024, 1], strides = [1, 1, 1, 1]} : vector<2x2x1024x1xf32> to vector<1x1x1024x1xf32>
    %squeeze3A_56 = vector.shape_cast %slice3A_55 : vector<1x1x1024x1xf32> to vector<1024x1xf32>
    %max3A_57 = arith.constant 1.000000e+00 : f32
    %max3A_58 = vector.broadcast %max3A_57 : f32 to vector<1024x1xf32>
    %max3A_59 = arith.maximumf %squeeze3A_56, %max3A_58 : vector<1024x1xf32>
    %rsqrt3A_60 = math.rsqrt %max3A_59 : vector<1024x1xf32>
    %mul3A_61 = vector.broadcast %rsqrt3A_60 : vector<1024x1xf32> to vector<1024x128xf32>
    %mul3A_62 = arith.mulf %max3A_41, %mul3A_61 : vector<1024x128xf32>
    %swap3A_63 = arith.constant 1 : index
    %swap3A_64 = arith.constant 0 : index
    %swap3A_65 = arith.constant 0 : index
    %swap3A_66 = vector.load %arg6[%swap3A_63, %swap3A_64, %swap3A_65] : memref<2x1024x128xf32, #tpu.memory_space<vmem>>, vector<1x1024x128xf32>
    %swap3A_67 = vector.shape_cast %swap3A_66 : vector<1x1024x128xf32> to vector<1024x128xf32>
    %swap3A_68 = vector.shape_cast %mul3A_62 : vector<1024x128xf32> to vector<1x1024x128xf32>
    tpu.vector_store %arg6[%swap3A_63, %swap3A_64, %swap3A_65], %swap3A_68 {strides = array<i32>} : memref<2x1024x128xf32, #tpu.memory_space<vmem>>, vector<1x1024x128xf32>,
    return
  }
  func.func @transform_0(%arg0: i32) -> (i32, i32, i32) {
    %c0_i32 = arith.constant 0 : i32
    %c0_i32_0 = arith.constant 0 : i32
    %c0_i32_1 = arith.constant 0 : i32
    return %c0_i32, %arg0, %c0_i32_0 : i32, i32, i32
  }
  func.func @transform_1(%arg0: i32) -> (i32, i32, i32, i32) {
    %c0_i32 = arith.constant 0 : i32
    %c0_i32_0 = arith.constant 0 : i32
    %c0_i32_1 = arith.constant 0 : i32
    %c0_i32_2 = arith.constant 0 : i32
    return %c0_i32, %c0_i32_0, %arg0, %c0_i32_1 : i32, i32, i32, i32
  }
  func.func @transform_2(%arg0: i32) -> (i32, i32) {
    %c0_i32 = arith.constant 0 : i32
    %c0_i32_0 = arith.constant 0 : i32
    %c0_i32_1 = arith.constant 0 : i32
    return %c0_i32, %c0_i32_0 : i32, i32
  }
  func.func @transform_3(%arg0: i32) -> (i32, i32) {
    %c0_i32 = arith.constant 0 : i32
    %c0_i32_0 = arith.constant 0 : i32
    %c0_i32_1 = arith.constant 0 : i32
    return %c0_i32, %c0_i32_0 : i32, i32
  }
  func.func @transform_4(%arg0: i32) -> (i32, i32) {
    %c0_i32 = arith.constant 0 : i32
    %c0_i32_0 = arith.constant 0 : i32
    %c0_i32_1 = arith.constant 0 : i32
    return %c0_i32, %c0_i32_0 : i32, i32
  }
  func.func @transform_5(%arg0: i32) -> (i32, i32, i32) {
    %c0_i32 = arith.constant 0 : i32
    %c0_i32_0 = arith.constant 0 : i32
    %c0_i32_1 = arith.constant 0 : i32
    return %c0_i32, %arg0, %c0_i32_0 : i32, i32, i32
  }
}

module attributes {stable_mosaic.version = 14 : i64} {
  func.func @_tc_final_body(%arg0: i32, %arg1: memref<2x1024x128xf32, #tpu.memory_space<vmem>>, %arg2: memref<2x2x1024x1xf32, #tpu.memory_space<vmem>>, %arg3: memref<128x128xf32, #tpu.memory_space<vmem>>, %arg4: memref<128x128xf32, #tpu.memory_space<vmem>>, %arg5: memref<1x128xf32, #tpu.memory_space<vmem>>, %arg6: memref<128x4xf32, #tpu.memory_space<vmem>>, %arg7: memref<1x4xf32, #tpu.memory_space<vmem>>, %arg8: memref<1024x4xf32, #tpu.memory_space<vmem>>) attributes {dimension_semantics = [#tpu.dimension_semantics<arbitrary>], iteration_bounds = array<i64: 10>, scalar_prefetch = 0 : i64, scratch_operands = 0 : i64, tpu.core_type = #tpu.core_type<tc>, window_params = [{transform_indices = @transform_0, window_bounds = array<i64: 2, 1024, 128>}, {transform_indices = @transform_1, window_bounds = array<i64: 2, 2, 1024, 1>}, {pipeline_mode = #tpu.pipeline_mode<synchronous>, transform_indices = @transform_2, window_bounds = array<i64: 128, 128>}, {pipeline_mode = #tpu.pipeline_mode<synchronous>, transform_indices = @transform_3, window_bounds = array<i64: 128, 128>}, {pipeline_mode = #tpu.pipeline_mode<synchronous>, transform_indices = @transform_4, window_bounds = array<i64: 1, 128>}, {pipeline_mode = #tpu.pipeline_mode<synchronous>, transform_indices = @transform_5, window_bounds = array<i64: 128, 4>}, {pipeline_mode = #tpu.pipeline_mode<synchronous>, transform_indices = @transform_6, window_bounds = array<i64: 1, 4>}, {transform_indices = @transform_7, window_bounds = array<i64: 1024, 4>}]} {
    %get3A = arith.constant 0 : index
    %get3A_0 = arith.constant 0 : index
    %get3A_1 = arith.constant 0 : index
    %get3A_2 = arith.constant 0 : index
    %get3A_3 = vector.load %arg2[%get3A, %get3A_0, %get3A_1, %get3A_2] : memref<2x2x1024x1xf32, #tpu.memory_space<vmem>>, vector<2x2x1024x1xf32>
    %get3A_4 = arith.constant 0 : index
    %get3A_5 = arith.constant 0 : index
    %get3A_6 = arith.constant 0 : index
    %get3A_7 = vector.load %arg1[%get3A_4, %get3A_5, %get3A_6] : memref<2x1024x128xf32, #tpu.memory_space<vmem>>, vector<1x1024x128xf32>
    %get3A_8 = vector.shape_cast %get3A_7 : vector<1x1024x128xf32> to vector<1024x128xf32>
    %slice3A = vector.extract_strided_slice %get3A_3 {offsets = [0, 1, 0, 0], sizes = [1, 1, 1024, 1], strides = [1, 1, 1, 1]} : vector<2x2x1024x1xf32> to vector<1x1x1024x1xf32>
    %squeeze3A = vector.shape_cast %slice3A : vector<1x1x1024x1xf32> to vector<1024x1xf32>
    %max3A = arith.constant 1.000000e+00 : f32
    %max3A_9 = vector.broadcast %max3A : f32 to vector<1024x1xf32>
    %max3A_10 = arith.maximumf %squeeze3A, %max3A_9 : vector<1024x1xf32>
    %rsqrt3A = math.rsqrt %max3A_10 : vector<1024x1xf32>
    %mul3A = vector.broadcast %rsqrt3A : vector<1024x1xf32> to vector<1024x128xf32>
    %mul3A_11 = arith.mulf %get3A_8, %mul3A : vector<1024x128xf32>
    %get3A_12 = arith.constant 1 : index
    %get3A_13 = arith.constant 0 : index
    %get3A_14 = arith.constant 0 : index
    %get3A_15 = vector.load %arg1[%get3A_12, %get3A_13, %get3A_14] : memref<2x1024x128xf32, #tpu.memory_space<vmem>>, vector<1x1024x128xf32>
    %get3A_16 = vector.shape_cast %get3A_15 : vector<1x1024x128xf32> to vector<1024x128xf32>
    %slice3A_17 = vector.extract_strided_slice %get3A_3 {offsets = [1, 1, 0, 0], sizes = [1, 1, 1024, 1], strides = [1, 1, 1, 1]} : vector<2x2x1024x1xf32> to vector<1x1x1024x1xf32>
    %squeeze3A_18 = vector.shape_cast %slice3A_17 : vector<1x1x1024x1xf32> to vector<1024x1xf32>
    %max3A_19 = arith.constant 1.000000e+00 : f32
    %max3A_20 = vector.broadcast %max3A_19 : f32 to vector<1024x1xf32>
    %max3A_21 = arith.maximumf %squeeze3A_18, %max3A_20 : vector<1024x1xf32>
    %rsqrt3A_22 = math.rsqrt %max3A_21 : vector<1024x1xf32>
    %mul3A_23 = vector.broadcast %rsqrt3A_22 : vector<1024x1xf32> to vector<1024x128xf32>
    %mul3A_24 = arith.mulf %get3A_16, %mul3A_23 : vector<1024x128xf32>
    %get3A_25 = arith.constant 0 : index
    %get3A_26 = arith.constant 0 : index
    %get3A_27 = vector.load %arg3[%get3A_25, %get3A_26] : memref<128x128xf32, #tpu.memory_space<vmem>>, vector<128x128xf32>
    %dot_general3A = arith.constant dense<0.000000e+00> : vector<1024x128xf32>
    %dot_general3A_28 = tpu.matmul %mul3A_11, %get3A_27, %dot_general3A {dimension_numbers = #tpu.dot_dimension_numbers<[1], [0], [0], [1], [0, 0, 1, 1], [], []>, transpose_lhs_hint = false} : vector<1024x128xf32>, vector<128x128xf32>, vector<1024x128xf32> -> vector<1024x128xf32>
    %get3A_29 = arith.constant 0 : index
    %get3A_30 = arith.constant 0 : index
    %get3A_31 = vector.load %arg4[%get3A_29, %get3A_30] : memref<128x128xf32, #tpu.memory_space<vmem>>, vector<128x128xf32>
    %dot_general3A_32 = arith.constant dense<0.000000e+00> : vector<1024x128xf32>
    %dot_general3A_33 = tpu.matmul %mul3A_24, %get3A_31, %dot_general3A_32 {dimension_numbers = #tpu.dot_dimension_numbers<[1], [0], [0], [1], [0, 0, 1, 1], [], []>, transpose_lhs_hint = false} : vector<1024x128xf32>, vector<128x128xf32>, vector<1024x128xf32> -> vector<1024x128xf32>
    %add3A = arith.addf %dot_general3A_28, %dot_general3A_33 : vector<1024x128xf32>
    %get3A_34 = arith.constant 0 : index
    %get3A_35 = arith.constant 0 : index
    %get3A_36 = vector.load %arg5[%get3A_34, %get3A_35] : memref<1x128xf32, #tpu.memory_space<vmem>>, vector<1x128xf32>
    %add3A_37 = vector.broadcast %get3A_36 : vector<1x128xf32> to vector<1024x128xf32>
    %add3A_38 = arith.addf %add3A, %add3A_37 : vector<1024x128xf32>
    %get3A_39 = arith.constant 0 : index
    %get3A_40 = arith.constant 0 : index
    %get3A_41 = vector.load %arg6[%get3A_39, %get3A_40] : memref<128x4xf32, #tpu.memory_space<vmem>>, vector<128x4xf32>
    %dot_general3A_42 = arith.constant dense<0.000000e+00> : vector<1024x4xf32>
    %dot_general3A_43 = tpu.matmul %add3A_38, %get3A_41, %dot_general3A_42 {dimension_numbers = #tpu.dot_dimension_numbers<[1], [0], [0], [1], [0, 0, 1, 1], [], []>, transpose_lhs_hint = false} : vector<1024x128xf32>, vector<128x4xf32>, vector<1024x4xf32> -> vector<1024x4xf32>
    %get3A_44 = arith.constant 0 : index
    %get3A_45 = arith.constant 0 : index
    %get3A_46 = vector.load %arg7[%get3A_44, %get3A_45] : memref<1x4xf32, #tpu.memory_space<vmem>>, vector<1x4xf32>
    %add3A_47 = vector.broadcast %get3A_46 : vector<1x4xf32> to vector<1024x4xf32>
    %add3A_48 = arith.addf %dot_general3A_43, %add3A_47 : vector<1024x4xf32>
    %swap3A = arith.constant 0 : index
    %swap3A_49 = arith.constant 0 : index
    %swap3A_50 = vector.load %arg8[%swap3A, %swap3A_49] : memref<1024x4xf32, #tpu.memory_space<vmem>>, vector<1024x4xf32>
    tpu.vector_store %arg8[%swap3A, %swap3A_49], %add3A_48 {strides = array<i32>} : memref<1024x4xf32, #tpu.memory_space<vmem>>, vector<1024x4xf32>,
    return
  }
  func.func @transform_0(%arg0: i32) -> (i32, i32, i32) {
    %c0_i32 = arith.constant 0 : i32
    %c0_i32_0 = arith.constant 0 : i32
    %c0_i32_1 = arith.constant 0 : i32
    return %c0_i32, %arg0, %c0_i32_0 : i32, i32, i32
  }
  func.func @transform_1(%arg0: i32) -> (i32, i32, i32, i32) {
    %c0_i32 = arith.constant 0 : i32
    %c0_i32_0 = arith.constant 0 : i32
    %c0_i32_1 = arith.constant 0 : i32
    %c0_i32_2 = arith.constant 0 : i32
    return %c0_i32, %c0_i32_0, %arg0, %c0_i32_1 : i32, i32, i32, i32
  }
  func.func @transform_2(%arg0: i32) -> (i32, i32) {
    %c0_i32 = arith.constant 0 : i32
    %c0_i32_0 = arith.constant 0 : i32
    %c0_i32_1 = arith.constant 0 : i32
    return %c0_i32, %c0_i32_0 : i32, i32
  }
  func.func @transform_3(%arg0: i32) -> (i32, i32) {
    %c0_i32 = arith.constant 0 : i32
    %c0_i32_0 = arith.constant 0 : i32
    %c0_i32_1 = arith.constant 0 : i32
    return %c0_i32, %c0_i32_0 : i32, i32
  }
  func.func @transform_4(%arg0: i32) -> (i32, i32) {
    %c0_i32 = arith.constant 0 : i32
    %c0_i32_0 = arith.constant 0 : i32
    %c0_i32_1 = arith.constant 0 : i32
    return %c0_i32, %c0_i32_0 : i32, i32
  }
  func.func @transform_5(%arg0: i32) -> (i32, i32) {
    %c0_i32 = arith.constant 0 : i32
    %c0_i32_0 = arith.constant 0 : i32
    %c0_i32_1 = arith.constant 0 : i32
    return %c0_i32, %c0_i32_0 : i32, i32
  }
  func.func @transform_6(%arg0: i32) -> (i32, i32) {
    %c0_i32 = arith.constant 0 : i32
    %c0_i32_0 = arith.constant 0 : i32
    %c0_i32_1 = arith.constant 0 : i32
    return %c0_i32, %c0_i32_0 : i32, i32
  }
  func.func @transform_7(%arg0: i32) -> (i32, i32) {
    %c0_i32 = arith.constant 0 : i32
    %c0_i32_0 = arith.constant 0 : i32
    return %arg0, %c0_i32 : i32, i32
  }
}

</mosaic_0001>

<sc_bundles>
// kernel: kernel.12.cloned.1.call-start
scs
__scs_entry_jumppad:
0x0: {  	(pc) =	sbr.rel $0x88, $3  }
0x1: {  	(tag) =	ssettag $0x0;
	lr =	simm.s32 $0x1  }
0x2: {  	[smem:$0x3F93] =	sst lr;
	_ =	strace $0xD0000000  }
0x3: {  	_ = 	snop  }
0x4: {  	_ = 	snop  }
0x5: {  	_ = 	snop  }
0x6: {  	_ = 	snop  }
0x7: {  	_ = 	snop  }
__scs_overlays_trampoline_lowered:
0x8: {  	[smem:$0x3FA2] =	sst s0  }
0x9: {  	[smem:$0x3FA3] =	sst s1  }
0xa: {  	[smem:$0x3FA4] =	sst s2  }
0xb: {  	[smem:$0x3FA5] =	sst s3  }
0xc: {  	[smem:$0x3FA6] =	sst s4  }
0xd: {  	[smem:$0x3FA7] =	sst s5  }
0xe: {  	[smem:$0x3FA8] =	sst s6  }
0xf: {  	[smem:$0x3FA9] =	sst s7  }
0x10: {  	[smem:$0x3FAA] =	sst s8  }
0x11: {  	[smem:$0x3FAB] =	sst s9;
	s0 =	simm.s32 @!p0 $0x0  }
0x12: {  	s1 =	sld [smem:$0x3F91];
	s0 =	simm.s32 @p0 $0x1  }
0x13: {  	[smem:$0x3FAC] =	sst s0;
	s0 =	simm.s32 @!p1 $0x0  }
0x14: {  	s2 =	sld [smem:$0x3F90];
	s0 =	simm.s32 @p1 $0x1  }
0x15: {  	[smem:$0x3FAD] =	sst s0;
	s0 =	simm.s32 @!p2 $0x0  }
0x16: {  	s3 =	sld [smem:$0x3FDB];
	s0 =	simm.s32 @p2 $0x1  }
0x17: {  	s4 =	simm.s32 $0x1BF5;
	[smem:$0x3FAF] =	sst s0  }
0x18: {  	s0 =	sld [smem:$0x3F92];
	_ =	swait.ge [sflag:s4], $0x0  }
0x19: {  	s7 =	sld [smem:$0x3F93]  }
0x1a: {  	s8 =	sadd.s32 $0xFFFFE003, lr  }
0x1b: {  	s9 =	sadd.s32 $0xFFFFFEF7, lr;
	s5 =	simm.s32 $0xFFFFFFFF;
	p2 =	slt.u32 s8, $0xFFFFF086  }
0x1c: {  	p1 =	slt.u32 s9, $0xF7A;
	s5 =	simm.s32 @!p2 $0x0  }
0x1d: {  	s5 =	simm.s32 @p1 $0x1;
	p0 =	seq.s32 s7, s2  }
0x1e: {  	s7 =	smul.u32 @!p0 $0xF7A, s2;
	p2 =	seq.s32 @!p0 s5, $0x0  }
0x1f: {  	s9 =	smul.u32 $0xF7A, s1;
	s8 =	simm.s32 @!p0 $0x1BF5;
	p2 =	por !p2, p0  }
0x20: {  	[sflag:s8] =	ssyncset.s32 @!p0 $0xFFFFF086;
	s6 =	sadd.s32 @!p0 s3, s7;
	s7 =	simm.s32 @!p0 $0x108  }
0x21: {  	s3 =	sadd.s32 s3, s9;
	s6 =	sadd.s32 @!p0 $0x88, s6;
	s7 =	simm.s32 @p2 $0x1082  }
0x22: {  	[simem:s7], [sflag:s8] =	dma.local @!p0 [hbm:s6], $0xF7A  }
0x23: {  	s9 =	sor.u32 $0xD0000000, s2;
	s6 =	simm.s32 $0x108;
	_ =	swait.ge @!p0 [sflag:s8], $0x0  }
0x24: {  	s3 =	sadd.s32 $0x88, s3;
	s6 =	simm.s32 @!p1 $0x1082;
	[sflag:s4] =	ssyncset.s32 $0xFFFFF086  }
0x25: {  	[simem:s6], [sflag:s4] =	dma.local [hbm:s3], $0xF7A  }
0x26: {  	[smem:$0x3F93] =	sst s1;
	(tag) =	ssettag s2;
	_ =	strace s9  }
0x27: {  	s1 =	sld [smem:$0x3FA3]  }
0x28: {  	s2 =	sld [smem:$0x3FA4]  }
0x29: {  	s4 =	sld [smem:$0x3FA6]  }
0x2a: {  	p0 =	seq.s32 s5, $0x0;
	s5 =	sld [smem:$0x3FA7]  }
0x2b: {  	s6 =	sld [smem:$0x3FA8]  }
0x2c: {  	s7 =	sld [smem:$0x3FA9]  }
0x2d: {  	s3 =	simm.s32 $0x108;
	s8 =	sld [smem:$0x3FAA]  }
0x2e: {  	s3 =	simm.s32 @!p0 $0x1082;
	s9 =	sld [smem:$0x3FAB]  }
0x2f: {  	lr =	sadd.s32 s0, s3;
	s0 =	sld [smem:$0x3FA2]  }
0x30: {  	s3 =	sld [smem:$0x3FA5]  }
0x31: {  	[smem:$0x3FAE] =	sst s10  }
0x32: {  	s10 =	sld [smem:$0x3FAC];
	_ =	sdelay $0x3  }
0x33: {  	p0 =	seq.s32 s10, $0x1;
	s10 =	sld [smem:$0x3FAE];
	_ =	sdelay $0x3  }
0x34: {  	[smem:$0x3FAE] =	sst s10  }
0x35: {  	s10 =	sld [smem:$0x3FAD];
	_ =	sdelay $0x3  }
0x36: {  	p1 =	seq.s32 s10, $0x1;
	s10 =	sld [smem:$0x3FAE];
	_ =	sdelay $0x3  }
0x37: {  	[smem:$0x3FAE] =	sst s10  }
0x38: {  	s10 =	sld [smem:$0x3FAF]  }
0x39: {  	_ = 	snop;
	(pc) =	sbr.ind lr, $3  }
0x3a: {  	_ = 	snop  }
0x3b: {  	_ = 	snop  }
0x3c: {  	p2 =	seq.s32 s10, $0x1;
	s10 =	sld [smem:$0x3FAE]  }
0x3d: {  	_ =	shalt  }
0x3e: {  	_ =	shalt  }
0x3f: {  	_ =	shalt  }
0x40: {  	_ =	shalt  }
0x41: {  	_ =	shalt  }
0x42: {  	_ =	shalt  }
0x43: {  	_ =	shalt  }
0x44: {  	_ =	shalt  }
0x45: {  	_ =	shalt  }
0x46: {  	_ =	shalt  }
0x47: {  	_ =	shalt  }
0x48: {  	_ =	shalt  }
0x49: {  	_ =	shalt  }
0x4a: {  	_ =	shalt  }
0x4b: {  	_ =	shalt  }
0x4c: {  	_ =	shalt  }
0x4d: {  	_ =	shalt  }
0x4e: {  	_ =	shalt  }
0x4f: {  	_ =	shalt  }
0x50: {  	_ =	shalt  }
0x51: {  	_ =	shalt  }
0x52: {  	_ =	shalt  }
0x53: {  	_ =	shalt  }
0x54: {  	_ =	shalt  }
0x55: {  	_ =	shalt  }
0x56: {  	_ =	shalt  }
0x57: {  	_ =	shalt  }
0x58: {  	_ =	shalt  }
0x59: {  	_ =	shalt  }
0x5a: {  	_ =	shalt  }
0x5b: {  	_ =	shalt  }
0x5c: {  	_ =	shalt  }
0x5d: {  	_ =	shalt  }
0x5e: {  	_ =	shalt  }
0x5f: {  	_ =	shalt  }
0x60: {  	_ =	shalt  }
0x61: {  	_ =	shalt  }
0x62: {  	_ =	shalt  }
0x63: {  	_ =	shalt  }
0x64: {  	_ =	shalt  }
0x65: {  	_ =	shalt  }
0x66: {  	_ =	shalt  }
0x67: {  	_ =	shalt  }
0x68: {  	_ =	shalt  }
0x69: {  	_ =	shalt  }
0x6a: {  	_ =	shalt  }
0x6b: {  	_ =	shalt  }
0x6c: {  	_ =	shalt  }
0x6d: {  	_ =	shalt  }
0x6e: {  	_ =	shalt  }
0x6f: {  	_ =	shalt  }
0x70: {  	_ =	shalt  }
0x71: {  	_ =	shalt  }
0x72: {  	_ =	shalt  }
0x73: {  	_ =	shalt  }
0x74: {  	_ =	shalt  }
0x75: {  	_ =	shalt  }
0x76: {  	_ =	shalt  }
0x77: {  	_ =	shalt  }
0x78: {  	_ =	shalt  }
0x79: {  	_ =	shalt  }
0x7a: {  	_ =	shalt  }
0x7b: {  	_ =	shalt  }
0x7c: {  	_ =	shalt  }
0x7d: {  	_ =	shalt  }
0x7e: {  	_ =	shalt  }
0x7f: {  	_ =	shalt  }
0x80: {  	_ =	shalt  }
0x81: {  	_ =	shalt  }
0x82: {  	_ =	shalt  }
0x83: {  	_ =	shalt  }
0x84: {  	_ =	shalt  }
0x85: {  	_ =	shalt  }
0x86: {  	_ =	shalt  }
0x87: {  	_ =	shalt  }
.Lfunc_end0:
.L_simem_size_0:
called_computation.1_lowered:
.L_overlay_start_0:
0x88: {  	s2 =	sld [smem:$0x3FD9]  }
0x89: {  	s3 =	sld [smem:$0x3FFE];
	_ =	sdelay $0x1  }
0x8a: {  	s1 =	srdreg.scid  }
0x8b: {  	s0 =	sand.u32 $0x1, s1  }
0x8c: {  	s17 =	sshll.u32 s0, $0xA;
	s2 =	sadd.s32 s3, s2  }
0x8d: {  	s2 =	sadd.s32 s2, s17  }
0x8e: {  	[smem:$0x3FBA] =	sst s2  }
0x8f: {  	_ = 	snop  }
0x90: {  	s2 =	sld [smem:$0x3FD0];
	(tm) =	ssettm $0x1  }
0x91: {  	s18 =	sld [smem:$0x3FFB];
	_ =	sdelay $0x3  }
0x92: {  	_ =	strace s18  }
0x93: {  	s3 =	sld [smem:$0x3FFC];
	_ =	sdelay $0x3  }
0x94: {  	_ =	strace s3  }
0x95: {  	s3 =	sld [smem:$0x3FFD];
	_ =	sdelay $0x3  }
0x96: {  	_ =	strace s3  }
0x97: {  	_ =	strace $0x8FFFFFFF  }
0x98: {  	s19 =	sld [smem:$0x3FDB];
	_ =	sdelay $0x1  }
0x99: {  	s4 =	simm.s32 $_scs_section_size  }
0x9a: {  	s5 =	simm.s32 $_size__tile_overlayer_lowered;
	s6 =	simm.s32 $_tile_overlayer_lowered  }
0x9b: {  	s22 =	simm.s32 $0x1BFF;
	s21 =	sshll.u32 s6, $0x1;
	s3 =	sadd.s32 s4, s19  }
0x9c: {  	s7 =	simm.s32 $0x0;
	s20 =	sshll.u32 s5, $0x1;
	s5 =	sadd.s32 s21, s3  }
0x9d: {  	[timem:s7], [sflag:s22] =	dma.local [hbm:s5], s20  }
0x9e: {  	_ =	swait.ge [sflag:s22], s20  }
0x9f: {  	s4 =	ssub.s32 $0x0, s20;
	[sflag:s22] =	ssyncset.done $0x0  }
0xa0: {  	[sflag:s22] =	ssyncadd.s32 s4;
	_ =	sdelay $0x1  }
0xa1: {  	s23 =	simm.s32 $0x1B8B  }
0xa2: {  	_ =	swait.ge [sflag:s23], $0x1  }
0xa3: {  	[sflag:s23] =	ssyncset.done $0x0  }
0xa4: {  	s25 =	simm.s32 $0x1B8E;
	s24 =	sld [smem:$0x3FFE];
	[sflag:s23] =	ssyncadd.s32 $0xFFFFFFFF  }
0xa5: {  	s26 =	simm.s32 $execute0_lowered;
	[smem:$0x3FD2] =	sst s25  }
0xa6: {  	s5 =	sshll.u32 s26, $0x1;
	_ =	strace $0x80000049;
	[dreg:$0x1] =	wrdreg $0xFFFFFFFF  }
0xa7: {  	s28 =	simm.s32 $_size_execute0_lowered;
	s3 =	sadd.s32 s3, s5;
	[dreg:$0x0] =	wrdreg $0x0  }
0xa8: {  	s5 =	sshll.u32 s28, $0x1;
	[dreg:$0x2] =	wrdreg s3  }
0xa9: {  	[dreg:$0x3] =	wrdreg s5  }
0xaa: {  	[dreg:$0x4] =	wrdreg $0xC0  }
0xab: {  	_ =	task [dreg:s7], $0x5FFFF  }
0xac: {  	[dreg:$0x1] =	wrdreg $0xFFFFFFFF  }
0xad: {  	[dreg:$0x0] =	wrdreg $0x60  }
0xae: {  	[dreg:$0x2] =	wrdreg s24  }
0xaf: {  	[dreg:$0x3] =	wrdreg s2  }
0xb0: {  	[dreg:$0x4] =	wrdreg $0xA8000  }
0xb1: {  	[dreg:$0x5] =	wrdreg $0x9  }
0xb2: {  	_ =	task.clear_ibuf [dreg:s7], $0x6FFFF;
	_ =	strace $0x90000049  }
0xb3: {  	s29 =	simm.s32 $0x9;
	_ =	strace $0x8000004B  }
0xb4: {  	_ =	swait.ge [sflag:s29], $0x1  }
0xb5: {  	[sflag:s29] =	ssyncadd.s32 $0xFFFFFFFF  }
0xb6: {  	_ =	strace $0x9000004B  }
0xb7: {  	_ =	sfence  }
0xb8: {  	s30 =	sld [smem:$0x0];
	_ =	sdelay $0x2  }
0xb9: {  	s31 =	sshll.u32 s1, $0xD;
	s1 =	sshrl.u32 s1, $0x2  }
0xba: {  	s3 =	sand.u32 $0x4000, s31;
	s1 =	sadd.s32 s1, s30  }
0xbb: {  	s0 =	sor.u32 s3, s0;
	s1 =	sshll.u32 s1, $0x11  }
0xbc: {  	s0 =	sor.u32 s1, s0  }
0xbd: {  	s0 =	sadd.s32 $0x8F2B, s0  }
0xbe: {  	[sflag:s0] =	ssyncadd.remote.s32 $0x1  }
0xbf: {  	_ =	sfence.sel $0xFFFF  }
0xc0: {  	[dreg:$0x0] =	wrdreg $0xFFFFFFFF;
	(pc) =	sbr.abs _section_cstart, $3  }
0xc1: {  	[dreg:$0x1] =	wrdreg $0xFFFFFFFF  }
0xc2: {  	_ =	task.clear_ibuf [dreg:s7], $0x2FFFF;
	_ =	strace $0x9FFFFFFF  }
0xc3: {  	(tm) =	ssettm $0x7FFFFFFF  }
tec
execute0_lowered:
.L_overlay_start_1:
0x0: {  	(tag) =	ssettag $0x1  }
0x1: {  	s5 =	rddreg [dreg:$0x0]  }
0x2: {  	s1 =	rddreg [dreg:$0x1]  }
0x3: {  	s0 =	srdreg.scid;
	s2 =	rddreg [dreg:$0x2]  }
0x4: {  	s4 =	simm.s32 $0x0;
	s3 =	stileid.u32;
	s16 =	simm.s32 $0x80  }
0x5: {  	s17 =	simm.s32 $0x2800;
	s18 =	simm.s32 $0x6800;
	s19 =	simm.s32 $0x1  }
0x6: {  	s20 =	simm.s32 $0x4;
	s21 =	simm.s32 $0x2;
	s22 =	simm.s32 $0x1380  }
0x7: {  	s23 =	simm.s32 $0x2700;
	s24 =	simm.s32 $0x2780;
	s9 =	smul.u32 $0x14000, s3  }
0x8: {  	s6 =	sand.u32 $0x1, s0;
	s0 =	rddreg [dreg:$0x3];
	s11 =	smul.u32 $0x50000, s3  }
0x9: {  	[smem:$0x7FF] =	sst s4;
	s10 =	sadd.s32 $0x2A00, s5;
	s13 =	smul.u32 $0x2800, s3  }
0xa: {  	s14 =	sadd.s32 $0xCA00, s5;
	s28 =	sshll.u32 s3, $0x6;
	s7 =	smul.u32 $0x140000, s6  }
0xb: {  	_ =	strace $0x8000004A;
	s25 =	ssub.s32 $0x2, s6;
	s6 =	smul.u32 $0x28000, s6  }
0xc: {  	s12 =	sshrl.u32 s25, $0x1;
	s26 =	sshrl.u32 s11, $0x2;
	s8 =	sshrl.u32 s7, $0x3  }
0xd: {  	s7 =	sadd.s32 s9, s7;
	s12 =	ssub.s32 s25, s12;
	s6 =	sadd.s32 s13, s6  }
0xe: {  	s29 =	sadd.s32 s26, s2;
	s25 =	simm.s32 $0x0;
	s8 =	sadd.s32 s8, s5  }
0xf: {  	s7 =	sshrl.u32 s7, $0x3;
	s30 =	sshrl.u32 s6, $0x3;
	s12 =	smax.u32 s12, $0x1  }
0x10: {  	s13 =	sshrl.u32 s29, $0x3;
	s15 =	sadd.s32 s7, s5;
	s5 =	sor.u32 $0x1C03, s28  }
0x11: {  	s6 =	sadd.s32 s10, s30;
	s7 =	sadd.s32 s14, s30;
	s31 =	sadd.s32 $0x280, s30  }
0x12: {  	s8 =	sadd.s32 $0xB6A00, s8;
	s9 =	sadd.s32 s10, s31;
	s10 =	sadd.s32 s14, s31  }
0x13: {  	s11 =	sadd.s32 $0x106A00, s15;
	s14 =	simm.s32 $0x3;
	s15 =	simm.s32 $0x1400  }
.LBB2_1:
0x14: {  	[spmem:s13], [sflag:s5] =	dma.local [hbm:s1], $0x2800  }
0x15: {  	_ =	swait.ge [sflag:s14], $0x2800  }
0x16: {  	[sflag:s14] =	ssyncset.done $0x0  }
0x17: {  	[sflag:s14] =	ssyncadd.s32 $0xFFFFD800  }
0x18: {  	[bflag:$0x0] =	sbarrier.arrive $0xFFFF  }
0x19: {  	[tilespmem:s4], [sflag:$0x3] =	stream.linear.gather [hbm4b:s6+s4], $0x1400, $0x38;
	[tilespmem:$0x1E800] =	vst v63  }
0x1a: {  	_ =	swait.ge [sflag:s14], $0x1400  }
0x1b: {  	[sflag:s14] =	ssyncset.done $0x0  }
0x1c: {  	[sflag:s14] =	ssyncadd.s32 $0xFFFFEC00  }
0x1d: {  	[tilespmem:s15], [sflag:$0x3] =	stream.linear.gather [hbm4b:s7+s4], $0x1400, $0x38;
	[tilespmem:$0x1E800] =	vst v63  }
0x1e: {  	_ =	swait.ge [sflag:s14], $0x1400  }
0x1f: {  	[sflag:s14] =	ssyncset.done $0x0  }
0x20: {  	[sflag:s14] =	ssyncadd.s32 $0xFFFFEC00  }
0x21: {  	[tilespmem:s17], [sflag:$0x1] =	stream.indirect.gather [hbm4b:s8+s16], $0x80, s4, s16, $0xb8;
	[tilespmem:$0x1E800] =	vst v63  }
0x22: {  	s26 =	simm.s32 $0x80  }
0x23: {  	[tilespmem:s18], [sflag:$0x2] =	stream.indirect.gather [hbm4b:s8+s16], $0x80, s26, s16, $0xb8;
	[tilespmem:$0x1E800] =	vst v63  }
0x24: {  	_ =	swait.ge [sflag:s19], $0x4000  }
0x25: {  	[sflag:s19] =	ssyncset.done $0x0  }
0x26: {  	s29 =	simm.s32 $0x1400;
	[sflag:s19] =	ssyncadd.s32 $0xFFFFC000  }
0x27: {  	[spmem:s2] =	stream.indirect.scatter.add.f32 [tilespmem:s17], [sflag:$0x4], $0x80, s29, s16, $0xb8;
	[tilespmem:$0x1E800] =	vst v63  }
0x28: {  	_ =	swait.ge [sflag:s20], $0x4000  }
0x29: {  	[sflag:s20] =	ssyncset.done $0x0  }
0x2a: {  	s30 =	simm.s32 $0x100;
	[sflag:s20] =	ssyncadd.s32 $0xFFFFC000  }
0x2b: {  	[tilespmem:s17], [sflag:$0x1] =	stream.indirect.gather [hbm4b:s8+s16], $0x80, s30, s16, $0xb8;
	[tilespmem:$0x1E800] =	vst v63  }
0x2c: {  	_ =	swait.ge [sflag:s21], $0x4000  }
0x2d: {  	[sflag:s21] =	ssyncset.done $0x0  }
0x2e: {  	s31 =	simm.s32 $0x1480;
	[sflag:s21] =	ssyncadd.s32 $0xFFFFC000  }
0x2f: {  	[spmem:s2] =	stream.indirect.scatter.add.f32 [tilespmem:s18], [sflag:$0x3], $0x80, s31, s16, $0xb8;
	[tilespmem:$0x1E800] =	vst v63  }
0x30: {  	_ =	swait.ge [sflag:s14], $0x4000  }
0x31: {  	s28 =	simm.s32 $0x800;
	s26 =	simm.s32 $0x100;
	[sflag:s14] =	ssyncset.done $0x0  }
.LBB2_2:
0x32: {  	s29 =	sadd.s32 $0x80, s26  }
0x33: {  	[sflag:s14] =	ssyncadd.s32 $0xFFFFC000;
	s30 =	smov.u32 s28;
	s31 =	sadd.s32 $0x400, s28  }
0x34: {  	[tilespmem:s18], [sflag:$0x2] =	stream.indirect.gather [hbm4b:s8+s16], $0x80, s29, s16, $0xb8;
	[tilespmem:$0x1E800] =	vst v63  }
0x35: {  	p0 =	sne.s32 s28, $0x4800;
	_ =	swait.ge [sflag:s19], $0x4000  }
0x36: {  	[sflag:s19] =	ssyncset.done $0x0  }
0x37: {  	s28 =	sadd.s32 $0x1400, s26;
	[sflag:s19] =	ssyncadd.s32 $0xFFFFC000  }
0x38: {  	[spmem:s2] =	stream.indirect.scatter.add.f32 [tilespmem:s17], [sflag:$0x4], $0x80, s28, s16, $0xb8;
	[tilespmem:$0x1E800] =	vst v63  }
0x39: {  	_ =	swait.ge [sflag:s20], $0x4000  }
0x3a: {  	[sflag:s20] =	ssyncset.done $0x0  }
0x3b: {  	s28 =	sadd.s32 $0x100, s26;
	[sflag:s20] =	ssyncadd.s32 $0xFFFFC000  }
0x3c: {  	[tilespmem:s17], [sflag:$0x1] =	stream.indirect.gather [hbm4b:s8+s16], $0x80, s28, s16, $0xb8;
	[tilespmem:$0x1E800] =	vst v63  }
0x3d: {  	_ =	swait.ge [sflag:s21], $0x4000  }
.Ltmp0:
0x3e: {  	[sflag:s21] =	ssyncset.done $0x0;
	(pc) =	sbr.rel @p0 .LBB2_2-.Ltmp0, $4  }
0x3f: {  	s26 =	sadd.s32 $0x1480, s26;
	[sflag:s21] =	ssyncadd.s32 $0xFFFFC000  }
0x40: {  	[spmem:s2] =	stream.indirect.scatter.add.f32 [tilespmem:s18], [sflag:$0x3], $0x80, s26, s16, $0xb8;
	[tilespmem:$0x1E800] =	vst v63  }
0x41: {  	_ =	swait.ge [sflag:s14], $0x4000  }
0x42: {  	s28 =	smov.u32 s31;
	s26 =	sshra.s32 s30, $0x2;
	[sflag:s14] =	ssyncset.done $0x0  }
0x43: {  	s28 =	sadd.s32 $0x80, s26;
	[sflag:s14] =	ssyncadd.s32 $0xFFFFC000  }
0x44: {  	[tilespmem:s18], [sflag:$0x2] =	stream.indirect.gather [hbm4b:s8+s16], $0x80, s28, s16, $0xb8;
	[tilespmem:$0x1E800] =	vst v63  }
0x45: {  	_ =	swait.ge [sflag:s19], $0x4000  }
0x46: {  	[sflag:s19] =	ssyncset.done $0x0  }
0x47: {  	s28 =	sadd.s32 $0x1400, s26;
	[sflag:s19] =	ssyncadd.s32 $0xFFFFC000  }
0x48: {  	[spmem:s2] =	stream.indirect.scatter.add.f32 [tilespmem:s17], [sflag:$0x4], $0x80, s28, s16, $0xb8;
	[tilespmem:$0x1E800] =	vst v63  }
0x49: {  	_ =	swait.ge [sflag:s20], $0x4000  }
0x4a: {  	[sflag:s20] =	ssyncset.done $0x0  }
0x4b: {  	s28 =	sadd.s32 $0x100, s26;
	[sflag:s20] =	ssyncadd.s32 $0xFFFFC000  }
0x4c: {  	[tilespmem:s17], [sflag:$0x1] =	stream.indirect.gather [hbm4b:s8+s16], $0x80, s28, s16, $0xb8;
	[tilespmem:$0x1E800] =	vst v63  }
0x4d: {  	_ =	swait.ge [sflag:s21], $0x4000  }
0x4e: {  	[sflag:s21] =	ssyncset.done $0x0  }
0x4f: {  	s29 =	sadd.s32 $0x1480, s26;
	[sflag:s21] =	ssyncadd.s32 $0xFFFFC000  }
0x50: {  	[spmem:s2] =	stream.indirect.scatter.add.f32 [tilespmem:s18], [sflag:$0x3], $0x80, s29, s16, $0xb8;
	[tilespmem:$0x1E800] =	vst v63  }
0x51: {  	_ =	swait.ge [sflag:s14], $0x4000  }
0x52: {  	[sflag:s14] =	ssyncset.done $0x0  }
0x53: {  	[sflag:s14] =	ssyncadd.s32 $0xFFFFC000  }
0x54: {  	[tilespmem:s18], [sflag:$0x2] =	stream.indirect.gather [hbm4b:s8+s16], $0x80, s22, s16, $0xb8;
	[tilespmem:$0x1E800] =	vst v63  }
0x55: {  	_ =	swait.ge [sflag:s19], $0x4000  }
0x56: {  	[sflag:s19] =	ssyncset.done $0x0  }
0x57: {  	[sflag:s19] =	ssyncadd.s32 $0xFFFFC000  }
0x58: {  	[spmem:s2] =	stream.indirect.scatter.add.f32 [tilespmem:s17], [sflag:$0x4], $0x80, s23, s16, $0xb8;
	[tilespmem:$0x1E800] =	vst v63  }
0x59: {  	_ =	swait.ge [sflag:s20], $0x4000  }
0x5a: {  	[sflag:s20] =	ssyncset.done $0x0  }
0x5b: {  	[sflag:s20] =	ssyncadd.s32 $0xFFFFC000  }
0x5c: {  	_ =	swait.ge [sflag:s21], $0x4000  }
0x5d: {  	[sflag:s21] =	ssyncset.done $0x0  }
0x5e: {  	[sflag:s21] =	ssyncadd.s32 $0xFFFFC000  }
0x5f: {  	[spmem:s2] =	stream.indirect.scatter.add.f32 [tilespmem:s18], [sflag:$0x3], $0x80, s24, s16, $0xb8;
	[tilespmem:$0x1E800] =	vst v63  }
0x60: {  	_ =	swait.ge [sflag:s14], $0x4000  }
0x61: {  	[sflag:s14] =	ssyncset.done $0x0  }
0x62: {  	s30 =	simm.s32 $0x0;
	[sflag:s14] =	ssyncadd.s32 $0xFFFFC000  }
0x63: {  	[tilespmem:s30], [sflag:$0x3] =	stream.linear.gather [hbm4b:s9+s30], $0x1380, $0x38;
	[tilespmem:$0x1E800] =	vst v63  }
0x64: {  	_ =	swait.ge [sflag:s14], $0x1380  }
0x65: {  	[sflag:s14] =	ssyncset.done $0x0  }
0x66: {  	[sflag:s14] =	ssyncadd.s32 $0xFFFFEC80  }
0x67: {  	[tilespmem:s15], [sflag:$0x3] =	stream.linear.gather [hbm4b:s10+s30], $0x1380, $0x38;
	[tilespmem:$0x1E800] =	vst v63  }
0x68: {  	_ =	swait.ge [sflag:s14], $0x1380  }
0x69: {  	[sflag:s14] =	ssyncset.done $0x0  }
0x6a: {  	[sflag:s14] =	ssyncadd.s32 $0xFFFFEC80  }
0x6b: {  	[tilespmem:s17], [sflag:$0x1] =	stream.indirect.gather [hbm4b:s8+s16], $0x80, s30, s16, $0xb8;
	[tilespmem:$0x1E800] =	vst v63  }
0x6c: {  	s31 =	simm.s32 $0x80  }
0x6d: {  	[tilespmem:s18], [sflag:$0x2] =	stream.indirect.gather [hbm4b:s8+s16], $0x80, s31, s16, $0xb8;
	[tilespmem:$0x1E800] =	vst v63  }
0x6e: {  	_ =	swait.ge [sflag:s19], $0x4000  }
0x6f: {  	[sflag:s19] =	ssyncset.done $0x0  }
0x70: {  	s29 =	simm.s32 $0x1400;
	[sflag:s19] =	ssyncadd.s32 $0xFFFFC000  }
0x71: {  	[spmem:s2] =	stream.indirect.scatter.add.f32 [tilespmem:s17], [sflag:$0x4], $0x80, s29, s16, $0xb8;
	[tilespmem:$0x1E800] =	vst v63  }
0x72: {  	_ =	swait.ge [sflag:s20], $0x4000  }
0x73: {  	[sflag:s20] =	ssyncset.done $0x0  }
0x74: {  	s30 =	simm.s32 $0x100;
	[sflag:s20] =	ssyncadd.s32 $0xFFFFC000  }
0x75: {  	[tilespmem:s17], [sflag:$0x1] =	stream.indirect.gather [hbm4b:s8+s16], $0x80, s30, s16, $0xb8;
	[tilespmem:$0x1E800] =	vst v63  }
0x76: {  	_ =	swait.ge [sflag:s21], $0x4000  }
0x77: {  	[sflag:s21] =	ssyncset.done $0x0  }
0x78: {  	s31 =	simm.s32 $0x1480;
	[sflag:s21] =	ssyncadd.s32 $0xFFFFC000  }
0x79: {  	[spmem:s2] =	stream.indirect.scatter.add.f32 [tilespmem:s18], [sflag:$0x3], $0x80, s31, s16, $0xb8;
	[tilespmem:$0x1E800] =	vst v63  }
0x7a: {  	_ =	swait.ge [sflag:s14], $0x4000  }
0x7b: {  	s26 =	simm.s32 $0x100;
	s28 =	simm.s32 $0x800;
	[sflag:s14] =	ssyncset.done $0x0  }
.LBB2_4:
0x7c: {  	s29 =	sadd.s32 $0x80, s26  }
0x7d: {  	[sflag:s14] =	ssyncadd.s32 $0xFFFFC000;
	s30 =	smov.u32 s28;
	s31 =	sadd.s32 $0x400, s28  }
0x7e: {  	[tilespmem:s18], [sflag:$0x2] =	stream.indirect.gather [hbm4b:s8+s16], $0x80, s29, s16, $0xb8;
	[tilespmem:$0x1E800] =	vst v63  }
0x7f: {  	p0 =	sne.s32 s28, $0x4800;
	_ =	swait.ge [sflag:s19], $0x4000  }
0x80: {  	[sflag:s19] =	ssyncset.done $0x0  }
0x81: {  	s28 =	sadd.s32 $0x1400, s26;
	[sflag:s19] =	ssyncadd.s32 $0xFFFFC000  }
0x82: {  	[spmem:s2] =	stream.indirect.scatter.add.f32 [tilespmem:s17], [sflag:$0x4], $0x80, s28, s16, $0xb8;
	[tilespmem:$0x1E800] =	vst v63  }
0x83: {  	_ =	swait.ge [sflag:s20], $0x4000  }
0x84: {  	[sflag:s20] =	ssyncset.done $0x0  }
0x85: {  	s28 =	sadd.s32 $0x100, s26;
	[sflag:s20] =	ssyncadd.s32 $0xFFFFC000  }
0x86: {  	[tilespmem:s17], [sflag:$0x1] =	stream.indirect.gather [hbm4b:s8+s16], $0x80, s28, s16, $0xb8;
	[tilespmem:$0x1E800] =	vst v63  }
0x87: {  	_ =	swait.ge [sflag:s21], $0x4000  }
.Ltmp1:
0x88: {  	[sflag:s21] =	ssyncset.done $0x0;
	(pc) =	sbr.rel @p0 .LBB2_4-.Ltmp1, $4  }
0x89: {  	s26 =	sadd.s32 $0x1480, s26;
	[sflag:s21] =	ssyncadd.s32 $0xFFFFC000  }
0x8a: {  	[spmem:s2] =	stream.indirect.scatter.add.f32 [tilespmem:s18], [sflag:$0x3], $0x80, s26, s16, $0xb8;
	[tilespmem:$0x1E800] =	vst v63  }
0x8b: {  	_ =	swait.ge [sflag:s14], $0x4000  }
0x8c: {  	s28 =	smov.u32 s31;
	s26 =	sshra.s32 s30, $0x2;
	[sflag:s14] =	ssyncset.done $0x0  }
0x8d: {  	s28 =	sadd.s32 $0x80, s26;
	[sflag:s14] =	ssyncadd.s32 $0xFFFFC000  }
0x8e: {  	[tilespmem:s18], [sflag:$0x2] =	stream.indirect.gather [hbm4b:s8+s16], $0x80, s28, s16, $0xb8;
	[tilespmem:$0x1E800] =	vst v63  }
0x8f: {  	_ =	swait.ge [sflag:s19], $0x4000  }
0x90: {  	[sflag:s19] =	ssyncset.done $0x0  }
0x91: {  	s29 =	sadd.s32 $0x1400, s26;
	[sflag:s19] =	ssyncadd.s32 $0xFFFFC000  }
0x92: {  	[spmem:s2] =	stream.indirect.scatter.add.f32 [tilespmem:s17], [sflag:$0x4], $0x80, s29, s16, $0xb8;
	[tilespmem:$0x1E800] =	vst v63  }
0x93: {  	_ =	swait.ge [sflag:s20], $0x4000  }
0x94: {  	[sflag:s20] =	ssyncset.done $0x0  }
0x95: {  	s30 =	sadd.s32 $0x100, s26;
	[sflag:s20] =	ssyncadd.s32 $0xFFFFC000  }
0x96: {  	[tilespmem:s17], [sflag:$0x1] =	stream.indirect.gather [hbm4b:s8+s16], $0x80, s30, s16, $0xb8;
	[tilespmem:$0x1E800] =	vst v63  }
0x97: {  	_ =	swait.ge [sflag:s21], $0x4000  }
0x98: {  	[sflag:s21] =	ssyncset.done $0x0  }
0x99: {  	s31 =	sadd.s32 $0x1480, s26;
	[sflag:s21] =	ssyncadd.s32 $0xFFFFC000  }
0x9a: {  	[spmem:s2] =	stream.indirect.scatter.add.f32 [tilespmem:s18], [sflag:$0x3], $0x80, s31, s16, $0xb8;
	[tilespmem:$0x1E800] =	vst v63  }
0x9b: {  	_ =	swait.ge [sflag:s14], $0x4000  }
0x9c: {  	[sflag:s14] =	ssyncset.done $0x0  }
0x9d: {  	[sflag:s14] =	ssyncadd.s32 $0xFFFFC000  }
0x9e: {  	_ =	swait.ge [sflag:s19], $0x4000  }
0x9f: {  	[sflag:s19] =	ssyncset.done $0x0  }
0xa0: {  	[sflag:s19] =	ssyncadd.s32 $0xFFFFC000  }
0xa1: {  	[spmem:s2] =	stream.indirect.scatter.add.f32 [tilespmem:s17], [sflag:$0x4], $0x80, s23, s16, $0xb8;
	[tilespmem:$0x1E800] =	vst v63  }
0xa2: {  	_ =	swait.ge [sflag:s20], $0x4000  }
0xa3: {  	s25 =	sadd.s32 $0x1, s25;
	[sflag:s20] =	ssyncset.done $0x0  }
0xa4: {  	p0 =	sne.s32 s25, s12;
	[sflag:s20] =	ssyncadd.s32 $0xFFFFC000  }
.Ltmp2:
0xa5: {  	[bflag:$0x0] =	sbarrier.arrive $0xFFFF;
	(pc) =	sbr.rel @p0 .LBB2_1-.Ltmp2, $4  }
0xa6: {  	[hbm:s11], [sflag:s5] =	dma.local [spmem:s13], $0x2800  }
0xa7: {  	_ =	swait.ge [sflag:s14], $0x2800  }
0xa8: {  	[sflag:s14] =	ssyncset.done $0x0  }
0xa9: {  	[sflag:s14] =	ssyncadd.s32 $0xFFFFD800  }
0xaa: {  	_ =	sfence.sel $0x180000  }
0xab: {  	[bflag:$0x0] =	sbarrier.arrive $0xFFFF  }
0xac: {  	p0 =	sne.s32 s3, $0x0;
	_ =	strace $0x9000004A  }
0xad: {  	s0 =	sadd.s32 @!p0 $0x100000, s0;
	[bflag:$0x2] =	sbarrier.arrive $0xFFFF  }
0xae: {  	[sflag:s0] =	ssyncadd.tile.s32 @!p0 $0x1;
	_ =	shalt  }
.Lfunc_end2:
_tile_overlayer_lowered:
.L_overlay_start_2:
0xaf: {  	(tag) =	ssettag $0x2  }
0xb0: {  	s0 =	rddreg [dreg:$0x0];
	s2 =	stileid.u32  }
0xb1: {  	s1 =	rddreg [dreg:$0x1];
	p0 =	sne.s32 s2, $0x0  }
0xb2: {  	s3 =	rddreg [dreg:$0x2];
	[bflag:$0x3] =	sbarrier.arrive $0xFFFF;
	s2 =	simm.s32 @!p0 $0x1C03  }
0xb3: {  	[timem:s3], [sflag:s2] =	dma.local @!p0 [hbm:s0], s1  }
0xb4: {  	s0 =	simm.s32 @!p0 $0x3  }
0xb5: {  	_ =	swait.ge @!p0 [sflag:s0], s1  }
0xb6: {  	s1 =	ssub.s32 @!p0 $0x0, s1;
	[sflag:s0] =	ssyncset.done @!p0 $0x0  }
0xb7: {  	[sflag:s0] =	ssyncadd.s32 @!p0 s1  }
0xb8: {  	[bflag:$0x3] =	sbarrier.arrive $0xFFFF  }
0xb9: {  	_ =	shalt  }

// kernel: kernel.15.cloned.1.call-start
scs
__scs_entry_jumppad:
0x0: {  	(pc) =	sbr.rel $0x88, $3  }
0x1: {  	(tag) =	ssettag $0x0;
	lr =	simm.s32 $0x1  }
0x2: {  	[smem:$0x3F93] =	sst lr;
	_ =	strace $0xD0000000  }
0x3: {  	_ = 	snop  }
0x4: {  	_ = 	snop  }
0x5: {  	_ = 	snop  }
0x6: {  	_ = 	snop  }
0x7: {  	_ = 	snop  }
__scs_overlays_trampoline_lowered:
0x8: {  	[smem:$0x3FA2] =	sst s0  }
0x9: {  	[smem:$0x3FA3] =	sst s1  }
0xa: {  	[smem:$0x3FA4] =	sst s2  }
0xb: {  	[smem:$0x3FA5] =	sst s3  }
0xc: {  	[smem:$0x3FA6] =	sst s4  }
0xd: {  	[smem:$0x3FA7] =	sst s5  }
0xe: {  	[smem:$0x3FA8] =	sst s6  }
0xf: {  	[smem:$0x3FA9] =	sst s7  }
0x10: {  	[smem:$0x3FAA] =	sst s8  }
0x11: {  	[smem:$0x3FAB] =	sst s9;
	s0 =	simm.s32 @!p0 $0x0  }
0x12: {  	s1 =	sld [smem:$0x3F91];
	s0 =	simm.s32 @p0 $0x1  }
0x13: {  	[smem:$0x3FAC] =	sst s0;
	s0 =	simm.s32 @!p1 $0x0  }
0x14: {  	s2 =	sld [smem:$0x3F90];
	s0 =	simm.s32 @p1 $0x1  }
0x15: {  	[smem:$0x3FAD] =	sst s0;
	s0 =	simm.s32 @!p2 $0x0  }
0x16: {  	s3 =	sld [smem:$0x3FDB];
	s0 =	simm.s32 @p2 $0x1  }
0x17: {  	s4 =	simm.s32 $0x1BF5;
	[smem:$0x3FAF] =	sst s0  }
0x18: {  	s0 =	sld [smem:$0x3F92];
	_ =	swait.ge [sflag:s4], $0x0  }
0x19: {  	s7 =	sld [smem:$0x3F93]  }
0x1a: {  	s8 =	sadd.s32 $0xFFFFE003, lr  }
0x1b: {  	s9 =	sadd.s32 $0xFFFFFEF7, lr;
	s5 =	simm.s32 $0xFFFFFFFF;
	p2 =	slt.u32 s8, $0xFFFFF086  }
0x1c: {  	p1 =	slt.u32 s9, $0xF7A;
	s5 =	simm.s32 @!p2 $0x0  }
0x1d: {  	s5 =	simm.s32 @p1 $0x1;
	p0 =	seq.s32 s7, s2  }
0x1e: {  	s7 =	smul.u32 @!p0 $0xF7A, s2;
	p2 =	seq.s32 @!p0 s5, $0x0  }
0x1f: {  	s9 =	smul.u32 $0xF7A, s1;
	s8 =	simm.s32 @!p0 $0x1BF5;
	p2 =	por !p2, p0  }
0x20: {  	[sflag:s8] =	ssyncset.s32 @!p0 $0xFFFFF086;
	s6 =	sadd.s32 @!p0 s3, s7;
	s7 =	simm.s32 @!p0 $0x108  }
0x21: {  	s3 =	sadd.s32 s3, s9;
	s6 =	sadd.s32 @!p0 $0x88, s6;
	s7 =	simm.s32 @p2 $0x1082  }
0x22: {  	[simem:s7], [sflag:s8] =	dma.local @!p0 [hbm:s6], $0xF7A  }
0x23: {  	s9 =	sor.u32 $0xD0000000, s2;
	s6 =	simm.s32 $0x108;
	_ =	swait.ge @!p0 [sflag:s8], $0x0  }
0x24: {  	s3 =	sadd.s32 $0x88, s3;
	s6 =	simm.s32 @!p1 $0x1082;
	[sflag:s4] =	ssyncset.s32 $0xFFFFF086  }
0x25: {  	[simem:s6], [sflag:s4] =	dma.local [hbm:s3], $0xF7A  }
0x26: {  	[smem:$0x3F93] =	sst s1;
	(tag) =	ssettag s2;
	_ =	strace s9  }
0x27: {  	s1 =	sld [smem:$0x3FA3]  }
0x28: {  	s2 =	sld [smem:$0x3FA4]  }
0x29: {  	s4 =	sld [smem:$0x3FA6]  }
0x2a: {  	p0 =	seq.s32 s5, $0x0;
	s5 =	sld [smem:$0x3FA7]  }
0x2b: {  	s6 =	sld [smem:$0x3FA8]  }
0x2c: {  	s7 =	sld [smem:$0x3FA9]  }
0x2d: {  	s3 =	simm.s32 $0x108;
	s8 =	sld [smem:$0x3FAA]  }
0x2e: {  	s3 =	simm.s32 @!p0 $0x1082;
	s9 =	sld [smem:$0x3FAB]  }
0x2f: {  	lr =	sadd.s32 s0, s3;
	s0 =	sld [smem:$0x3FA2]  }
0x30: {  	s3 =	sld [smem:$0x3FA5]  }
0x31: {  	[smem:$0x3FAE] =	sst s10  }
0x32: {  	s10 =	sld [smem:$0x3FAC];
	_ =	sdelay $0x3  }
0x33: {  	p0 =	seq.s32 s10, $0x1;
	s10 =	sld [smem:$0x3FAE];
	_ =	sdelay $0x3  }
0x34: {  	[smem:$0x3FAE] =	sst s10  }
0x35: {  	s10 =	sld [smem:$0x3FAD];
	_ =	sdelay $0x3  }
0x36: {  	p1 =	seq.s32 s10, $0x1;
	s10 =	sld [smem:$0x3FAE];
	_ =	sdelay $0x3  }
0x37: {  	[smem:$0x3FAE] =	sst s10  }
0x38: {  	s10 =	sld [smem:$0x3FAF]  }
0x39: {  	_ = 	snop;
	(pc) =	sbr.ind lr, $3  }
0x3a: {  	_ = 	snop  }
0x3b: {  	_ = 	snop  }
0x3c: {  	p2 =	seq.s32 s10, $0x1;
	s10 =	sld [smem:$0x3FAE]  }
0x3d: {  	_ =	shalt  }
0x3e: {  	_ =	shalt  }
0x3f: {  	_ =	shalt  }
0x40: {  	_ =	shalt  }
0x41: {  	_ =	shalt  }
0x42: {  	_ =	shalt  }
0x43: {  	_ =	shalt  }
0x44: {  	_ =	shalt  }
0x45: {  	_ =	shalt  }
0x46: {  	_ =	shalt  }
0x47: {  	_ =	shalt  }
0x48: {  	_ =	shalt  }
0x49: {  	_ =	shalt  }
0x4a: {  	_ =	shalt  }
0x4b: {  	_ =	shalt  }
0x4c: {  	_ =	shalt  }
0x4d: {  	_ =	shalt  }
0x4e: {  	_ =	shalt  }
0x4f: {  	_ =	shalt  }
0x50: {  	_ =	shalt  }
0x51: {  	_ =	shalt  }
0x52: {  	_ =	shalt  }
0x53: {  	_ =	shalt  }
0x54: {  	_ =	shalt  }
0x55: {  	_ =	shalt  }
0x56: {  	_ =	shalt  }
0x57: {  	_ =	shalt  }
0x58: {  	_ =	shalt  }
0x59: {  	_ =	shalt  }
0x5a: {  	_ =	shalt  }
0x5b: {  	_ =	shalt  }
0x5c: {  	_ =	shalt  }
0x5d: {  	_ =	shalt  }
0x5e: {  	_ =	shalt  }
0x5f: {  	_ =	shalt  }
0x60: {  	_ =	shalt  }
0x61: {  	_ =	shalt  }
0x62: {  	_ =	shalt  }
0x63: {  	_ =	shalt  }
0x64: {  	_ =	shalt  }
0x65: {  	_ =	shalt  }
0x66: {  	_ =	shalt  }
0x67: {  	_ =	shalt  }
0x68: {  	_ =	shalt  }
0x69: {  	_ =	shalt  }
0x6a: {  	_ =	shalt  }
0x6b: {  	_ =	shalt  }
0x6c: {  	_ =	shalt  }
0x6d: {  	_ =	shalt  }
0x6e: {  	_ =	shalt  }
0x6f: {  	_ =	shalt  }
0x70: {  	_ =	shalt  }
0x71: {  	_ =	shalt  }
0x72: {  	_ =	shalt  }
0x73: {  	_ =	shalt  }
0x74: {  	_ =	shalt  }
0x75: {  	_ =	shalt  }
0x76: {  	_ =	shalt  }
0x77: {  	_ =	shalt  }
0x78: {  	_ =	shalt  }
0x79: {  	_ =	shalt  }
0x7a: {  	_ =	shalt  }
0x7b: {  	_ =	shalt  }
0x7c: {  	_ =	shalt  }
0x7d: {  	_ =	shalt  }
0x7e: {  	_ =	shalt  }
0x7f: {  	_ =	shalt  }
0x80: {  	_ =	shalt  }
0x81: {  	_ =	shalt  }
0x82: {  	_ =	shalt  }
0x83: {  	_ =	shalt  }
0x84: {  	_ =	shalt  }
0x85: {  	_ =	shalt  }
0x86: {  	_ =	shalt  }
0x87: {  	_ =	shalt  }
.Lfunc_end0:
.L_simem_size_0:
called_computation.2_lowered:
.L_overlay_start_0:
0x88: {  	s2 =	sld [smem:$0x3FD9]  }
0x89: {  	s3 =	sld [smem:$0x3FFE];
	_ =	sdelay $0x1  }
0x8a: {  	s1 =	srdreg.scid  }
0x8b: {  	s0 =	sand.u32 $0x1, s1  }
0x8c: {  	s17 =	sshll.u32 s0, $0xA;
	s2 =	sadd.s32 s3, s2  }
0x8d: {  	s2 =	sadd.s32 s2, s17  }
0x8e: {  	[smem:$0x3FBA] =	sst s2  }
0x8f: {  	_ = 	snop  }
0x90: {  	s2 =	sld [smem:$0x3FD0];
	(tm) =	ssettm $0x1  }
0x91: {  	s18 =	sld [smem:$0x3FFB];
	_ =	sdelay $0x3  }
0x92: {  	_ =	strace s18  }
0x93: {  	s3 =	sld [smem:$0x3FFC];
	_ =	sdelay $0x3  }
0x94: {  	_ =	strace s3  }
0x95: {  	s3 =	sld [smem:$0x3FFD];
	_ =	sdelay $0x3  }
0x96: {  	_ =	strace s3  }
0x97: {  	_ =	strace $0x8FFFFFFF  }
0x98: {  	s19 =	sld [smem:$0x3FDB];
	_ =	sdelay $0x1  }
0x99: {  	s4 =	simm.s32 $_scs_section_size  }
0x9a: {  	s5 =	simm.s32 $_size__tile_overlayer_lowered;
	s6 =	simm.s32 $_tile_overlayer_lowered  }
0x9b: {  	s22 =	simm.s32 $0x1BFF;
	s21 =	sshll.u32 s6, $0x1;
	s3 =	sadd.s32 s4, s19  }
0x9c: {  	s7 =	simm.s32 $0x0;
	s20 =	sshll.u32 s5, $0x1;
	s5 =	sadd.s32 s21, s3  }
0x9d: {  	[timem:s7], [sflag:s22] =	dma.local [hbm:s5], s20  }
0x9e: {  	_ =	swait.ge [sflag:s22], s20  }
0x9f: {  	s4 =	ssub.s32 $0x0, s20;
	[sflag:s22] =	ssyncset.done $0x0  }
0xa0: {  	[sflag:s22] =	ssyncadd.s32 s4;
	_ =	sdelay $0x1  }
0xa1: {  	s23 =	simm.s32 $0x1B8B  }
0xa2: {  	_ =	swait.ge [sflag:s23], $0x1  }
0xa3: {  	[sflag:s23] =	ssyncset.done $0x0  }
0xa4: {  	s25 =	simm.s32 $0x1B8E;
	s24 =	sld [smem:$0x3FFE];
	[sflag:s23] =	ssyncadd.s32 $0xFFFFFFFF  }
0xa5: {  	s26 =	simm.s32 $execute0_lowered;
	[smem:$0x3FD2] =	sst s25  }
0xa6: {  	s5 =	sshll.u32 s26, $0x1;
	_ =	strace $0x8000004C;
	[dreg:$0x1] =	wrdreg $0xFFFFFFFF  }
0xa7: {  	s28 =	simm.s32 $_size_execute0_lowered;
	s3 =	sadd.s32 s3, s5;
	[dreg:$0x0] =	wrdreg $0x0  }
0xa8: {  	s5 =	sshll.u32 s28, $0x1;
	[dreg:$0x2] =	wrdreg s3  }
0xa9: {  	[dreg:$0x3] =	wrdreg s5  }
0xaa: {  	[dreg:$0x4] =	wrdreg $0xC0  }
0xab: {  	_ =	task [dreg:s7], $0x5FFFF  }
0xac: {  	[dreg:$0x1] =	wrdreg $0xFFFFFFFF  }
0xad: {  	[dreg:$0x0] =	wrdreg $0x60  }
0xae: {  	[dreg:$0x2] =	wrdreg s24  }
0xaf: {  	[dreg:$0x3] =	wrdreg s2  }
0xb0: {  	[dreg:$0x4] =	wrdreg $0xA8000  }
0xb1: {  	[dreg:$0x5] =	wrdreg $0x9  }
0xb2: {  	_ =	task.clear_ibuf [dreg:s7], $0x6FFFF;
	_ =	strace $0x9000004C  }
0xb3: {  	s29 =	simm.s32 $0x9;
	_ =	strace $0x8000004E  }
0xb4: {  	_ =	swait.ge [sflag:s29], $0x1  }
0xb5: {  	[sflag:s29] =	ssyncadd.s32 $0xFFFFFFFF  }
0xb6: {  	_ =	strace $0x9000004E  }
0xb7: {  	_ =	sfence  }
0xb8: {  	s30 =	sld [smem:$0x0];
	_ =	sdelay $0x2  }
0xb9: {  	s31 =	sshll.u32 s1, $0xD;
	s1 =	sshrl.u32 s1, $0x2  }
0xba: {  	s3 =	sand.u32 $0x4000, s31;
	s1 =	sadd.s32 s1, s30  }
0xbb: {  	s0 =	sor.u32 s3, s0;
	s1 =	sshll.u32 s1, $0x11  }
0xbc: {  	s0 =	sor.u32 s1, s0  }
0xbd: {  	s0 =	sadd.s32 $0x8F2B, s0  }
0xbe: {  	[sflag:s0] =	ssyncadd.remote.s32 $0x1  }
0xbf: {  	_ =	sfence.sel $0xFFFF  }
0xc0: {  	[dreg:$0x0] =	wrdreg $0xFFFFFFFF;
	(pc) =	sbr.abs _section_cstart, $3  }
0xc1: {  	[dreg:$0x1] =	wrdreg $0xFFFFFFFF  }
0xc2: {  	_ =	task.clear_ibuf [dreg:s7], $0x2FFFF;
	_ =	strace $0x9FFFFFFF  }
0xc3: {  	(tm) =	ssettm $0x7FFFFFFF  }
tec
execute0_lowered:
.L_overlay_start_1:
0x0: {  	(tag) =	ssettag $0x1  }
0x1: {  	s5 =	rddreg [dreg:$0x0]  }
0x2: {  	s1 =	rddreg [dreg:$0x1]  }
0x3: {  	s0 =	srdreg.scid;
	s2 =	rddreg [dreg:$0x2]  }
0x4: {  	s4 =	simm.s32 $0x0;
	s3 =	stileid.u32;
	s16 =	simm.s32 $0x80  }
0x5: {  	s17 =	simm.s32 $0x2800;
	s18 =	simm.s32 $0x6800;
	s19 =	simm.s32 $0x1  }
0x6: {  	s20 =	simm.s32 $0x4;
	s21 =	simm.s32 $0x2;
	s22 =	simm.s32 $0x1380  }
0x7: {  	s23 =	simm.s32 $0x2700;
	s24 =	simm.s32 $0x2780;
	s9 =	smul.u32 $0x14000, s3  }
0x8: {  	s6 =	sand.u32 $0x1, s0;
	s0 =	rddreg [dreg:$0x3];
	s11 =	smul.u32 $0x50000, s3  }
0x9: {  	[smem:$0x7FF] =	sst s4;
	s10 =	sadd.s32 $0x2A00, s5;
	s13 =	smul.u32 $0x2800, s3  }
0xa: {  	s14 =	sadd.s32 $0xCA00, s5;
	s28 =	sshll.u32 s3, $0x6;
	s7 =	smul.u32 $0x140000, s6  }
0xb: {  	_ =	strace $0x8000004D;
	s25 =	ssub.s32 $0x2, s6;
	s6 =	smul.u32 $0x28000, s6  }
0xc: {  	s12 =	sshrl.u32 s25, $0x1;
	s26 =	sshrl.u32 s11, $0x2;
	s8 =	sshrl.u32 s7, $0x3  }
0xd: {  	s7 =	sadd.s32 s9, s7;
	s12 =	ssub.s32 s25, s12;
	s6 =	sadd.s32 s13, s6  }
0xe: {  	s29 =	sadd.s32 s26, s2;
	s25 =	simm.s32 $0x0;
	s8 =	sadd.s32 s8, s5  }
0xf: {  	s7 =	sshrl.u32 s7, $0x3;
	s30 =	sshrl.u32 s6, $0x3;
	s12 =	smax.u32 s12, $0x1  }
0x10: {  	s13 =	sshrl.u32 s29, $0x3;
	s15 =	sadd.s32 s7, s5;
	s5 =	sor.u32 $0x1C03, s28  }
0x11: {  	s6 =	sadd.s32 s10, s30;
	s7 =	sadd.s32 s14, s30;
	s31 =	sadd.s32 $0x280, s30  }
0x12: {  	s8 =	sadd.s32 $0xB6A00, s8;
	s9 =	sadd.s32 s10, s31;
	s10 =	sadd.s32 s14, s31  }
0x13: {  	s11 =	sadd.s32 $0x106A00, s15;
	s14 =	simm.s32 $0x3;
	s15 =	simm.s32 $0x1400  }
.LBB2_1:
0x14: {  	[spmem:s13], [sflag:s5] =	dma.local [hbm:s1], $0x2800  }
0x15: {  	_ =	swait.ge [sflag:s14], $0x2800  }
0x16: {  	[sflag:s14] =	ssyncset.done $0x0  }
0x17: {  	[sflag:s14] =	ssyncadd.s32 $0xFFFFD800  }
0x18: {  	[bflag:$0x0] =	sbarrier.arrive $0xFFFF  }
0x19: {  	[tilespmem:s4], [sflag:$0x3] =	stream.linear.gather [hbm4b:s6+s4], $0x1400, $0x38;
	[tilespmem:$0x1E800] =	vst v63  }
0x1a: {  	_ =	swait.ge [sflag:s14], $0x1400  }
0x1b: {  	[sflag:s14] =	ssyncset.done $0x0  }
0x1c: {  	[sflag:s14] =	ssyncadd.s32 $0xFFFFEC00  }
0x1d: {  	[tilespmem:s15], [sflag:$0x3] =	stream.linear.gather [hbm4b:s7+s4], $0x1400, $0x38;
	[tilespmem:$0x1E800] =	vst v63  }
0x1e: {  	_ =	swait.ge [sflag:s14], $0x1400  }
0x1f: {  	[sflag:s14] =	ssyncset.done $0x0  }
0x20: {  	[sflag:s14] =	ssyncadd.s32 $0xFFFFEC00  }
0x21: {  	[tilespmem:s17], [sflag:$0x1] =	stream.indirect.gather [hbm4b:s8+s16], $0x80, s4, s16, $0xb8;
	[tilespmem:$0x1E800] =	vst v63  }
0x22: {  	s26 =	simm.s32 $0x80  }
0x23: {  	[tilespmem:s18], [sflag:$0x2] =	stream.indirect.gather [hbm4b:s8+s16], $0x80, s26, s16, $0xb8;
	[tilespmem:$0x1E800] =	vst v63  }
0x24: {  	_ =	swait.ge [sflag:s19], $0x4000  }
0x25: {  	[sflag:s19] =	ssyncset.done $0x0  }
0x26: {  	s29 =	simm.s32 $0x1400;
	[sflag:s19] =	ssyncadd.s32 $0xFFFFC000  }
0x27: {  	[spmem:s2] =	stream.indirect.scatter.add.f32 [tilespmem:s17], [sflag:$0x4], $0x80, s29, s16, $0xb8;
	[tilespmem:$0x1E800] =	vst v63  }
0x28: {  	_ =	swait.ge [sflag:s20], $0x4000  }
0x29: {  	[sflag:s20] =	ssyncset.done $0x0  }
0x2a: {  	s30 =	simm.s32 $0x100;
	[sflag:s20] =	ssyncadd.s32 $0xFFFFC000  }
0x2b: {  	[tilespmem:s17], [sflag:$0x1] =	stream.indirect.gather [hbm4b:s8+s16], $0x80, s30, s16, $0xb8;
	[tilespmem:$0x1E800] =	vst v63  }
0x2c: {  	_ =	swait.ge [sflag:s21], $0x4000  }
0x2d: {  	[sflag:s21] =	ssyncset.done $0x0  }
0x2e: {  	s31 =	simm.s32 $0x1480;
	[sflag:s21] =	ssyncadd.s32 $0xFFFFC000  }
0x2f: {  	[spmem:s2] =	stream.indirect.scatter.add.f32 [tilespmem:s18], [sflag:$0x3], $0x80, s31, s16, $0xb8;
	[tilespmem:$0x1E800] =	vst v63  }
0x30: {  	_ =	swait.ge [sflag:s14], $0x4000  }
0x31: {  	s28 =	simm.s32 $0x800;
	s26 =	simm.s32 $0x100;
	[sflag:s14] =	ssyncset.done $0x0  }
.LBB2_2:
0x32: {  	s29 =	sadd.s32 $0x80, s26  }
0x33: {  	[sflag:s14] =	ssyncadd.s32 $0xFFFFC000;
	s30 =	smov.u32 s28;
	s31 =	sadd.s32 $0x400, s28  }
0x34: {  	[tilespmem:s18], [sflag:$0x2] =	stream.indirect.gather [hbm4b:s8+s16], $0x80, s29, s16, $0xb8;
	[tilespmem:$0x1E800] =	vst v63  }
0x35: {  	p0 =	sne.s32 s28, $0x4800;
	_ =	swait.ge [sflag:s19], $0x4000  }
0x36: {  	[sflag:s19] =	ssyncset.done $0x0  }
0x37: {  	s28 =	sadd.s32 $0x1400, s26;
	[sflag:s19] =	ssyncadd.s32 $0xFFFFC000  }
0x38: {  	[spmem:s2] =	stream.indirect.scatter.add.f32 [tilespmem:s17], [sflag:$0x4], $0x80, s28, s16, $0xb8;
	[tilespmem:$0x1E800] =	vst v63  }
0x39: {  	_ =	swait.ge [sflag:s20], $0x4000  }
0x3a: {  	[sflag:s20] =	ssyncset.done $0x0  }
0x3b: {  	s28 =	sadd.s32 $0x100, s26;
	[sflag:s20] =	ssyncadd.s32 $0xFFFFC000  }
0x3c: {  	[tilespmem:s17], [sflag:$0x1] =	stream.indirect.gather [hbm4b:s8+s16], $0x80, s28, s16, $0xb8;
	[tilespmem:$0x1E800] =	vst v63  }
0x3d: {  	_ =	swait.ge [sflag:s21], $0x4000  }
.Ltmp0:
0x3e: {  	[sflag:s21] =	ssyncset.done $0x0;
	(pc) =	sbr.rel @p0 .LBB2_2-.Ltmp0, $4  }
0x3f: {  	s26 =	sadd.s32 $0x1480, s26;
	[sflag:s21] =	ssyncadd.s32 $0xFFFFC000  }
0x40: {  	[spmem:s2] =	stream.indirect.scatter.add.f32 [tilespmem:s18], [sflag:$0x3], $0x80, s26, s16, $0xb8;
	[tilespmem:$0x1E800] =	vst v63  }
0x41: {  	_ =	swait.ge [sflag:s14], $0x4000  }
0x42: {  	s28 =	smov.u32 s31;
	s26 =	sshra.s32 s30, $0x2;
	[sflag:s14] =	ssyncset.done $0x0  }
0x43: {  	s28 =	sadd.s32 $0x80, s26;
	[sflag:s14] =	ssyncadd.s32 $0xFFFFC000  }
0x44: {  	[tilespmem:s18], [sflag:$0x2] =	stream.indirect.gather [hbm4b:s8+s16], $0x80, s28, s16, $0xb8;
	[tilespmem:$0x1E800] =	vst v63  }
0x45: {  	_ =	swait.ge [sflag:s19], $0x4000  }
0x46: {  	[sflag:s19] =	ssyncset.done $0x0  }
0x47: {  	s28 =	sadd.s32 $0x1400, s26;
	[sflag:s19] =	ssyncadd.s32 $0xFFFFC000  }
0x48: {  	[spmem:s2] =	stream.indirect.scatter.add.f32 [tilespmem:s17], [sflag:$0x4], $0x80, s28, s16, $0xb8;
	[tilespmem:$0x1E800] =	vst v63  }
0x49: {  	_ =	swait.ge [sflag:s20], $0x4000  }
0x4a: {  	[sflag:s20] =	ssyncset.done $0x0  }
0x4b: {  	s28 =	sadd.s32 $0x100, s26;
	[sflag:s20] =	ssyncadd.s32 $0xFFFFC000  }
0x4c: {  	[tilespmem:s17], [sflag:$0x1] =	stream.indirect.gather [hbm4b:s8+s16], $0x80, s28, s16, $0xb8;
	[tilespmem:$0x1E800] =	vst v63  }
0x4d: {  	_ =	swait.ge [sflag:s21], $0x4000  }
0x4e: {  	[sflag:s21] =	ssyncset.done $0x0  }
0x4f: {  	s29 =	sadd.s32 $0x1480, s26;
	[sflag:s21] =	ssyncadd.s32 $0xFFFFC000  }
0x50: {  	[spmem:s2] =	stream.indirect.scatter.add.f32 [tilespmem:s18], [sflag:$0x3], $0x80, s29, s16, $0xb8;
	[tilespmem:$0x1E800] =	vst v63  }
0x51: {  	_ =	swait.ge [sflag:s14], $0x4000  }
0x52: {  	[sflag:s14] =	ssyncset.done $0x0  }
0x53: {  	[sflag:s14] =	ssyncadd.s32 $0xFFFFC000  }
0x54: {  	[tilespmem:s18], [sflag:$0x2] =	stream.indirect.gather [hbm4b:s8+s16], $0x80, s22, s16, $0xb8;
	[tilespmem:$0x1E800] =	vst v63  }
0x55: {  	_ =	swait.ge [sflag:s19], $0x4000  }
0x56: {  	[sflag:s19] =	ssyncset.done $0x0  }
0x57: {  	[sflag:s19] =	ssyncadd.s32 $0xFFFFC000  }
0x58: {  	[spmem:s2] =	stream.indirect.scatter.add.f32 [tilespmem:s17], [sflag:$0x4], $0x80, s23, s16, $0xb8;
	[tilespmem:$0x1E800] =	vst v63  }
0x59: {  	_ =	swait.ge [sflag:s20], $0x4000  }
0x5a: {  	[sflag:s20] =	ssyncset.done $0x0  }
0x5b: {  	[sflag:s20] =	ssyncadd.s32 $0xFFFFC000  }
0x5c: {  	_ =	swait.ge [sflag:s21], $0x4000  }
0x5d: {  	[sflag:s21] =	ssyncset.done $0x0  }
0x5e: {  	[sflag:s21] =	ssyncadd.s32 $0xFFFFC000  }
0x5f: {  	[spmem:s2] =	stream.indirect.scatter.add.f32 [tilespmem:s18], [sflag:$0x3], $0x80, s24, s16, $0xb8;
	[tilespmem:$0x1E800] =	vst v63  }
0x60: {  	_ =	swait.ge [sflag:s14], $0x4000  }
0x61: {  	[sflag:s14] =	ssyncset.done $0x0  }
0x62: {  	s30 =	simm.s32 $0x0;
	[sflag:s14] =	ssyncadd.s32 $0xFFFFC000  }
0x63: {  	[tilespmem:s30], [sflag:$0x3] =	stream.linear.gather [hbm4b:s9+s30], $0x1380, $0x38;
	[tilespmem:$0x1E800] =	vst v63  }
0x64: {  	_ =	swait.ge [sflag:s14], $0x1380  }
0x65: {  	[sflag:s14] =	ssyncset.done $0x0  }
0x66: {  	[sflag:s14] =	ssyncadd.s32 $0xFFFFEC80  }
0x67: {  	[tilespmem:s15], [sflag:$0x3] =	stream.linear.gather [hbm4b:s10+s30], $0x1380, $0x38;
	[tilespmem:$0x1E800] =	vst v63  }
0x68: {  	_ =	swait.ge [sflag:s14], $0x1380  }
0x69: {  	[sflag:s14] =	ssyncset.done $0x0  }
0x6a: {  	[sflag:s14] =	ssyncadd.s32 $0xFFFFEC80  }
0x6b: {  	[tilespmem:s17], [sflag:$0x1] =	stream.indirect.gather [hbm4b:s8+s16], $0x80, s30, s16, $0xb8;
	[tilespmem:$0x1E800] =	vst v63  }
0x6c: {  	s31 =	simm.s32 $0x80  }
0x6d: {  	[tilespmem:s18], [sflag:$0x2] =	stream.indirect.gather [hbm4b:s8+s16], $0x80, s31, s16, $0xb8;
	[tilespmem:$0x1E800] =	vst v63  }
0x6e: {  	_ =	swait.ge [sflag:s19], $0x4000  }
0x6f: {  	[sflag:s19] =	ssyncset.done $0x0  }
0x70: {  	s29 =	simm.s32 $0x1400;
	[sflag:s19] =	ssyncadd.s32 $0xFFFFC000  }
0x71: {  	[spmem:s2] =	stream.indirect.scatter.add.f32 [tilespmem:s17], [sflag:$0x4], $0x80, s29, s16, $0xb8;
	[tilespmem:$0x1E800] =	vst v63  }
0x72: {  	_ =	swait.ge [sflag:s20], $0x4000  }
0x73: {  	[sflag:s20] =	ssyncset.done $0x0  }
0x74: {  	s30 =	simm.s32 $0x100;
	[sflag:s20] =	ssyncadd.s32 $0xFFFFC000  }
0x75: {  	[tilespmem:s17], [sflag:$0x1] =	stream.indirect.gather [hbm4b:s8+s16], $0x80, s30, s16, $0xb8;
	[tilespmem:$0x1E800] =	vst v63  }
0x76: {  	_ =	swait.ge [sflag:s21], $0x4000  }
0x77: {  	[sflag:s21] =	ssyncset.done $0x0  }
0x78: {  	s31 =	simm.s32 $0x1480;
	[sflag:s21] =	ssyncadd.s32 $0xFFFFC000  }
0x79: {  	[spmem:s2] =	stream.indirect.scatter.add.f32 [tilespmem:s18], [sflag:$0x3], $0x80, s31, s16, $0xb8;
	[tilespmem:$0x1E800] =	vst v63  }
0x7a: {  	_ =	swait.ge [sflag:s14], $0x4000  }
0x7b: {  	s26 =	simm.s32 $0x100;
	s28 =	simm.s32 $0x800;
	[sflag:s14] =	ssyncset.done $0x0  }
.LBB2_4:
0x7c: {  	s29 =	sadd.s32 $0x80, s26  }
0x7d: {  	[sflag:s14] =	ssyncadd.s32 $0xFFFFC000;
	s30 =	smov.u32 s28;
	s31 =	sadd.s32 $0x400, s28  }
0x7e: {  	[tilespmem:s18], [sflag:$0x2] =	stream.indirect.gather [hbm4b:s8+s16], $0x80, s29, s16, $0xb8;
	[tilespmem:$0x1E800] =	vst v63  }
0x7f: {  	p0 =	sne.s32 s28, $0x4800;
	_ =	swait.ge [sflag:s19], $0x4000  }
0x80: {  	[sflag:s19] =	ssyncset.done $0x0  }
0x81: {  	s28 =	sadd.s32 $0x1400, s26;
	[sflag:s19] =	ssyncadd.s32 $0xFFFFC000  }
0x82: {  	[spmem:s2] =	stream.indirect.scatter.add.f32 [tilespmem:s17], [sflag:$0x4], $0x80, s28, s16, $0xb8;
	[tilespmem:$0x1E800] =	vst v63  }
0x83: {  	_ =	swait.ge [sflag:s20], $0x4000  }
0x84: {  	[sflag:s20] =	ssyncset.done $0x0  }
0x85: {  	s28 =	sadd.s32 $0x100, s26;
	[sflag:s20] =	ssyncadd.s32 $0xFFFFC000  }
0x86: {  	[tilespmem:s17], [sflag:$0x1] =	stream.indirect.gather [hbm4b:s8+s16], $0x80, s28, s16, $0xb8;
	[tilespmem:$0x1E800] =	vst v63  }
0x87: {  	_ =	swait.ge [sflag:s21], $0x4000  }
.Ltmp1:
0x88: {  	[sflag:s21] =	ssyncset.done $0x0;
	(pc) =	sbr.rel @p0 .LBB2_4-.Ltmp1, $4  }
0x89: {  	s26 =	sadd.s32 $0x1480, s26;
	[sflag:s21] =	ssyncadd.s32 $0xFFFFC000  }
0x8a: {  	[spmem:s2] =	stream.indirect.scatter.add.f32 [tilespmem:s18], [sflag:$0x3], $0x80, s26, s16, $0xb8;
	[tilespmem:$0x1E800] =	vst v63  }
0x8b: {  	_ =	swait.ge [sflag:s14], $0x4000  }
0x8c: {  	s28 =	smov.u32 s31;
	s26 =	sshra.s32 s30, $0x2;
	[sflag:s14] =	ssyncset.done $0x0  }
0x8d: {  	s28 =	sadd.s32 $0x80, s26;
	[sflag:s14] =	ssyncadd.s32 $0xFFFFC000  }
0x8e: {  	[tilespmem:s18], [sflag:$0x2] =	stream.indirect.gather [hbm4b:s8+s16], $0x80, s28, s16, $0xb8;
	[tilespmem:$0x1E800] =	vst v63  }
0x8f: {  	_ =	swait.ge [sflag:s19], $0x4000  }
0x90: {  	[sflag:s19] =	ssyncset.done $0x0  }
0x91: {  	s29 =	sadd.s32 $0x1400, s26;
	[sflag:s19] =	ssyncadd.s32 $0xFFFFC000  }
0x92: {  	[spmem:s2] =	stream.indirect.scatter.add.f32 [tilespmem:s17], [sflag:$0x4], $0x80, s29, s16, $0xb8;
	[tilespmem:$0x1E800] =	vst v63  }
0x93: {  	_ =	swait.ge [sflag:s20], $0x4000  }
0x94: {  	[sflag:s20] =	ssyncset.done $0x0  }
0x95: {  	s30 =	sadd.s32 $0x100, s26;
	[sflag:s20] =	ssyncadd.s32 $0xFFFFC000  }
0x96: {  	[tilespmem:s17], [sflag:$0x1] =	stream.indirect.gather [hbm4b:s8+s16], $0x80, s30, s16, $0xb8;
	[tilespmem:$0x1E800] =	vst v63  }
0x97: {  	_ =	swait.ge [sflag:s21], $0x4000  }
0x98: {  	[sflag:s21] =	ssyncset.done $0x0  }
0x99: {  	s31 =	sadd.s32 $0x1480, s26;
	[sflag:s21] =	ssyncadd.s32 $0xFFFFC000  }
0x9a: {  	[spmem:s2] =	stream.indirect.scatter.add.f32 [tilespmem:s18], [sflag:$0x3], $0x80, s31, s16, $0xb8;
	[tilespmem:$0x1E800] =	vst v63  }
0x9b: {  	_ =	swait.ge [sflag:s14], $0x4000  }
0x9c: {  	[sflag:s14] =	ssyncset.done $0x0  }
0x9d: {  	[sflag:s14] =	ssyncadd.s32 $0xFFFFC000  }
0x9e: {  	_ =	swait.ge [sflag:s19], $0x4000  }
0x9f: {  	[sflag:s19] =	ssyncset.done $0x0  }
0xa0: {  	[sflag:s19] =	ssyncadd.s32 $0xFFFFC000  }
0xa1: {  	[spmem:s2] =	stream.indirect.scatter.add.f32 [tilespmem:s17], [sflag:$0x4], $0x80, s23, s16, $0xb8;
	[tilespmem:$0x1E800] =	vst v63  }
0xa2: {  	_ =	swait.ge [sflag:s20], $0x4000  }
0xa3: {  	s25 =	sadd.s32 $0x1, s25;
	[sflag:s20] =	ssyncset.done $0x0  }
0xa4: {  	p0 =	sne.s32 s25, s12;
	[sflag:s20] =	ssyncadd.s32 $0xFFFFC000  }
.Ltmp2:
0xa5: {  	[bflag:$0x0] =	sbarrier.arrive $0xFFFF;
	(pc) =	sbr.rel @p0 .LBB2_1-.Ltmp2, $4  }
0xa6: {  	[hbm:s11], [sflag:s5] =	dma.local [spmem:s13], $0x2800  }
0xa7: {  	_ =	swait.ge [sflag:s14], $0x2800  }
0xa8: {  	[sflag:s14] =	ssyncset.done $0x0  }
0xa9: {  	[sflag:s14] =	ssyncadd.s32 $0xFFFFD800  }
0xaa: {  	_ =	sfence.sel $0x180000  }
0xab: {  	[bflag:$0x0] =	sbarrier.arrive $0xFFFF  }
0xac: {  	p0 =	sne.s32 s3, $0x0;
	_ =	strace $0x9000004D  }
0xad: {  	s0 =	sadd.s32 @!p0 $0x100000, s0;
	[bflag:$0x2] =	sbarrier.arrive $0xFFFF  }
0xae: {  	[sflag:s0] =	ssyncadd.tile.s32 @!p0 $0x1;
	_ =	shalt  }
.Lfunc_end2:
_tile_overlayer_lowered:
.L_overlay_start_2:
0xaf: {  	(tag) =	ssettag $0x2  }
0xb0: {  	s0 =	rddreg [dreg:$0x0];
	s2 =	stileid.u32  }
0xb1: {  	s1 =	rddreg [dreg:$0x1];
	p0 =	sne.s32 s2, $0x0  }
0xb2: {  	s3 =	rddreg [dreg:$0x2];
	[bflag:$0x3] =	sbarrier.arrive $0xFFFF;
	s2 =	simm.s32 @!p0 $0x1C03  }
0xb3: {  	[timem:s3], [sflag:s2] =	dma.local @!p0 [hbm:s0], s1  }
0xb4: {  	s0 =	simm.s32 @!p0 $0x3  }
0xb5: {  	_ =	swait.ge @!p0 [sflag:s0], s1  }
0xb6: {  	s1 =	ssub.s32 @!p0 $0x0, s1;
	[sflag:s0] =	ssyncset.done @!p0 $0x0  }
0xb7: {  	[sflag:s0] =	ssyncadd.s32 @!p0 s1  }
0xb8: {  	[bflag:$0x3] =	sbarrier.arrive $0xFFFF  }
0xb9: {  	_ =	shalt  }

// kernel: kernel.18.cloned.1.call-start
scs
__scs_entry_jumppad:
0x0: {  	(pc) =	sbr.rel $0x88, $3  }
0x1: {  	(tag) =	ssettag $0x0;
	lr =	simm.s32 $0x1  }
0x2: {  	[smem:$0x3F93] =	sst lr;
	_ =	strace $0xD0000000  }
0x3: {  	_ = 	snop  }
0x4: {  	_ = 	snop  }
0x5: {  	_ = 	snop  }
0x6: {  	_ = 	snop  }
0x7: {  	_ = 	snop  }
__scs_overlays_trampoline_lowered:
0x8: {  	[smem:$0x3FA2] =	sst s0  }
0x9: {  	[smem:$0x3FA3] =	sst s1  }
0xa: {  	[smem:$0x3FA4] =	sst s2  }
0xb: {  	[smem:$0x3FA5] =	sst s3  }
0xc: {  	[smem:$0x3FA6] =	sst s4  }
0xd: {  	[smem:$0x3FA7] =	sst s5  }
0xe: {  	[smem:$0x3FA8] =	sst s6  }
0xf: {  	[smem:$0x3FA9] =	sst s7  }
0x10: {  	[smem:$0x3FAA] =	sst s8  }
0x11: {  	[smem:$0x3FAB] =	sst s9;
	s0 =	simm.s32 @!p0 $0x0  }
0x12: {  	s1 =	sld [smem:$0x3F91];
	s0 =	simm.s32 @p0 $0x1  }
0x13: {  	[smem:$0x3FAC] =	sst s0;
	s0 =	simm.s32 @!p1 $0x0  }
0x14: {  	s2 =	sld [smem:$0x3F90];
	s0 =	simm.s32 @p1 $0x1  }
0x15: {  	[smem:$0x3FAD] =	sst s0;
	s0 =	simm.s32 @!p2 $0x0  }
0x16: {  	s3 =	sld [smem:$0x3FDB];
	s0 =	simm.s32 @p2 $0x1  }
0x17: {  	s4 =	simm.s32 $0x1BF5;
	[smem:$0x3FAF] =	sst s0  }
0x18: {  	s0 =	sld [smem:$0x3F92];
	_ =	swait.ge [sflag:s4], $0x0  }
0x19: {  	s7 =	sld [smem:$0x3F93]  }
0x1a: {  	s8 =	sadd.s32 $0xFFFFE003, lr  }
0x1b: {  	s9 =	sadd.s32 $0xFFFFFEF7, lr;
	s5 =	simm.s32 $0xFFFFFFFF;
	p2 =	slt.u32 s8, $0xFFFFF086  }
0x1c: {  	p1 =	slt.u32 s9, $0xF7A;
	s5 =	simm.s32 @!p2 $0x0  }
0x1d: {  	s5 =	simm.s32 @p1 $0x1;
	p0 =	seq.s32 s7, s2  }
0x1e: {  	s7 =	smul.u32 @!p0 $0xF7A, s2;
	p2 =	seq.s32 @!p0 s5, $0x0  }
0x1f: {  	s9 =	smul.u32 $0xF7A, s1;
	s8 =	simm.s32 @!p0 $0x1BF5;
	p2 =	por !p2, p0  }
0x20: {  	[sflag:s8] =	ssyncset.s32 @!p0 $0xFFFFF086;
	s6 =	sadd.s32 @!p0 s3, s7;
	s7 =	simm.s32 @!p0 $0x108  }
0x21: {  	s3 =	sadd.s32 s3, s9;
	s6 =	sadd.s32 @!p0 $0x88, s6;
	s7 =	simm.s32 @p2 $0x1082  }
0x22: {  	[simem:s7], [sflag:s8] =	dma.local @!p0 [hbm:s6], $0xF7A  }
0x23: {  	s9 =	sor.u32 $0xD0000000, s2;
	s6 =	simm.s32 $0x108;
	_ =	swait.ge @!p0 [sflag:s8], $0x0  }
0x24: {  	s3 =	sadd.s32 $0x88, s3;
	s6 =	simm.s32 @!p1 $0x1082;
	[sflag:s4] =	ssyncset.s32 $0xFFFFF086  }
0x25: {  	[simem:s6], [sflag:s4] =	dma.local [hbm:s3], $0xF7A  }
0x26: {  	[smem:$0x3F93] =	sst s1;
	(tag) =	ssettag s2;
	_ =	strace s9  }
0x27: {  	s1 =	sld [smem:$0x3FA3]  }
0x28: {  	s2 =	sld [smem:$0x3FA4]  }
0x29: {  	s4 =	sld [smem:$0x3FA6]  }
0x2a: {  	p0 =	seq.s32 s5, $0x0;
	s5 =	sld [smem:$0x3FA7]  }
0x2b: {  	s6 =	sld [smem:$0x3FA8]  }
0x2c: {  	s7 =	sld [smem:$0x3FA9]  }
0x2d: {  	s3 =	simm.s32 $0x108;
	s8 =	sld [smem:$0x3FAA]  }
0x2e: {  	s3 =	simm.s32 @!p0 $0x1082;
	s9 =	sld [smem:$0x3FAB]  }
0x2f: {  	lr =	sadd.s32 s0, s3;
	s0 =	sld [smem:$0x3FA2]  }
0x30: {  	s3 =	sld [smem:$0x3FA5]  }
0x31: {  	[smem:$0x3FAE] =	sst s10  }
0x32: {  	s10 =	sld [smem:$0x3FAC];
	_ =	sdelay $0x3  }
0x33: {  	p0 =	seq.s32 s10, $0x1;
	s10 =	sld [smem:$0x3FAE];
	_ =	sdelay $0x3  }
0x34: {  	[smem:$0x3FAE] =	sst s10  }
0x35: {  	s10 =	sld [smem:$0x3FAD];
	_ =	sdelay $0x3  }
0x36: {  	p1 =	seq.s32 s10, $0x1;
	s10 =	sld [smem:$0x3FAE];
	_ =	sdelay $0x3  }
0x37: {  	[smem:$0x3FAE] =	sst s10  }
0x38: {  	s10 =	sld [smem:$0x3FAF]  }
0x39: {  	_ = 	snop;
	(pc) =	sbr.ind lr, $3  }
0x3a: {  	_ = 	snop  }
0x3b: {  	_ = 	snop  }
0x3c: {  	p2 =	seq.s32 s10, $0x1;
	s10 =	sld [smem:$0x3FAE]  }
0x3d: {  	_ =	shalt  }
0x3e: {  	_ =	shalt  }
0x3f: {  	_ =	shalt  }
0x40: {  	_ =	shalt  }
0x41: {  	_ =	shalt  }
0x42: {  	_ =	shalt  }
0x43: {  	_ =	shalt  }
0x44: {  	_ =	shalt  }
0x45: {  	_ =	shalt  }
0x46: {  	_ =	shalt  }
0x47: {  	_ =	shalt  }
0x48: {  	_ =	shalt  }
0x49: {  	_ =	shalt  }
0x4a: {  	_ =	shalt  }
0x4b: {  	_ =	shalt  }
0x4c: {  	_ =	shalt  }
0x4d: {  	_ =	shalt  }
0x4e: {  	_ =	shalt  }
0x4f: {  	_ =	shalt  }
0x50: {  	_ =	shalt  }
0x51: {  	_ =	shalt  }
0x52: {  	_ =	shalt  }
0x53: {  	_ =	shalt  }
0x54: {  	_ =	shalt  }
0x55: {  	_ =	shalt  }
0x56: {  	_ =	shalt  }
0x57: {  	_ =	shalt  }
0x58: {  	_ =	shalt  }
0x59: {  	_ =	shalt  }
0x5a: {  	_ =	shalt  }
0x5b: {  	_ =	shalt  }
0x5c: {  	_ =	shalt  }
0x5d: {  	_ =	shalt  }
0x5e: {  	_ =	shalt  }
0x5f: {  	_ =	shalt  }
0x60: {  	_ =	shalt  }
0x61: {  	_ =	shalt  }
0x62: {  	_ =	shalt  }
0x63: {  	_ =	shalt  }
0x64: {  	_ =	shalt  }
0x65: {  	_ =	shalt  }
0x66: {  	_ =	shalt  }
0x67: {  	_ =	shalt  }
0x68: {  	_ =	shalt  }
0x69: {  	_ =	shalt  }
0x6a: {  	_ =	shalt  }
0x6b: {  	_ =	shalt  }
0x6c: {  	_ =	shalt  }
0x6d: {  	_ =	shalt  }
0x6e: {  	_ =	shalt  }
0x6f: {  	_ =	shalt  }
0x70: {  	_ =	shalt  }
0x71: {  	_ =	shalt  }
0x72: {  	_ =	shalt  }
0x73: {  	_ =	shalt  }
0x74: {  	_ =	shalt  }
0x75: {  	_ =	shalt  }
0x76: {  	_ =	shalt  }
0x77: {  	_ =	shalt  }
0x78: {  	_ =	shalt  }
0x79: {  	_ =	shalt  }
0x7a: {  	_ =	shalt  }
0x7b: {  	_ =	shalt  }
0x7c: {  	_ =	shalt  }
0x7d: {  	_ =	shalt  }
0x7e: {  	_ =	shalt  }
0x7f: {  	_ =	shalt  }
0x80: {  	_ =	shalt  }
0x81: {  	_ =	shalt  }
0x82: {  	_ =	shalt  }
0x83: {  	_ =	shalt  }
0x84: {  	_ =	shalt  }
0x85: {  	_ =	shalt  }
0x86: {  	_ =	shalt  }
0x87: {  	_ =	shalt  }
.Lfunc_end0:
.L_simem_size_0:
called_computation.3_lowered:
.L_overlay_start_0:
0x88: {  	s2 =	sld [smem:$0x3FD9]  }
0x89: {  	s3 =	sld [smem:$0x3FFE];
	_ =	sdelay $0x1  }
0x8a: {  	s1 =	srdreg.scid  }
0x8b: {  	s0 =	sand.u32 $0x1, s1  }
0x8c: {  	s17 =	sshll.u32 s0, $0xA;
	s2 =	sadd.s32 s3, s2  }
0x8d: {  	s2 =	sadd.s32 s2, s17  }
0x8e: {  	[smem:$0x3FBA] =	sst s2  }
0x8f: {  	_ = 	snop  }
0x90: {  	s2 =	sld [smem:$0x3FD0];
	(tm) =	ssettm $0x1  }
0x91: {  	s18 =	sld [smem:$0x3FFB];
	_ =	sdelay $0x3  }
0x92: {  	_ =	strace s18  }
0x93: {  	s3 =	sld [smem:$0x3FFC];
	_ =	sdelay $0x3  }
0x94: {  	_ =	strace s3  }
0x95: {  	s3 =	sld [smem:$0x3FFD];
	_ =	sdelay $0x3  }
0x96: {  	_ =	strace s3  }
0x97: {  	_ =	strace $0x8FFFFFFF  }
0x98: {  	s19 =	sld [smem:$0x3FDB];
	_ =	sdelay $0x1  }
0x99: {  	s4 =	simm.s32 $_scs_section_size  }
0x9a: {  	s5 =	simm.s32 $_size__tile_overlayer_lowered;
	s6 =	simm.s32 $_tile_overlayer_lowered  }
0x9b: {  	s22 =	simm.s32 $0x1BFF;
	s21 =	sshll.u32 s6, $0x1;
	s3 =	sadd.s32 s4, s19  }
0x9c: {  	s7 =	simm.s32 $0x0;
	s20 =	sshll.u32 s5, $0x1;
	s5 =	sadd.s32 s21, s3  }
0x9d: {  	[timem:s7], [sflag:s22] =	dma.local [hbm:s5], s20  }
0x9e: {  	_ =	swait.ge [sflag:s22], s20  }
0x9f: {  	s4 =	ssub.s32 $0x0, s20;
	[sflag:s22] =	ssyncset.done $0x0  }
0xa0: {  	[sflag:s22] =	ssyncadd.s32 s4;
	_ =	sdelay $0x1  }
0xa1: {  	s23 =	simm.s32 $0x1B8B  }
0xa2: {  	_ =	swait.ge [sflag:s23], $0x1  }
0xa3: {  	[sflag:s23] =	ssyncset.done $0x0  }
0xa4: {  	s25 =	simm.s32 $0x1B8E;
	s24 =	sld [smem:$0x3FFE];
	[sflag:s23] =	ssyncadd.s32 $0xFFFFFFFF  }
0xa5: {  	s26 =	simm.s32 $execute0_lowered;
	[smem:$0x3FD2] =	sst s25  }
0xa6: {  	s5 =	sshll.u32 s26, $0x1;
	_ =	strace $0x8000004F;
	[dreg:$0x1] =	wrdreg $0xFFFFFFFF  }
0xa7: {  	s28 =	simm.s32 $_size_execute0_lowered;
	s3 =	sadd.s32 s3, s5;
	[dreg:$0x0] =	wrdreg $0x0  }
0xa8: {  	s5 =	sshll.u32 s28, $0x1;
	[dreg:$0x2] =	wrdreg s3  }
0xa9: {  	[dreg:$0x3] =	wrdreg s5  }
0xaa: {  	[dreg:$0x4] =	wrdreg $0xC0  }
0xab: {  	_ =	task [dreg:s7], $0x5FFFF  }
0xac: {  	[dreg:$0x1] =	wrdreg $0xFFFFFFFF  }
0xad: {  	[dreg:$0x0] =	wrdreg $0x60  }
0xae: {  	[dreg:$0x2] =	wrdreg s24  }
0xaf: {  	[dreg:$0x3] =	wrdreg s2  }
0xb0: {  	[dreg:$0x4] =	wrdreg $0x9  }
0xb1: {  	_ =	task.clear_ibuf [dreg:s7], $0x5FFFF;
	_ =	strace $0x9000004F  }
0xb2: {  	s29 =	simm.s32 $0x9;
	_ =	strace $0x80000051  }
0xb3: {  	_ =	swait.ge [sflag:s29], $0x1  }
0xb4: {  	[sflag:s29] =	ssyncadd.s32 $0xFFFFFFFF  }
0xb5: {  	_ =	strace $0x90000051  }
0xb6: {  	_ =	sfence  }
0xb7: {  	s30 =	sld [smem:$0x0];
	_ =	sdelay $0x2  }
0xb8: {  	s31 =	sshll.u32 s1, $0xD;
	s1 =	sshrl.u32 s1, $0x2  }
0xb9: {  	s3 =	sand.u32 $0x4000, s31;
	s1 =	sadd.s32 s1, s30  }
0xba: {  	s0 =	sor.u32 s3, s0;
	s1 =	sshll.u32 s1, $0x11  }
0xbb: {  	s0 =	sor.u32 s1, s0  }
0xbc: {  	s0 =	sadd.s32 $0x8F2B, s0  }
0xbd: {  	[sflag:s0] =	ssyncadd.remote.s32 $0x1  }
0xbe: {  	_ =	sfence.sel $0xFFFF  }
0xbf: {  	[dreg:$0x0] =	wrdreg $0xFFFFFFFF;
	(pc) =	sbr.abs _section_cstart, $3  }
0xc0: {  	[dreg:$0x1] =	wrdreg $0xFFFFFFFF  }
0xc1: {  	_ =	task.clear_ibuf [dreg:s7], $0x2FFFF;
	_ =	strace $0x9FFFFFFF  }
0xc2: {  	(tm) =	ssettm $0x7FFFFFFF  }
0xc3: {  	_ =	shalt  }
tec
execute0_lowered:
.L_overlay_start_1:
0x0: {  	(tag) =	ssettag $0x1  }
0x1: {  	s1 =	srdreg.scid;
	s4 =	rddreg [dreg:$0x0]  }
0x2: {  	s0 =	stileid.u32;
	s6 =	rddreg [dreg:$0x1]  }
0x3: {  	s2 =	simm.s32 $0x0;
	s3 =	sand.u32 $0x1, s1;
	s30 =	sshll.u32 s0, $0x1  }
0x4: {  	s11 =	simm.s32 $0x17480;
	s12 =	simm.s32 $0x0;
	s5 =	sor.u32 s3, s30  }
0x5: {  	s1 =	rddreg [dreg:$0x2];
	s31 =	ssub.s32 $0x2, s3;
	s7 =	smul.u32 $0xC80, s5  }
0x6: {  	[smem:$0x7FF] =	sst s2;
	s8 =	smul.u32 $0x190, s5;
	s9 =	sshrl.u32 s31, $0x1  }
0x7: {  	_ =	strace $0x80000050;
	s3 =	sadd.s32 $0x2A00, s4;
	s9 =	ssub.s32 s31, s9  }
0x8: {  	s7 =	sadd.s32 s7, s4;
	s10 =	sadd.s32 s8, s4;
	s6 =	sadd.s32 s6, s8  }
0x9: {  	s8 =	smax.u32 s9, $0x1;
	s9 =	simm.s32 $0x1;
	s4 =	sadd.s32 $0x156A00, s7  }
0xa: {  	s5 =	sadd.s32 $0x16FA00, s7;
	s7 =	sadd.s32 $0x3E00, s10;
	s10 =	simm.s32 $0x16800  }
.LBB2_1:
0xb: {  	[tilespmem:s2], [sflag:$0x1] =	stream.linear.gather [hbm4b:s3+s2], $0xA000, $0x38;
	[tilespmem:$0x18100] =	vst v63  }
0xc: {  	_ =	swait.ge [sflag:s9], $0xA000  }
0xd: {  	[sflag:s9] =	ssyncset.done $0x0  }
0xe: {  	s13 =	simm.s32 $0xA000;
	[sflag:s9] =	ssyncadd.s32 $0xFFFF6000  }
0xf: {  	[tilespmem:s13], [sflag:$0x1] =	stream.linear.gather [hbm4b:s4+s2], $0x6400, $0x38;
	[tilespmem:$0x18100] =	vst v63  }
0x10: {  	_ =	swait.ge [sflag:s9], $0x6400  }
0x11: {  	[sflag:s9] =	ssyncset.done $0x0  }
0x12: {  	s14 =	simm.s32 $0x10400;
	[sflag:s9] =	ssyncadd.s32 $0xFFFF9C00  }
0x13: {  	[tilespmem:s14], [sflag:$0x1] =	stream.linear.gather [hbm4b:s5+s2], $0x6400, $0x38;
	[tilespmem:$0x18100] =	vst v63  }
0x14: {  	_ =	swait.ge [sflag:s9], $0x6400  }
0x15: {  	[sflag:s9] =	ssyncset.done $0x0  }
0x16: {  	[sflag:s9] =	ssyncadd.s32 $0xFFFF9C00  }
0x17: {  	v0 =	vld [tilespmem:s13+$0x0]  }
0x18: {  	v1 =	vld [tilespmem:s14+$0x0];
	_ =	sdelay $0x3  }
0x19: {  	v0 =	vshll.u32 v0, $0x2  }
0x1a: {  	v1 =	vshll.u32 v1, $0x2;
	v2 =	vor.u32 $0x1, v0  }
0x1b: {  	v3 =	vor.u32 $0x2, v1  }
0x1c: {  	v1 =	vor.u32 $0x3, v1;
	_ =	sdelay $0x1  }
0x1d: {  	v0 =	vld.idx.msk [tilespmem:v0+s2+$0x0], $0xffff  }
0x1e: {  	v2 =	vld.idx.msk [tilespmem:v2+s2+$0x0], $0xffff  }
0x1f: {  	v3 =	vld.idx.msk [tilespmem:v3+s2+$0x0], $0xffff  }
0x20: {  	v1 =	vld.idx.msk [tilespmem:v1+s2+$0x0], $0xffff;
	_ =	sdelay $0x3  }
0x21: {  	v0 =	vadd.f32 v3, v0  }
0x22: {  	s15 =	simm.s32 $0x40;
	s16 =	simm.s32 $0x0;
	v1 =	vadd.f32 v1, v2  }
.LBB2_2:
0x23: {  	p0 =	sne.s32 s15, $0x31C0;
	[tilespmem:s16+$0x16800] =	vst v0;
	s13 =	sadd.s32 $0x80, s13;
	s14 =	sadd.s32 $0x80, s14  }
0x24: {  	[tilespmem:s16+$0x17480] =	vst v1;
	s16 =	smov.u32 s15;
	s15 =	sadd.s32 $0x40, s15  }
0x25: {  	v0 =	vld [tilespmem:s13+$0x0]  }
0x26: {  	v1 =	vld [tilespmem:s14+$0x0];
	_ =	sdelay $0x3  }
0x27: {  	v0 =	vshll.u32 v0, $0x2  }
0x28: {  	v1 =	vshll.u32 v1, $0x2;
	v2 =	vor.u32 $0x1, v0  }
0x29: {  	v3 =	vor.u32 $0x2, v1;
	v1 =	vor.u32 $0x3, v1;
	_ =	sdelay $0x2  }
0x2a: {  	v0 =	vld.idx.msk [tilespmem:v0+s2+$0x0], $0xffff  }
0x2b: {  	v2 =	vld.idx.msk [tilespmem:v2+s2+$0x0], $0xffff  }
0x2c: {  	v3 =	vld.idx.msk [tilespmem:v3+s2+$0x0], $0xffff  }
0x2d: {  	v1 =	vld.idx.msk [tilespmem:v1+s2+$0x0], $0xffff;
	_ =	sdelay $0x1  }
.Ltmp0:
0x2e: {  	(pc) =	sbr.rel @p0 .LBB2_2-.Ltmp0, $3  }
0x2f: {  	_ =	sdelay $0x1  }
0x30: {  	v0 =	vadd.f32 v3, v0  }
0x31: {  	s16 =	sshra.s32 s16, $0x2;
	v1 =	vadd.f32 v1, v2  }
0x32: {  	[tilespmem:s16+$0x16800] =	vst v0  }
0x33: {  	[tilespmem:s16+$0x17480] =	vst v1  }
0x34: {  	[hbm4b:s6+s2] =	stream.linear.scatter [tilespmem:s10], [sflag:$0x1], $0xC80, $0x38;
	[tilespmem:$0x18100] =	vst v63  }
0x35: {  	s12 =	sadd.s32 $0x1, s12;
	_ =	swait.ge [sflag:s9], $0xC80  }
0x36: {  	p0 =	sne.s32 s12, s8;
	[sflag:s9] =	ssyncset.done $0x0  }
.Ltmp1:
0x37: {  	[sflag:s9] =	ssyncadd.s32 $0xFFFFF380;
	(pc) =	sbr.rel @p0 .LBB2_1-.Ltmp1, $4  }
0x38: {  	[hbm4b:s7+s2] =	stream.linear.scatter [tilespmem:s11], [sflag:$0x1], $0xC80, $0x38;
	[tilespmem:$0x18100] =	vst v63  }
0x39: {  	_ =	swait.ge [sflag:s9], $0xC80  }
0x3a: {  	[sflag:s9] =	ssyncset.done $0x0  }
0x3b: {  	[sflag:s9] =	ssyncadd.s32 $0xFFFFF380  }
0x3c: {  	_ =	sfence.sel $0x180000  }
0x3d: {  	[bflag:$0x0] =	sbarrier.arrive $0xFFFF  }
0x3e: {  	p0 =	sne.s32 s0, $0x0;
	_ =	strace $0x90000050  }
0x3f: {  	s0 =	sadd.s32 @!p0 $0x100000, s1;
	[bflag:$0x2] =	sbarrier.arrive $0xFFFF  }
0x40: {  	[sflag:s0] =	ssyncadd.tile.s32 @!p0 $0x1;
	_ =	shalt  }
.Lfunc_end2:
_tile_overlayer_lowered:
.L_overlay_start_2:
0x41: {  	(tag) =	ssettag $0x2  }
0x42: {  	s0 =	rddreg [dreg:$0x0];
	s2 =	stileid.u32  }
0x43: {  	s1 =	rddreg [dreg:$0x1];
	p0 =	sne.s32 s2, $0x0  }
0x44: {  	s3 =	rddreg [dreg:$0x2];
	[bflag:$0x3] =	sbarrier.arrive $0xFFFF;
	s2 =	simm.s32 @!p0 $0x1C01  }
0x45: {  	[timem:s3], [sflag:s2] =	dma.local @!p0 [hbm:s0], s1  }
0x46: {  	s0 =	simm.s32 @!p0 $0x1  }
0x47: {  	_ =	swait.ge @!p0 [sflag:s0], s1  }
0x48: {  	s1 =	ssub.s32 @!p0 $0x0, s1;
	[sflag:s0] =	ssyncset.done @!p0 $0x0  }
0x49: {  	[sflag:s0] =	ssyncadd.s32 @!p0 s1  }
0x4a: {  	[bflag:$0x3] =	sbarrier.arrive $0xFFFF  }
0x4b: {  	_ =	shalt  }

// kernel: kernel.9.cloned.1.call-start
scs
__scs_entry_jumppad:
0x0: {  	(pc) =	sbr.rel $0x88, $3  }
0x1: {  	(tag) =	ssettag $0x0;
	lr =	simm.s32 $0x1  }
0x2: {  	[smem:$0x3F93] =	sst lr;
	_ =	strace $0xD0000000  }
0x3: {  	_ = 	snop  }
0x4: {  	_ = 	snop  }
0x5: {  	_ = 	snop  }
0x6: {  	_ = 	snop  }
0x7: {  	_ = 	snop  }
__scs_overlays_trampoline_lowered:
0x8: {  	[smem:$0x3FA2] =	sst s0  }
0x9: {  	[smem:$0x3FA3] =	sst s1  }
0xa: {  	[smem:$0x3FA4] =	sst s2  }
0xb: {  	[smem:$0x3FA5] =	sst s3  }
0xc: {  	[smem:$0x3FA6] =	sst s4  }
0xd: {  	[smem:$0x3FA7] =	sst s5  }
0xe: {  	[smem:$0x3FA8] =	sst s6  }
0xf: {  	[smem:$0x3FA9] =	sst s7  }
0x10: {  	[smem:$0x3FAA] =	sst s8  }
0x11: {  	[smem:$0x3FAB] =	sst s9;
	s0 =	simm.s32 @!p0 $0x0  }
0x12: {  	s1 =	sld [smem:$0x3F91];
	s0 =	simm.s32 @p0 $0x1  }
0x13: {  	[smem:$0x3FAC] =	sst s0;
	s0 =	simm.s32 @!p1 $0x0  }
0x14: {  	s2 =	sld [smem:$0x3F90];
	s0 =	simm.s32 @p1 $0x1  }
0x15: {  	[smem:$0x3FAD] =	sst s0;
	s0 =	simm.s32 @!p2 $0x0  }
0x16: {  	s3 =	sld [smem:$0x3FDB];
	s0 =	simm.s32 @p2 $0x1  }
0x17: {  	s4 =	simm.s32 $0x1BF5;
	[smem:$0x3FAF] =	sst s0  }
0x18: {  	s0 =	sld [smem:$0x3F92];
	_ =	swait.ge [sflag:s4], $0x0  }
0x19: {  	s7 =	sld [smem:$0x3F93]  }
0x1a: {  	s8 =	sadd.s32 $0xFFFFE003, lr  }
0x1b: {  	s9 =	sadd.s32 $0xFFFFFEF7, lr;
	s5 =	simm.s32 $0xFFFFFFFF;
	p2 =	slt.u32 s8, $0xFFFFF086  }
0x1c: {  	p1 =	slt.u32 s9, $0xF7A;
	s5 =	simm.s32 @!p2 $0x0  }
0x1d: {  	s5 =	simm.s32 @p1 $0x1;
	p0 =	seq.s32 s7, s2  }
0x1e: {  	s7 =	smul.u32 @!p0 $0xF7A, s2;
	p2 =	seq.s32 @!p0 s5, $0x0  }
0x1f: {  	s9 =	smul.u32 $0xF7A, s1;
	s8 =	simm.s32 @!p0 $0x1BF5;
	p2 =	por !p2, p0  }
0x20: {  	[sflag:s8] =	ssyncset.s32 @!p0 $0xFFFFF086;
	s6 =	sadd.s32 @!p0 s3, s7;
	s7 =	simm.s32 @!p0 $0x108  }
0x21: {  	s3 =	sadd.s32 s3, s9;
	s6 =	sadd.s32 @!p0 $0x88, s6;
	s7 =	simm.s32 @p2 $0x1082  }
0x22: {  	[simem:s7], [sflag:s8] =	dma.local @!p0 [hbm:s6], $0xF7A  }
0x23: {  	s9 =	sor.u32 $0xD0000000, s2;
	s6 =	simm.s32 $0x108;
	_ =	swait.ge @!p0 [sflag:s8], $0x0  }
0x24: {  	s3 =	sadd.s32 $0x88, s3;
	s6 =	simm.s32 @!p1 $0x1082;
	[sflag:s4] =	ssyncset.s32 $0xFFFFF086  }
0x25: {  	[simem:s6], [sflag:s4] =	dma.local [hbm:s3], $0xF7A  }
0x26: {  	[smem:$0x3F93] =	sst s1;
	(tag) =	ssettag s2;
	_ =	strace s9  }
0x27: {  	s1 =	sld [smem:$0x3FA3]  }
0x28: {  	s2 =	sld [smem:$0x3FA4]  }
0x29: {  	s4 =	sld [smem:$0x3FA6]  }
0x2a: {  	p0 =	seq.s32 s5, $0x0;
	s5 =	sld [smem:$0x3FA7]  }
0x2b: {  	s6 =	sld [smem:$0x3FA8]  }
0x2c: {  	s7 =	sld [smem:$0x3FA9]  }
0x2d: {  	s3 =	simm.s32 $0x108;
	s8 =	sld [smem:$0x3FAA]  }
0x2e: {  	s3 =	simm.s32 @!p0 $0x1082;
	s9 =	sld [smem:$0x3FAB]  }
0x2f: {  	lr =	sadd.s32 s0, s3;
	s0 =	sld [smem:$0x3FA2]  }
0x30: {  	s3 =	sld [smem:$0x3FA5]  }
0x31: {  	[smem:$0x3FAE] =	sst s10  }
0x32: {  	s10 =	sld [smem:$0x3FAC];
	_ =	sdelay $0x3  }
0x33: {  	p0 =	seq.s32 s10, $0x1;
	s10 =	sld [smem:$0x3FAE];
	_ =	sdelay $0x3  }
0x34: {  	[smem:$0x3FAE] =	sst s10  }
0x35: {  	s10 =	sld [smem:$0x3FAD];
	_ =	sdelay $0x3  }
0x36: {  	p1 =	seq.s32 s10, $0x1;
	s10 =	sld [smem:$0x3FAE];
	_ =	sdelay $0x3  }
0x37: {  	[smem:$0x3FAE] =	sst s10  }
0x38: {  	s10 =	sld [smem:$0x3FAF]  }
0x39: {  	_ = 	snop;
	(pc) =	sbr.ind lr, $3  }
0x3a: {  	_ = 	snop  }
0x3b: {  	_ = 	snop  }
0x3c: {  	p2 =	seq.s32 s10, $0x1;
	s10 =	sld [smem:$0x3FAE]  }
0x3d: {  	_ =	shalt  }
0x3e: {  	_ =	shalt  }
0x3f: {  	_ =	shalt  }
0x40: {  	_ =	shalt  }
0x41: {  	_ =	shalt  }
0x42: {  	_ =	shalt  }
0x43: {  	_ =	shalt  }
0x44: {  	_ =	shalt  }
0x45: {  	_ =	shalt  }
0x46: {  	_ =	shalt  }
0x47: {  	_ =	shalt  }
0x48: {  	_ =	shalt  }
0x49: {  	_ =	shalt  }
0x4a: {  	_ =	shalt  }
0x4b: {  	_ =	shalt  }
0x4c: {  	_ =	shalt  }
0x4d: {  	_ =	shalt  }
0x4e: {  	_ =	shalt  }
0x4f: {  	_ =	shalt  }
0x50: {  	_ =	shalt  }
0x51: {  	_ =	shalt  }
0x52: {  	_ =	shalt  }
0x53: {  	_ =	shalt  }
0x54: {  	_ =	shalt  }
0x55: {  	_ =	shalt  }
0x56: {  	_ =	shalt  }
0x57: {  	_ =	shalt  }
0x58: {  	_ =	shalt  }
0x59: {  	_ =	shalt  }
0x5a: {  	_ =	shalt  }
0x5b: {  	_ =	shalt  }
0x5c: {  	_ =	shalt  }
0x5d: {  	_ =	shalt  }
0x5e: {  	_ =	shalt  }
0x5f: {  	_ =	shalt  }
0x60: {  	_ =	shalt  }
0x61: {  	_ =	shalt  }
0x62: {  	_ =	shalt  }
0x63: {  	_ =	shalt  }
0x64: {  	_ =	shalt  }
0x65: {  	_ =	shalt  }
0x66: {  	_ =	shalt  }
0x67: {  	_ =	shalt  }
0x68: {  	_ =	shalt  }
0x69: {  	_ =	shalt  }
0x6a: {  	_ =	shalt  }
0x6b: {  	_ =	shalt  }
0x6c: {  	_ =	shalt  }
0x6d: {  	_ =	shalt  }
0x6e: {  	_ =	shalt  }
0x6f: {  	_ =	shalt  }
0x70: {  	_ =	shalt  }
0x71: {  	_ =	shalt  }
0x72: {  	_ =	shalt  }
0x73: {  	_ =	shalt  }
0x74: {  	_ =	shalt  }
0x75: {  	_ =	shalt  }
0x76: {  	_ =	shalt  }
0x77: {  	_ =	shalt  }
0x78: {  	_ =	shalt  }
0x79: {  	_ =	shalt  }
0x7a: {  	_ =	shalt  }
0x7b: {  	_ =	shalt  }
0x7c: {  	_ =	shalt  }
0x7d: {  	_ =	shalt  }
0x7e: {  	_ =	shalt  }
0x7f: {  	_ =	shalt  }
0x80: {  	_ =	shalt  }
0x81: {  	_ =	shalt  }
0x82: {  	_ =	shalt  }
0x83: {  	_ =	shalt  }
0x84: {  	_ =	shalt  }
0x85: {  	_ =	shalt  }
0x86: {  	_ =	shalt  }
0x87: {  	_ =	shalt  }
.Lfunc_end0:
.L_simem_size_0:
called_computation_lowered:
.L_overlay_start_0:
0x88: {  	s2 =	sld [smem:$0x3FD9]  }
0x89: {  	s3 =	sld [smem:$0x3FFE];
	_ =	sdelay $0x1  }
0x8a: {  	s1 =	srdreg.scid  }
0x8b: {  	s0 =	sand.u32 $0x1, s1  }
0x8c: {  	s17 =	sshll.u32 s0, $0xA;
	s2 =	sadd.s32 s3, s2  }
0x8d: {  	s2 =	sadd.s32 s2, s17  }
0x8e: {  	[smem:$0x3FBA] =	sst s2  }
0x8f: {  	_ = 	snop  }
0x90: {  	s2 =	sld [smem:$0x3FD0];
	(tm) =	ssettm $0x1  }
0x91: {  	s18 =	sld [smem:$0x3FFB];
	_ =	sdelay $0x3  }
0x92: {  	_ =	strace s18  }
0x93: {  	s3 =	sld [smem:$0x3FFC];
	_ =	sdelay $0x3  }
0x94: {  	_ =	strace s3  }
0x95: {  	s3 =	sld [smem:$0x3FFD];
	_ =	sdelay $0x3  }
0x96: {  	_ =	strace s3  }
0x97: {  	_ =	strace $0x8FFFFFFF  }
0x98: {  	s19 =	sld [smem:$0x3FDB];
	_ =	sdelay $0x1  }
0x99: {  	s4 =	simm.s32 $_scs_section_size  }
0x9a: {  	s5 =	simm.s32 $_size__tile_overlayer_lowered;
	s6 =	simm.s32 $_tile_overlayer_lowered  }
0x9b: {  	s22 =	simm.s32 $0x1BFF;
	s21 =	sshll.u32 s6, $0x1;
	s3 =	sadd.s32 s4, s19  }
0x9c: {  	s7 =	simm.s32 $0x0;
	s20 =	sshll.u32 s5, $0x1;
	s5 =	sadd.s32 s21, s3  }
0x9d: {  	[timem:s7], [sflag:s22] =	dma.local [hbm:s5], s20  }
0x9e: {  	_ =	swait.ge [sflag:s22], s20  }
0x9f: {  	s4 =	ssub.s32 $0x0, s20;
	[sflag:s22] =	ssyncset.done $0x0  }
0xa0: {  	[sflag:s22] =	ssyncadd.s32 s4;
	_ =	sdelay $0x1  }
0xa1: {  	s23 =	simm.s32 $0x1B8B  }
0xa2: {  	_ =	swait.ge [sflag:s23], $0x1  }
0xa3: {  	[sflag:s23] =	ssyncset.done $0x0  }
0xa4: {  	s25 =	simm.s32 $0x1B8E;
	s24 =	sld [smem:$0x3FFE];
	[sflag:s23] =	ssyncadd.s32 $0xFFFFFFFF  }
0xa5: {  	s26 =	simm.s32 $execute0_lowered;
	[smem:$0x3FD2] =	sst s25  }
0xa6: {  	s5 =	sshll.u32 s26, $0x1;
	_ =	strace $0x80000046;
	[dreg:$0x1] =	wrdreg $0xFFFFFFFF  }
0xa7: {  	s28 =	simm.s32 $_size_execute0_lowered;
	s3 =	sadd.s32 s3, s5;
	[dreg:$0x0] =	wrdreg $0x0  }
0xa8: {  	s5 =	sshll.u32 s28, $0x1;
	[dreg:$0x2] =	wrdreg s3  }
0xa9: {  	[dreg:$0x3] =	wrdreg s5  }
0xaa: {  	[dreg:$0x4] =	wrdreg $0xC0  }
0xab: {  	_ =	task [dreg:s7], $0x5FFFF  }
0xac: {  	[dreg:$0x1] =	wrdreg $0xFFFFFFFF  }
0xad: {  	[dreg:$0x0] =	wrdreg $0x60  }
0xae: {  	[dreg:$0x2] =	wrdreg s24  }
0xaf: {  	[dreg:$0x3] =	wrdreg s2  }
0xb0: {  	[dreg:$0x4] =	wrdreg $0xA0800  }
0xb1: {  	[dreg:$0x5] =	wrdreg $0xA3000  }
0xb2: {  	[dreg:$0x6] =	wrdreg $0x9  }
0xb3: {  	_ =	task.clear_ibuf [dreg:s7], $0x7FFFF;
	_ =	strace $0x90000046  }
0xb4: {  	s29 =	simm.s32 $0x9;
	_ =	strace $0x80000048  }
0xb5: {  	_ =	swait.ge [sflag:s29], $0x1  }
0xb6: {  	[sflag:s29] =	ssyncadd.s32 $0xFFFFFFFF  }
0xb7: {  	_ =	strace $0x90000048  }
0xb8: {  	_ =	sfence  }
0xb9: {  	s30 =	sld [smem:$0x0];
	_ =	sdelay $0x2  }
0xba: {  	s31 =	sshll.u32 s1, $0xD;
	s1 =	sshrl.u32 s1, $0x2  }
0xbb: {  	s3 =	sand.u32 $0x4000, s31;
	s1 =	sadd.s32 s1, s30  }
0xbc: {  	s0 =	sor.u32 s3, s0;
	s1 =	sshll.u32 s1, $0x11  }
0xbd: {  	s0 =	sor.u32 s1, s0  }
0xbe: {  	s0 =	sadd.s32 $0x8F2B, s0  }
0xbf: {  	[sflag:s0] =	ssyncadd.remote.s32 $0x1  }
0xc0: {  	_ =	sfence.sel $0xFFFF  }
0xc1: {  	[dreg:$0x0] =	wrdreg $0xFFFFFFFF;
	(pc) =	sbr.abs _section_cstart, $3  }
0xc2: {  	[dreg:$0x1] =	wrdreg $0xFFFFFFFF  }
0xc3: {  	_ =	task.clear_ibuf [dreg:s7], $0x2FFFF;
	_ =	strace $0x9FFFFFFF  }
0xc4: {  	(tm) =	ssettm $0x7FFFFFFF  }
0xc5: {  	_ =	shalt  }
tec
execute0_lowered:
.L_overlay_start_1:
0x0: {  	(tag) =	ssettag $0x1  }
0x1: {  	s4 =	rddreg [dreg:$0x0]  }
0x2: {  	s7 =	rddreg [dreg:$0x1]  }
0x3: {  	s1 =	srdreg.scid;
	s0 =	rddreg [dreg:$0x2]  }
0x4: {  	s16 =	stileid.u32;
	s2 =	rddreg [dreg:$0x3];
	s3 =	simm.s32 $0x0  }
0x5: {  	s12 =	simm.s32 $0x5000;
	s13 =	simm.s32 $0x1;
	s14 =	simm.s32 $0x7800  }
0x6: {  	s15 =	simm.s32 $0x2800;
	s17 =	simm.s32 $0xA000;
	s21 =	simm.s32 $0x0  }
0x7: {  	s5 =	sand.u32 $0x1, s1;
	s8 =	smul.u32 $0x2800, s16;
	s1 =	rddreg [dreg:$0x4]  }
0x8: {  	[smem:$0x7FF] =	sst s3;
	s9 =	sshll.u32 s16, $0xA;
	p0 =	sne.s32 s16, $0x0  }
0x9: {  	p1 =	sgt.u32 s16, $0x9;
	s6 =	smul.u32 $0x28000, s5;
	_ =	strace $0x80000047  }
0xa: {  	s31 =	smul.u32 $0x5000, s5;
	s5 =	ssub.s32 $0x2, s5;
	s19 =	sadd.s32 s9, s0  }
0xb: {  	s20 =	sadd.s32 s9, s2;
	s11 =	sshrl.u32 @!p0 s2, $0x3;
	s18 =	sshll.u32 @!p1 s16, $0x6  }
0xc: {  	s16 =	simm.s32 $0x50;
	s10 =	sshrl.u32 s5, $0x1;
	s18 =	sor.u32 @!p1 $0x1C01, s18  }
0xd: {  	s19 =	sshrl.u32 @!p1 s19, $0x3;
	s20 =	sshrl.u32 @!p1 s20, $0x3;
	s6 =	sadd.s32 s8, s6  }
0xe: {  	s8 =	sadd.s32 s9, s31;
	s10 =	ssub.s32 s5, s10;
	s6 =	sshrl.u32 s6, $0x3  }
0xf: {  	v0 =	vlaneseq.u32;
	s8 =	sshrl.u32 s8, $0x3;
	s9 =	smax.u32 s10, $0x1;
	s10 =	sshrl.u32 @!p0 s0, $0x3  }
0x10: {  	v5 =	vimm.f32 $1.000000000e+00;
	v1 =	vor.u32 $0x10, v0;
	s6 =	sadd.s32 s6, s4;
	s4 =	sadd.s32 $0x16A00, s4;
	s7 =	sadd.s32 s7, s8  }
0x11: {  	v2 =	vor.u32 $0x20, v0;
	v3 =	vor.u32 $0x30, v0;
	v4 =	vor.u32 $0x40, v0;
	s5 =	sadd.s32 $0x2A00, s6;
	s6 =	sadd.s32 $0xCA00, s6;
	s8 =	sadd.s32 $0x500, s7  }
.LBB2_1:
0x12: {  	s22 =	simm.s32 @!p0 $0x1C01;
	s23 =	simm.s32 @!p0 $0x1  }
0x13: {  	[spmem:s10], [sflag:s22] =	dma.local @!p0 [hbm:s4], $0x500  }
0x14: {  	_ =	swait.ge @!p0 [sflag:s23], $0x500  }
0x15: {  	[sflag:s23] =	ssyncset.done @!p0 $0x0  }
0x16: {  	[sflag:s23] =	ssyncadd.s32 @!p0 $0xFFFFFB00  }
0x17: {  	[spmem:s11], [sflag:s22] =	dma.local @!p0 [hbm:s4], $0x500  }
0x18: {  	_ =	swait.ge @!p0 [sflag:s23], $0x500  }
0x19: {  	[sflag:s23] =	ssyncset.done @!p0 $0x0  }
0x1a: {  	[sflag:s23] =	ssyncadd.s32 @!p0 $0xFFFFFB00  }
0x1b: {  	[tilespmem:s12], [sflag:$0x1] =	stream.linear.gather [hbm4b:s4+s3], $0x2800, $0x38;
	[tilespmem:$0xA580] =	vst v63  }
0x1c: {  	_ =	swait.ge [sflag:s13], $0x2800  }
0x1d: {  	[sflag:s13] =	ssyncset.done $0x0  }
0x1e: {  	[sflag:s13] =	ssyncadd.s32 $0xFFFFD800  }
0x1f: {  	[tilespmem:s14], [sflag:$0x1] =	stream.linear.gather [hbm4b:s4+s3], $0x2800, $0x38;
	[tilespmem:$0xA580] =	vst v63  }
0x20: {  	_ =	swait.ge [sflag:s13], $0x2800  }
0x21: {  	[sflag:s13] =	ssyncset.done $0x0  }
0x22: {  	[sflag:s13] =	ssyncadd.s32 $0xFFFFD800  }
0x23: {  	[tilespmem:s3], [sflag:$0x1] =	stream.linear.gather [hbm4b:s5+s3], $0x2780, $0x38;
	[tilespmem:$0xA580] =	vst v63  }
0x24: {  	_ =	swait.ge [sflag:s13], $0x2780  }
0x25: {  	[sflag:s13] =	ssyncset.done $0x0  }
0x26: {  	[sflag:s13] =	ssyncadd.s32 $0xFFFFD880  }
0x27: {  	[tilespmem:s15], [sflag:$0x1] =	stream.linear.gather [hbm4b:s6+s3], $0x2780, $0x38;
	[tilespmem:$0xA580] =	vst v63  }
0x28: {  	_ =	swait.ge [sflag:s13], $0x2780  }
0x29: {  	[sflag:s13] =	ssyncset.done $0x0  }
0x2a: {  	[sflag:s13] =	ssyncadd.s32 $0xFFFFD880  }
0x2b: {  	[tilespmem:$0xA000] =	vst v0  }
0x2c: {  	[tilespmem:$0xA010] =	vst v1  }
0x2d: {  	[tilespmem:$0xA020] =	vst v2  }
0x2e: {  	[tilespmem:$0xA030] =	vst v3  }
0x2f: {  	[tilespmem:$0xA040] =	vst v4  }
0x30: {  	s22 =	simm.s32 $0x40;
	s23 =	simm.s32 $0x0;
	[bflag:$0x0] =	sbarrier.arrive $0xFFFF  }
.LBB2_2:
0x31: {  	p2 =	sne.s32 s22, $0x9DC0;
	v6 =	vld [tilespmem:s23+$0x0];
	_ =	sdelay $0x7  }
0x32: {  	[tilespmem:v6+s12+$0x0] =	vst.idx.add.f32.msk $0xffff, v5  }
0x33: {  	v6 =	vld [tilespmem:s23+$0x2800];
	_ =	sdelay $0x3  }
.Ltmp0:
0x34: {  	(pc) =	sbr.rel @p2 .LBB2_2-.Ltmp0, $2  }
0x35: {  	_ =	sdelay $0x2  }
0x36: {  	s23 =	sshra.s32 s22, $0x2;
	s22 =	sadd.s32 $0x40, s22;
	[tilespmem:v6+s14+$0x0] =	vst.idx.add.f32.msk $0xffff, v5  }
0x37: {  	v6 =	vld [tilespmem:s23+$0x0];
	_ =	sdelay $0x7  }
0x38: {  	[tilespmem:v6+s12+$0x0] =	vst.idx.add.f32.msk $0xffff, v5  }
0x39: {  	v6 =	vld [tilespmem:s23+$0x2800];
	_ =	sdelay $0x7  }
0x3a: {  	[tilespmem:v6+s14+$0x0] =	vst.idx.add.f32.msk $0xffff, v5  }
0x3b: {  	[spmem:s0] =	stream.indirect.scatter.add.f32 [tilespmem:s12], [sflag:$0x1], $0x80, s17, s16, $0xb8;
	[tilespmem:$0xA580] =	vst v63  }
0x3c: {  	_ =	swait.ge [sflag:s13], $0x2800  }
0x3d: {  	[sflag:s13] =	ssyncset.done $0x0  }
0x3e: {  	[sflag:s13] =	ssyncadd.s32 $0xFFFFD800  }
0x3f: {  	[spmem:s2] =	stream.indirect.scatter.add.f32 [tilespmem:s14], [sflag:$0x1], $0x80, s17, s16, $0xb8;
	[tilespmem:$0xA580] =	vst v63  }
0x40: {  	_ =	swait.ge [sflag:s13], $0x2800  }
0x41: {  	[sflag:s13] =	ssyncset.done $0x0  }
0x42: {  	[sflag:s13] =	ssyncadd.s32 $0xFFFFD800  }
0x43: {  	s22 =	simm.s32 @!p1 $0x1;
	[bflag:$0x0] =	sbarrier.arrive $0xFFFF  }
0x44: {  	[hbm:s7], [sflag:s18] =	dma.local @!p1 [spmem:s19], $0x80  }
0x45: {  	s21 =	sadd.s32 $0x1, s21;
	_ =	swait.ge @!p1 [sflag:s22], $0x80  }
0x46: {  	p2 =	sne.s32 s21, s9;
	[sflag:s22] =	ssyncset.done @!p1 $0x0  }
.Ltmp1:
0x47: {  	[sflag:s22] =	ssyncadd.s32 @!p1 $0xFFFFFF80;
	(pc) =	sbr.rel @p2 .LBB2_1-.Ltmp1, $4  }
0x48: {  	[hbm:s8], [sflag:s18] =	dma.local @!p1 [spmem:s20], $0x80  }
0x49: {  	_ =	swait.ge @!p1 [sflag:s22], $0x80  }
0x4a: {  	[sflag:s22] =	ssyncset.done @!p1 $0x0  }
0x4b: {  	[sflag:s22] =	ssyncadd.s32 @!p1 $0xFFFFFF80  }
0x4c: {  	_ =	sfence.sel $0x180000  }
0x4d: {  	[bflag:$0x0] =	sbarrier.arrive $0xFFFF  }
0x4e: {  	_ =	strace $0x90000047  }
0x4f: {  	s0 =	sadd.s32 @!p0 $0x100000, s1;
	[bflag:$0x2] =	sbarrier.arrive $0xFFFF  }
0x50: {  	[sflag:s0] =	ssyncadd.tile.s32 @!p0 $0x1;
	_ =	shalt  }
.Lfunc_end2:
_tile_overlayer_lowered:
.L_overlay_start_2:
0x51: {  	(tag) =	ssettag $0x2  }
0x52: {  	s0 =	rddreg [dreg:$0x0];
	s2 =	stileid.u32  }
0x53: {  	s1 =	rddreg [dreg:$0x1];
	p0 =	sne.s32 s2, $0x0  }
0x54: {  	s3 =	rddreg [dreg:$0x2];
	[bflag:$0x3] =	sbarrier.arrive $0xFFFF;
	s2 =	simm.s32 @!p0 $0x1C01  }
0x55: {  	[timem:s3], [sflag:s2] =	dma.local @!p0 [hbm:s0], s1  }
0x56: {  	s0 =	simm.s32 @!p0 $0x1  }
0x57: {  	_ =	swait.ge @!p0 [sflag:s0], s1  }
0x58: {  	s1 =	ssub.s32 @!p0 $0x0, s1;
	[sflag:s0] =	ssyncset.done @!p0 $0x0  }
0x59: {  	[sflag:s0] =	ssyncadd.s32 @!p0 s1  }
0x5a: {  	[bflag:$0x3] =	sbarrier.arrive $0xFFFF  }
0x5b: {  	_ =	shalt  }

</sc_bundles>
